<compile_context>
chip_gen: v7x
topology: tpu7x:2x2x1
jax: 0.10.2.dev20260603
libtpu: 0.0.44.dev20260713+nightly
codegen_flags: <defaults>
</compile_context>

<pallas_src>
import functools
import math

import jax
import jax.numpy as jnp
from jax import lax
from jax.experimental import pallas as pl
from jax.experimental.pallas import tpu as pltpu
from jax.experimental.pallas import tpu_sc as plsc

EPS = 1e-3
NC, NS = 2, 16
NW = NC * NS
CH = 80


def _deg_pallas(src, zeros_hbm, n, npad, e):
    ept = e // NW
    nchunk = ept // CH
    rpt = npad // NS
    assert nchunk % 2 == 1 and nchunk >= 3
    mesh = plsc.VectorSubcoreMesh(core_axis_name="c", subcore_axis_name="s")

    @functools.partial(
        pl.kernel,
        out_type=jax.ShapeDtypeStruct((NC * npad, 128), jnp.float32),
        mesh=mesh,
        scratch_types=[
            pltpu.VMEM((2, CH), jnp.int32),
            pltpu.VMEM((CH, 128), jnp.float32),
            pltpu.VMEM_SHARED((npad, 128), jnp.float32),
            pltpu.SemaphoreType.DMA,
            pltpu.SemaphoreType.DMA,
        ],
    )
    def deg_kernel(src_hbm, z_hbm, out_hbm, idx_v, ones_v, acc, isem0, isem1):
        c = lax.axis_index("c")
        s = lax.axis_index("s")
        wid = c * NS + s
        sems = (isem0, isem1)

        def load(i, slot):
            base = pl.multiple_of(wid * ept + i * CH, 8)
            pltpu.async_copy(src_hbm.at[pl.ds(base, CH)], idx_v.at[slot],
                             sems[slot])

        def finish(i, slot):
            base = pl.multiple_of(wid * ept + i * CH, 8)
            pltpu.make_async_copy(src_hbm.at[pl.ds(base, CH)], idx_v.at[slot],
                                  sems[slot]).wait()
            pltpu.sync_copy(ones_v, acc.at[idx_v.at[slot]], add=True)

        def fill_ones(i, carry):
            for j in range(8):
                ones_v[i, pl.ds(j * 16, 16)] = jnp.ones((16,), jnp.float32)
            return carry

        lax.fori_loop(0, CH, fill_ones, 0)
        pltpu.sync_copy(z_hbm.at[pl.ds(s * rpt, rpt)], acc.at[pl.ds(s * rpt, rpt)])
        plsc.subcore_barrier()

        load(0, 0)

        def body(g, carry):
            i = g * 2
            load(i + 1, 1)
            finish(i, 0)
            load(i + 2, 0)
            finish(i + 1, 1)
            return carry

        lax.fori_loop(0, (nchunk - 1) // 2, body, 0)
        finish(nchunk - 1, 0)
        plsc.subcore_barrier()
        pltpu.sync_copy(acc.at[pl.ds(s * rpt, rpt)],
                        out_hbm.at[pl.ds(c * npad + s * rpt, rpt)])

    return deg_kernel(src, zeros_hbm).reshape(NC, npad, 128)


def _agg_pallas(y, dst, src, zeros_hbm, n, npad, e, h):
    ept = e // NW
    nchunk = ept // CH
    rpt = npad // NS
    nbuf = 4
    assert nchunk >= 2 * nbuf
    mesh = plsc.VectorSubcoreMesh(core_axis_name="c", subcore_axis_name="s")

    @functools.partial(
        pl.kernel,
        out_type=jax.ShapeDtypeStruct((NC * npad, h), jnp.float32),
        mesh=mesh,
        scratch_types=[
            pltpu.VMEM((nbuf, CH), jnp.int32),
            pltpu.VMEM((nbuf, CH), jnp.int32),
            pltpu.VMEM((nbuf, CH, h), jnp.float32),
            pltpu.VMEM_SHARED((npad, h), jnp.float32),
        ] + [pltpu.SemaphoreType.DMA] * nbuf,
    )
    def agg_kernel(y_hbm, dst_hbm, src_hbm, z_hbm, out_hbm,
                   dsti_v, srci_v, rows_v, acc, *sems):
        c = lax.axis_index("c")
        s = lax.axis_index("s")
        wid = c * NS + s

        def load_and_gather(i, slot):
            base = pl.multiple_of(wid * ept + i * CH, 8)
            pltpu.sync_copy(dst_hbm.at[pl.ds(base, CH)], dsti_v.at[slot])
            pltpu.sync_copy(src_hbm.at[pl.ds(base, CH)], srci_v.at[slot])
            pltpu.async_copy(y_hbm.at[dsti_v.at[slot]], rows_v.at[slot],
                             sems[slot])

        def finish(slot):
            pltpu.make_async_copy(y_hbm.at[dsti_v.at[slot]], rows_v.at[slot],
                                  sems[slot]).wait()
            pltpu.sync_copy(rows_v.at[slot], acc.at[srci_v.at[slot]], add=True)

        pltpu.sync_copy(z_hbm.at[pl.ds(s * rpt, rpt)], acc.at[pl.ds(s * rpt, rpt)])
        plsc.subcore_barrier()

        for k in range(nbuf - 1):
            load_and_gather(k, k)

        nmain = (nchunk - (nbuf - 1) - 1) // nbuf
        if nmain > 0:
            def body(g, carry):
                i = g * nbuf
                for b in range(nbuf):
                    load_and_gather(i + b + nbuf - 1, (b + nbuf - 1) % nbuf)
                    finish(b)
                return carry

            lax.fori_loop(0, nmain, body, 0)
        for i in range(nbuf * nmain, nchunk):
            if i + nbuf - 1 < nchunk:
                load_and_gather(i + nbuf - 1, (i + nbuf - 1) % nbuf)
            finish(i % nbuf)
        plsc.subcore_barrier()
        pltpu.sync_copy(acc.at[pl.ds(s * rpt, rpt)],
                        out_hbm.at[pl.ds(c * npad + s * rpt, rpt)])

    return agg_kernel(y, dst, src, zeros_hbm).reshape(NC, npad, h)


def _transform_pallas(x, w, b, deg_parts, n, d, h):
    rb = 1000
    nblk = n // rb

    def body(x_ref, w_ref, b_ref, d0_ref, d1_ref, y_ref, u_ref):
        t = jnp.dot(x_ref[...], w_ref[...],
                    preferred_element_type=jnp.float32) + b_ref[...]
        deg = (d0_ref[...][0] + d1_ref[...][0])[:, 0:1]
        y_ref[...] = t * lax.rsqrt(deg)
        u_ref[...] = (0.5 * deg) * t

    return pl.pallas_call(
        body,
        grid=(nblk,),
        in_specs=[
            pl.BlockSpec((rb, d), lambda i: (i, 0)),
            pl.BlockSpec((d, h), lambda i: (0, 0)),
            pl.BlockSpec((1, h), lambda i: (0, 0)),
            pl.BlockSpec((1, rb, 128), lambda i: (0, i, 0)),
            pl.BlockSpec((1, rb, 128), lambda i: (1, i, 0)),
        ],
        out_specs=[pl.BlockSpec((rb, h), lambda i: (i, 0))] * 2,
        out_shape=[jax.ShapeDtypeStruct((n, h), jnp.float32)] * 2,
    )(x, w, b.reshape(1, h), deg_parts, deg_parts)


def _combine_pallas(msg_parts, u, deg_parts, gamma, beta, n, h):
    rb = 1000
    nblk = n // rb
    inv_bn = 1.0 / math.sqrt(1.0 + EPS)

    def body(m0_ref, m1_ref, u_ref, d0_ref, d1_ref, g_ref, b_ref, o_ref):
        deg = (d0_ref[...][0] + d1_ref[...][0])[:, 0:1]
        scale = jnp.where(deg > 0, 0.5 * lax.rsqrt(deg), 0.0)
        m = m0_ref[...][0] + m1_ref[...][0]
        o_ref[...] = (m * scale + u_ref[...]) * (g_ref[...] * inv_bn) + b_ref[...]

    return pl.pallas_call(
        body,
        grid=(nblk,),
        in_specs=[
            pl.BlockSpec((1, rb, h), lambda i: (0, i, 0)),
            pl.BlockSpec((1, rb, h), lambda i: (1, i, 0)),
            pl.BlockSpec((rb, h), lambda i: (i, 0)),
            pl.BlockSpec((1, rb, 128), lambda i: (0, i, 0)),
            pl.BlockSpec((1, rb, 128), lambda i: (1, i, 0)),
            pl.BlockSpec((1, h), lambda i: (0, 0)),
            pl.BlockSpec((1, h), lambda i: (0, 0)),
        ],
        out_specs=pl.BlockSpec((rb, h), lambda i: (i, 0)),
        out_shape=jax.ShapeDtypeStruct((n, h), jnp.float32),
    )(msg_parts, msg_parts, u, deg_parts, deg_parts,
      gamma.reshape(1, h), beta.reshape(1, h))


def kernel(node_features, edge_index, W, b, gamma, beta):
    n, d = node_features.shape
    e = edge_index.shape[0]
    h = W.shape[1]
    npad = ((n + 128 * NS - 1) // (128 * NS)) * (128 * NS)
    src = edge_index[:, 0].astype(jnp.int32)
    dst = edge_index[:, 1].astype(jnp.int32)
    zeros_hbm = jnp.zeros((npad, 128), jnp.float32)

    deg_parts = _deg_pallas(src, zeros_hbm, n, npad, e)
    y, u = _transform_pallas(node_features, W, b, deg_parts, n, d, h)
    msg_parts = _agg_pallas(y, dst, src, zeros_hbm, n, npad, e, h)
    return _combine_pallas(msg_parts, u, deg_parts, gamma, beta, n, h)

# --- scband reference (transcript-rebuilt; emitter-appended) ---
"""Pipeline reference for scband-gcnrfpencode-33552284516502 (READ-ONLY COPY).

The authoritative reference and input builder live on the scoring server;
editing this copy changes nothing except your own understanding.
"""

import jax, jax.numpy as jnp
import numpy as np

N, E, D, H = 10000, 320000, 128, 128
EPS = 1e-3  # keras BatchNormalization default epsilon

def setup_inputs(seed: int = 0) -> dict:
    key = jax.random.key(seed)
    k1, k2, k3 = jax.random.split(key, 3)
    node_features = jax.random.normal(k1, (N, D), dtype=jnp.float32)
    edge_index = jax.random.randint(k2, (E, 2), 0, N)
    # glorot_uniform kernel
    limit = float(np.sqrt(6.0 / (D + H)))
    W = jax.random.uniform(k3, (D, H), dtype=jnp.float32, minval=-limit, maxval=limit)
    b = jnp.zeros((H,), dtype=jnp.float32)
    gamma = jnp.ones((H,), dtype=jnp.float32)
    beta = jnp.zeros((H,), dtype=jnp.float32)
    return {"node_features": node_features, "edge_index": edge_index, "W": W, "b": b, "gamma": gamma, "beta": beta}

def reference(node_features, edge_index, W, b, gamma, beta):
    # inference mode: dropout is identity; batch_norm uses moving stats (mean=0, var=1)
    src = edge_index[:, 0]
    dst = edge_index[:, 1]
    n = node_features.shape[0]
    transformed = node_features @ W + b
    neighbour = jnp.take(transformed, dst, axis=0)
    source_f = jnp.take(transformed, src, axis=0)
    ones_deg = jnp.ones((edge_index.shape[0],), dtype=jnp.float32)
    node_degree_ = jax.ops.segment_sum(ones_deg, src, num_segments=n)
    node_degree = jnp.power(node_degree_, -0.5)
    start_degree = jnp.take(node_degree, src)
    end_degree = jnp.take(node_degree, dst)
    source_degree = jnp.take(node_degree_, src)[:, None]
    neighbour = neighbour * start_degree[:, None]
    neighbour = neighbour * end_degree[:, None]
    agg = 0.5 * jax.ops.segment_sum(neighbour, src, num_segments=n)
    seg_sum = jax.ops.segment_sum(source_degree * source_f, src, num_segments=n)
    cnt = node_degree_[:, None]
    seg_mean = jnp.where(cnt > 0, seg_sum / jnp.maximum(cnt, 1.0), 0.0)
    agg = agg + 0.5 * seg_mean
    # batch norm (inference): moving_mean=0, moving_var=1
    out = (agg - 0.0) / jnp.sqrt(1.0 + EPS) * gamma + beta
    return out

if __name__ == "__main__":
    import jax
    _d = setup_inputs()
    print(jax.jit(kernel)(*tuple(_d.values())))

</pallas_src>

<mosaic_0001>
#map = affine_map<(d0, d1) -> (0)>
#map1 = affine_map<(d0, d1) -> (0, 0)>
module attributes {stable_mosaic.version = 14 : i64} {
  func.func @deg_kernel(%arg0: i32, %arg1: i32, %arg2: memref<320000xi32, #tpu.memory_space<hbm>>, %arg3: memref<10240x128xf32, #tpu.memory_space<hbm>>, %arg4: memref<20480x128xf32, #tpu.memory_space<hbm>>, %arg5: memref<2x80xi32, #tpu.memory_space<vmem>>, %arg6: memref<80x128xf32, #tpu.memory_space<vmem>>, %arg7: memref<10240x128xf32, #tpu.memory_space<vmem_shared>>, %arg8: memref<!tpu.dma_semaphore, #tpu.memory_space<semaphore_mem>>, %arg9: memref<!tpu.dma_semaphore, #tpu.memory_space<semaphore_mem>>) attributes {dimension_semantics = [#tpu.dimension_semantics<core_parallel>, #tpu.dimension_semantics<subcore_parallel>], iteration_bounds = array<i64: 2, 16>, scalar_prefetch = 0 : i64, scratch_operands = 5 : i64, tpu.core_type = #tpu.core_type<sc_vector_subcore>, window_params = [{transform_indices = #map}, {transform_indices = #map1}, {transform_indices = #map1}]} {
    %mul3A = arith.constant 16 : i32
    %mul3A_0 = arith.muli %arg0, %mul3A : i32
    %add3A = arith.addi %mul3A_0, %arg1 : i32
    %scan3A = arith.constant 0 : i32
    %scan3A_1 = arith.constant 0 : i32
    %scan3A_2 = arith.constant 80 : i32
    %scan3A_3 = arith.addi %scan3A_1, %scan3A_2 : i32
    %scan3A_4 = arith.constant 1 : i32
    scf.for %scan3A_49 = %scan3A_1 to %scan3A_3 step %scan3A_4  : i32 {
      %broadcast_in_dim3A = arith.constant 1.000000e+00 : f32
      %broadcast_in_dim3A_50 = vector.broadcast %broadcast_in_dim3A : f32 to vector<16xf32>
      %swap3A = arith.index_cast %scan3A_49 : i32 to index
      %swap3A_51 = arith.constant 0 : index
      %swap3A_52 = tpu.vector_load %arg6[%swap3A, %swap3A_51] {strides = array<i32>} : memref<80x128xf32, #tpu.memory_space<vmem>>, vector<1x16xf32>,
      %swap3A_53 = vector.shape_cast %swap3A_52 : vector<1x16xf32> to vector<16xf32>
      %swap3A_54 = vector.shape_cast %broadcast_in_dim3A_50 : vector<16xf32> to vector<1x16xf32>
      tpu.vector_store %arg6[%swap3A, %swap3A_51], %swap3A_54 {strides = array<i32>} : memref<80x128xf32, #tpu.memory_space<vmem>>, vector<1x16xf32>,
      %broadcast_in_dim3A_55 = arith.constant 1.000000e+00 : f32
      %broadcast_in_dim3A_56 = vector.broadcast %broadcast_in_dim3A_55 : f32 to vector<16xf32>
      %swap3A_57 = arith.index_cast %scan3A_49 : i32 to index
      %swap3A_58 = arith.constant 16 : index
      %swap3A_59 = tpu.vector_load %arg6[%swap3A_57, %swap3A_58] {strides = array<i32>} : memref<80x128xf32, #tpu.memory_space<vmem>>, vector<1x16xf32>,
      %swap3A_60 = vector.shape_cast %swap3A_59 : vector<1x16xf32> to vector<16xf32>
      %swap3A_61 = vector.shape_cast %broadcast_in_dim3A_56 : vector<16xf32> to vector<1x16xf32>
      tpu.vector_store %arg6[%swap3A_57, %swap3A_58], %swap3A_61 {strides = array<i32>} : memref<80x128xf32, #tpu.memory_space<vmem>>, vector<1x16xf32>,
      %broadcast_in_dim3A_62 = arith.constant 1.000000e+00 : f32
      %broadcast_in_dim3A_63 = vector.broadcast %broadcast_in_dim3A_62 : f32 to vector<16xf32>
      %swap3A_64 = arith.index_cast %scan3A_49 : i32 to index
      %swap3A_65 = arith.constant 32 : index
      %swap3A_66 = tpu.vector_load %arg6[%swap3A_64, %swap3A_65] {strides = array<i32>} : memref<80x128xf32, #tpu.memory_space<vmem>>, vector<1x16xf32>,
      %swap3A_67 = vector.shape_cast %swap3A_66 : vector<1x16xf32> to vector<16xf32>
      %swap3A_68 = vector.shape_cast %broadcast_in_dim3A_63 : vector<16xf32> to vector<1x16xf32>
      tpu.vector_store %arg6[%swap3A_64, %swap3A_65], %swap3A_68 {strides = array<i32>} : memref<80x128xf32, #tpu.memory_space<vmem>>, vector<1x16xf32>,
      %broadcast_in_dim3A_69 = arith.constant 1.000000e+00 : f32
      %broadcast_in_dim3A_70 = vector.broadcast %broadcast_in_dim3A_69 : f32 to vector<16xf32>
      %swap3A_71 = arith.index_cast %scan3A_49 : i32 to index
      %swap3A_72 = arith.constant 48 : index
      %swap3A_73 = tpu.vector_load %arg6[%swap3A_71, %swap3A_72] {strides = array<i32>} : memref<80x128xf32, #tpu.memory_space<vmem>>, vector<1x16xf32>,
      %swap3A_74 = vector.shape_cast %swap3A_73 : vector<1x16xf32> to vector<16xf32>
      %swap3A_75 = vector.shape_cast %broadcast_in_dim3A_70 : vector<16xf32> to vector<1x16xf32>
      tpu.vector_store %arg6[%swap3A_71, %swap3A_72], %swap3A_75 {strides = array<i32>} : memref<80x128xf32, #tpu.memory_space<vmem>>, vector<1x16xf32>,
      %broadcast_in_dim3A_76 = arith.constant 1.000000e+00 : f32
      %broadcast_in_dim3A_77 = vector.broadcast %broadcast_in_dim3A_76 : f32 to vector<16xf32>
      %swap3A_78 = arith.index_cast %scan3A_49 : i32 to index
      %swap3A_79 = arith.constant 64 : index
      %swap3A_80 = tpu.vector_load %arg6[%swap3A_78, %swap3A_79] {strides = array<i32>} : memref<80x128xf32, #tpu.memory_space<vmem>>, vector<1x16xf32>,
      %swap3A_81 = vector.shape_cast %swap3A_80 : vector<1x16xf32> to vector<16xf32>
      %swap3A_82 = vector.shape_cast %broadcast_in_dim3A_77 : vector<16xf32> to vector<1x16xf32>
      tpu.vector_store %arg6[%swap3A_78, %swap3A_79], %swap3A_82 {strides = array<i32>} : memref<80x128xf32, #tpu.memory_space<vmem>>, vector<1x16xf32>,
      %broadcast_in_dim3A_83 = arith.constant 1.000000e+00 : f32
      %broadcast_in_dim3A_84 = vector.broadcast %broadcast_in_dim3A_83 : f32 to vector<16xf32>
      %swap3A_85 = arith.index_cast %scan3A_49 : i32 to index
      %swap3A_86 = arith.constant 80 : index
      %swap3A_87 = tpu.vector_load %arg6[%swap3A_85, %swap3A_86] {strides = array<i32>} : memref<80x128xf32, #tpu.memory_space<vmem>>, vector<1x16xf32>,
      %swap3A_88 = vector.shape_cast %swap3A_87 : vector<1x16xf32> to vector<16xf32>
      %swap3A_89 = vector.shape_cast %broadcast_in_dim3A_84 : vector<16xf32> to vector<1x16xf32>
      tpu.vector_store %arg6[%swap3A_85, %swap3A_86], %swap3A_89 {strides = array<i32>} : memref<80x128xf32, #tpu.memory_space<vmem>>, vector<1x16xf32>,
      %broadcast_in_dim3A_90 = arith.constant 1.000000e+00 : f32
      %broadcast_in_dim3A_91 = vector.broadcast %broadcast_in_dim3A_90 : f32 to vector<16xf32>
      %swap3A_92 = arith.index_cast %scan3A_49 : i32 to index
      %swap3A_93 = arith.constant 96 : index
      %swap3A_94 = tpu.vector_load %arg6[%swap3A_92, %swap3A_93] {strides = array<i32>} : memref<80x128xf32, #tpu.memory_space<vmem>>, vector<1x16xf32>,
      %swap3A_95 = vector.shape_cast %swap3A_94 : vector<1x16xf32> to vector<16xf32>
      %swap3A_96 = vector.shape_cast %broadcast_in_dim3A_91 : vector<16xf32> to vector<1x16xf32>
      tpu.vector_store %arg6[%swap3A_92, %swap3A_93], %swap3A_96 {strides = array<i32>} : memref<80x128xf32, #tpu.memory_space<vmem>>, vector<1x16xf32>,
      %broadcast_in_dim3A_97 = arith.constant 1.000000e+00 : f32
      %broadcast_in_dim3A_98 = vector.broadcast %broadcast_in_dim3A_97 : f32 to vector<16xf32>
      %swap3A_99 = arith.index_cast %scan3A_49 : i32 to index
      %swap3A_100 = arith.constant 112 : index
      %swap3A_101 = tpu.vector_load %arg6[%swap3A_99, %swap3A_100] {strides = array<i32>} : memref<80x128xf32, #tpu.memory_space<vmem>>, vector<1x16xf32>,
      %swap3A_102 = vector.shape_cast %swap3A_101 : vector<1x16xf32> to vector<16xf32>
      %swap3A_103 = vector.shape_cast %broadcast_in_dim3A_98 : vector<16xf32> to vector<1x16xf32>
      tpu.vector_store %arg6[%swap3A_99, %swap3A_100], %swap3A_103 {strides = array<i32>} : memref<80x128xf32, #tpu.memory_space<vmem>>, vector<1x16xf32>,
    }
    %scan3A_5 = arith.constant 80 : i32
    %mul3A_6 = arith.constant 640 : i32
    %mul3A_7 = arith.muli %arg1, %mul3A_6 : i32
    %mul3A_8 = arith.constant 640 : i32
    %mul3A_9 = arith.muli %arg1, %mul3A_8 : i32
    "tpu.region"() ({
      %run_scoped3A_49 = tpu.sem_alloc : memref<!tpu.dma_semaphore, #tpu.memory_space<semaphore_mem>>
      %dma_start3A_50 = arith.constant 0 : i32
      %dma_start3A_51 = tpu.memref_slice %arg7[%mul3A_9, %dma_start3A_50] : memref<10240x128xf32, #tpu.memory_space<vmem_shared>> -> memref<640x128xf32, #tpu.memory_space<vmem_shared>>
      %dma_start3A_52 = arith.constant 0 : i32
      %dma_start3A_53 = tpu.memref_slice %arg3[%mul3A_7, %dma_start3A_52] : memref<10240x128xf32, #tpu.memory_space<hbm>> -> memref<640x128xf32, #tpu.memory_space<hbm>>
      tpu.enqueue_dma source(%dma_start3A_53 : memref<640x128xf32, #tpu.memory_space<hbm>>) target(%dma_start3A_51 : memref<640x128xf32, #tpu.memory_space<vmem_shared>>) target_semaphore(%run_scoped3A_49 : memref<!tpu.dma_semaphore, #tpu.memory_space<semaphore_mem>>)
      %dma_wait3A_54 = arith.constant 0 : i32
      %dma_wait3A_55 = tpu.memref_slice %arg7[%mul3A_9, %dma_wait3A_54] : memref<10240x128xf32, #tpu.memory_space<vmem_shared>> -> memref<640x128xf32, #tpu.memory_space<vmem_shared>>
      %dma_wait3A_56 = arith.constant 0 : i32
      %dma_wait3A_57 = tpu.memref_slice %arg3[%mul3A_7, %dma_wait3A_56] : memref<10240x128xf32, #tpu.memory_space<hbm>> -> memref<640x128xf32, #tpu.memory_space<hbm>>
      tpu.wait_dma2 semaphore(%run_scoped3A_49 : memref<!tpu.dma_semaphore, #tpu.memory_space<semaphore_mem>>) src(%dma_wait3A_57 : memref<640x128xf32, #tpu.memory_space<hbm>>) dst(%dma_wait3A_55 : memref<640x128xf32, #tpu.memory_space<vmem_shared>>)
      tpu.yield
    }) : () -> ()
    %barrier3A = arith.constant 0 : index
    tpu.barrier barrier_id(%barrier3A)
    %mul3A_10 = arith.constant 10000 : i32
    %mul3A_11 = arith.muli %add3A, %mul3A_10 : i32
    %add3A_12 = arith.constant 0 : i32
    %add3A_13 = arith.addi %mul3A_11, %add3A_12 : i32
    %multiple_of3A = tpu.assume_multiple %add3A_13, 8 : i32
    %dma_start3A = arith.constant 0 : i32
    %dma_start3A_14 = arith.constant 0 : i32
    %dma_start3A_15 = tpu.memref_slice %arg5[%dma_start3A, %dma_start3A_14] : memref<2x80xi32, #tpu.memory_space<vmem>> -> memref<1x80xi32, #tpu.memory_space<vmem>>
    %dma_start3A_16 = tpu.memref_squeeze %dma_start3A_15 : memref<1x80xi32, #tpu.memory_space<vmem>> -> memref<80xi32, #tpu.memory_space<vmem>>
    %dma_start3A_17 = tpu.memref_slice %arg2[%multiple_of3A] : memref<320000xi32, #tpu.memory_space<hbm>> -> memref<80xi32, #tpu.memory_space<hbm>>
    %dma_start3A_18 = arith.constant 0 : i32
    %dma_start3A_19 = tpu.memref_slice %arg5[%dma_start3A, %dma_start3A_18] : memref<2x80xi32, #tpu.memory_space<vmem>> -> memref<1x80xi32, #tpu.memory_space<vmem>>
    %dma_start3A_20 = tpu.memref_squeeze %dma_start3A_19 : memref<1x80xi32, #tpu.memory_space<vmem>> -> memref<80xi32, #tpu.memory_space<vmem>>
    %dma_start3A_21 = tpu.memref_slice %arg2[%multiple_of3A] : memref<320000xi32, #tpu.memory_space<hbm>> -> memref<80xi32, #tpu.memory_space<hbm>>
    tpu.enqueue_dma source(%dma_start3A_21 : memref<80xi32, #tpu.memory_space<hbm>>) target(%dma_start3A_20 : memref<80xi32, #tpu.memory_space<vmem>>) target_semaphore(%arg8 : memref<!tpu.dma_semaphore, #tpu.memory_space<semaphore_mem>>)
    %scan3A_22 = arith.constant 0 : i32
    %scan3A_23 = arith.constant 0 : i32
    %scan3A_24 = arith.constant 62 : i32
    %scan3A_25 = arith.addi %scan3A_23, %scan3A_24 : i32
    %scan3A_26 = arith.constant 1 : i32
    scf.for %scan3A_49 = %scan3A_23 to %scan3A_25 step %scan3A_26  : i32 {
      %mul3A_50 = arith.constant 2 : i32
      %mul3A_51 = arith.muli %scan3A_49, %mul3A_50 : i32
      %add3A_52 = arith.constant 1 : i32
      %add3A_53 = arith.addi %mul3A_51, %add3A_52 : i32
      %mul3A_54 = arith.constant 10000 : i32
      %mul3A_55 = arith.muli %add3A, %mul3A_54 : i32
      %mul3A_56 = arith.constant 80 : i32
      %mul3A_57 = arith.muli %add3A_53, %mul3A_56 : i32
      %add3A_58 = arith.addi %mul3A_55, %mul3A_57 : i32
      %multiple_of3A_59 = tpu.assume_multiple %add3A_58, 8 : i32
      %dma_start3A_60 = arith.constant 1 : i32
      %dma_start3A_61 = arith.constant 0 : i32
      %dma_start3A_62 = tpu.memref_slice %arg5[%dma_start3A_60, %dma_start3A_61] : memref<2x80xi32, #tpu.memory_space<vmem>> -> memref<1x80xi32, #tpu.memory_space<vmem>>
      %dma_start3A_63 = tpu.memref_squeeze %dma_start3A_62 : memref<1x80xi32, #tpu.memory_space<vmem>> -> memref<80xi32, #tpu.memory_space<vmem>>
      %dma_start3A_64 = tpu.memref_slice %arg2[%multiple_of3A_59] : memref<320000xi32, #tpu.memory_space<hbm>> -> memref<80xi32, #tpu.memory_space<hbm>>
      %dma_start3A_65 = arith.constant 0 : i32
      %dma_start3A_66 = tpu.memref_slice %arg5[%dma_start3A_60, %dma_start3A_65] : memref<2x80xi32, #tpu.memory_space<vmem>> -> memref<1x80xi32, #tpu.memory_space<vmem>>
      %dma_start3A_67 = tpu.memref_squeeze %dma_start3A_66 : memref<1x80xi32, #tpu.memory_space<vmem>> -> memref<80xi32, #tpu.memory_space<vmem>>
      %dma_start3A_68 = tpu.memref_slice %arg2[%multiple_of3A_59] : memref<320000xi32, #tpu.memory_space<hbm>> -> memref<80xi32, #tpu.memory_space<hbm>>
      tpu.enqueue_dma source(%dma_start3A_68 : memref<80xi32, #tpu.memory_space<hbm>>) target(%dma_start3A_67 : memref<80xi32, #tpu.memory_space<vmem>>) target_semaphore(%arg9 : memref<!tpu.dma_semaphore, #tpu.memory_space<semaphore_mem>>)
      %mul3A_69 = arith.constant 10000 : i32
      %mul3A_70 = arith.muli %add3A, %mul3A_69 : i32
      %mul3A_71 = arith.constant 80 : i32
      %mul3A_72 = arith.muli %mul3A_51, %mul3A_71 : i32
      %add3A_73 = arith.addi %mul3A_70, %mul3A_72 : i32
      %multiple_of3A_74 = tpu.assume_multiple %add3A_73, 8 : i32
      %dma_wait3A_75 = arith.constant 0 : i32
      %dma_wait3A_76 = arith.constant 0 : i32
      %dma_wait3A_77 = tpu.memref_slice %arg5[%dma_wait3A_75, %dma_wait3A_76] : memref<2x80xi32, #tpu.memory_space<vmem>> -> memref<1x80xi32, #tpu.memory_space<vmem>>
      %dma_wait3A_78 = tpu.memref_squeeze %dma_wait3A_77 : memref<1x80xi32, #tpu.memory_space<vmem>> -> memref<80xi32, #tpu.memory_space<vmem>>
      %dma_wait3A_79 = tpu.memref_slice %arg2[%multiple_of3A_74] : memref<320000xi32, #tpu.memory_space<hbm>> -> memref<80xi32, #tpu.memory_space<hbm>>
      %dma_wait3A_80 = arith.constant 0 : i32
      %dma_wait3A_81 = tpu.memref_slice %arg5[%dma_wait3A_75, %dma_wait3A_80] : memref<2x80xi32, #tpu.memory_space<vmem>> -> memref<1x80xi32, #tpu.memory_space<vmem>>
      %dma_wait3A_82 = tpu.memref_squeeze %dma_wait3A_81 : memref<1x80xi32, #tpu.memory_space<vmem>> -> memref<80xi32, #tpu.memory_space<vmem>>
      %dma_wait3A_83 = tpu.memref_slice %arg2[%multiple_of3A_74] : memref<320000xi32, #tpu.memory_space<hbm>> -> memref<80xi32, #tpu.memory_space<hbm>>
      tpu.wait_dma2 semaphore(%arg8 : memref<!tpu.dma_semaphore, #tpu.memory_space<semaphore_mem>>) src(%dma_wait3A_83 : memref<80xi32, #tpu.memory_space<hbm>>) dst(%dma_wait3A_82 : memref<80xi32, #tpu.memory_space<vmem>>)
      %run_scoped3A_84 = arith.constant 0 : i32
      "tpu.region"() ({
        %run_scoped3A_120 = tpu.sem_alloc : memref<!tpu.dma_semaphore, #tpu.memory_space<semaphore_mem>>
        %dma_start3A_121 = arith.constant 0 : i32
        %dma_start3A_122 = tpu.memref_slice %arg5[%run_scoped3A_84, %dma_start3A_121] : memref<2x80xi32, #tpu.memory_space<vmem>> -> memref<1x80xi32, #tpu.memory_space<vmem>>
        %dma_start3A_123 = tpu.memref_squeeze %dma_start3A_122 : memref<1x80xi32, #tpu.memory_space<vmem>> -> memref<80xi32, #tpu.memory_space<vmem>>
        %dma_start3A_124 = arith.constant 0 : i32
        %dma_start3A_125 = arith.constant 0 : i32
        %dma_start3A_126 = tpu.memref_slice %arg7[%dma_start3A_124, %dma_start3A_125] : memref<10240x128xf32, #tpu.memory_space<vmem_shared>> -> memref<10240x128xf32, #tpu.memory_space<vmem_shared>>
        tpu.enqueue_indirect_dma source(%arg6 : memref<80x128xf32, #tpu.memory_space<vmem>>) target(%dma_start3A_126 : memref<10240x128xf32, #tpu.memory_space<vmem_shared>>) offsets(%dma_start3A_123 : memref<80xi32, #tpu.memory_space<vmem>>) semaphore(%run_scoped3A_120 : memref<!tpu.dma_semaphore, #tpu.memory_space<semaphore_mem>>) {add = true}
        %dma_wait3A_127 = arith.constant 0 : i32
        %dma_wait3A_128 = tpu.memref_slice %arg5[%run_scoped3A_84, %dma_wait3A_127] : memref<2x80xi32, #tpu.memory_space<vmem>> -> memref<1x80xi32, #tpu.memory_space<vmem>>
        %dma_wait3A_129 = tpu.memref_squeeze %dma_wait3A_128 : memref<1x80xi32, #tpu.memory_space<vmem>> -> memref<80xi32, #tpu.memory_space<vmem>>
        %dma_wait3A_130 = arith.constant 0 : i32
        %dma_wait3A_131 = arith.constant 0 : i32
        %dma_wait3A_132 = tpu.memref_slice %arg7[%dma_wait3A_130, %dma_wait3A_131] : memref<10240x128xf32, #tpu.memory_space<vmem_shared>> -> memref<10240x128xf32, #tpu.memory_space<vmem_shared>>
        tpu.wait_indirect_dma semaphore(%run_scoped3A_120 : memref<!tpu.dma_semaphore, #tpu.memory_space<semaphore_mem>>) src(%arg6 : memref<80x128xf32, #tpu.memory_space<vmem>>) dst(%dma_wait3A_132 : memref<10240x128xf32, #tpu.memory_space<vmem_shared>>)
        tpu.yield
      }) : () -> ()
      %add3A_85 = arith.constant 2 : i32
      %add3A_86 = arith.addi %mul3A_51, %add3A_85 : i32
      %mul3A_87 = arith.constant 10000 : i32
      %mul3A_88 = arith.muli %add3A, %mul3A_87 : i32
      %mul3A_89 = arith.constant 80 : i32
      %mul3A_90 = arith.muli %add3A_86, %mul3A_89 : i32
      %add3A_91 = arith.addi %mul3A_88, %mul3A_90 : i32
      %multiple_of3A_92 = tpu.assume_multiple %add3A_91, 8 : i32
      %dma_start3A_93 = arith.constant 0 : i32
      %dma_start3A_94 = arith.constant 0 : i32
      %dma_start3A_95 = tpu.memref_slice %arg5[%dma_start3A_93, %dma_start3A_94] : memref<2x80xi32, #tpu.memory_space<vmem>> -> memref<1x80xi32, #tpu.memory_space<vmem>>
      %dma_start3A_96 = tpu.memref_squeeze %dma_start3A_95 : memref<1x80xi32, #tpu.memory_space<vmem>> -> memref<80xi32, #tpu.memory_space<vmem>>
      %dma_start3A_97 = tpu.memref_slice %arg2[%multiple_of3A_92] : memref<320000xi32, #tpu.memory_space<hbm>> -> memref<80xi32, #tpu.memory_space<hbm>>
      %dma_start3A_98 = arith.constant 0 : i32
      %dma_start3A_99 = tpu.memref_slice %arg5[%dma_start3A_93, %dma_start3A_98] : memref<2x80xi32, #tpu.memory_space<vmem>> -> memref<1x80xi32, #tpu.memory_space<vmem>>
      %dma_start3A_100 = tpu.memref_squeeze %dma_start3A_99 : memref<1x80xi32, #tpu.memory_space<vmem>> -> memref<80xi32, #tpu.memory_space<vmem>>
      %dma_start3A_101 = tpu.memref_slice %arg2[%multiple_of3A_92] : memref<320000xi32, #tpu.memory_space<hbm>> -> memref<80xi32, #tpu.memory_space<hbm>>
      tpu.enqueue_dma source(%dma_start3A_101 : memref<80xi32, #tpu.memory_space<hbm>>) target(%dma_start3A_100 : memref<80xi32, #tpu.memory_space<vmem>>) target_semaphore(%arg8 : memref<!tpu.dma_semaphore, #tpu.memory_space<semaphore_mem>>)
      %add3A_102 = arith.constant 1 : i32
      %add3A_103 = arith.addi %mul3A_51, %add3A_102 : i32
      %mul3A_104 = arith.constant 10000 : i32
      %mul3A_105 = arith.muli %add3A, %mul3A_104 : i32
      %mul3A_106 = arith.constant 80 : i32
      %mul3A_107 = arith.muli %add3A_103, %mul3A_106 : i32
      %add3A_108 = arith.addi %mul3A_105, %mul3A_107 : i32
      %multiple_of3A_109 = tpu.assume_multiple %add3A_108, 8 : i32
      %dma_wait3A_110 = arith.constant 1 : i32
      %dma_wait3A_111 = arith.constant 0 : i32
      %dma_wait3A_112 = tpu.memref_slice %arg5[%dma_wait3A_110, %dma_wait3A_111] : memref<2x80xi32, #tpu.memory_space<vmem>> -> memref<1x80xi32, #tpu.memory_space<vmem>>
      %dma_wait3A_113 = tpu.memref_squeeze %dma_wait3A_112 : memref<1x80xi32, #tpu.memory_space<vmem>> -> memref<80xi32, #tpu.memory_space<vmem>>
      %dma_wait3A_114 = tpu.memref_slice %arg2[%multiple_of3A_109] : memref<320000xi32, #tpu.memory_space<hbm>> -> memref<80xi32, #tpu.memory_space<hbm>>
      %dma_wait3A_115 = arith.constant 0 : i32
      %dma_wait3A_116 = tpu.memref_slice %arg5[%dma_wait3A_110, %dma_wait3A_115] : memref<2x80xi32, #tpu.memory_space<vmem>> -> memref<1x80xi32, #tpu.memory_space<vmem>>
      %dma_wait3A_117 = tpu.memref_squeeze %dma_wait3A_116 : memref<1x80xi32, #tpu.memory_space<vmem>> -> memref<80xi32, #tpu.memory_space<vmem>>
      %dma_wait3A_118 = tpu.memref_slice %arg2[%multiple_of3A_109] : memref<320000xi32, #tpu.memory_space<hbm>> -> memref<80xi32, #tpu.memory_space<hbm>>
      tpu.wait_dma2 semaphore(%arg9 : memref<!tpu.dma_semaphore, #tpu.memory_space<semaphore_mem>>) src(%dma_wait3A_118 : memref<80xi32, #tpu.memory_space<hbm>>) dst(%dma_wait3A_117 : memref<80xi32, #tpu.memory_space<vmem>>)
      %run_scoped3A_119 = arith.constant 1 : i32
      "tpu.region"() ({
        %run_scoped3A_120 = tpu.sem_alloc : memref<!tpu.dma_semaphore, #tpu.memory_space<semaphore_mem>>
        %dma_start3A_121 = arith.constant 0 : i32
        %dma_start3A_122 = tpu.memref_slice %arg5[%run_scoped3A_119, %dma_start3A_121] : memref<2x80xi32, #tpu.memory_space<vmem>> -> memref<1x80xi32, #tpu.memory_space<vmem>>
        %dma_start3A_123 = tpu.memref_squeeze %dma_start3A_122 : memref<1x80xi32, #tpu.memory_space<vmem>> -> memref<80xi32, #tpu.memory_space<vmem>>
        %dma_start3A_124 = arith.constant 0 : i32
        %dma_start3A_125 = arith.constant 0 : i32
        %dma_start3A_126 = tpu.memref_slice %arg7[%dma_start3A_124, %dma_start3A_125] : memref<10240x128xf32, #tpu.memory_space<vmem_shared>> -> memref<10240x128xf32, #tpu.memory_space<vmem_shared>>
        tpu.enqueue_indirect_dma source(%arg6 : memref<80x128xf32, #tpu.memory_space<vmem>>) target(%dma_start3A_126 : memref<10240x128xf32, #tpu.memory_space<vmem_shared>>) offsets(%dma_start3A_123 : memref<80xi32, #tpu.memory_space<vmem>>) semaphore(%run_scoped3A_120 : memref<!tpu.dma_semaphore, #tpu.memory_space<semaphore_mem>>) {add = true}
        %dma_wait3A_127 = arith.constant 0 : i32
        %dma_wait3A_128 = tpu.memref_slice %arg5[%run_scoped3A_119, %dma_wait3A_127] : memref<2x80xi32, #tpu.memory_space<vmem>> -> memref<1x80xi32, #tpu.memory_space<vmem>>
        %dma_wait3A_129 = tpu.memref_squeeze %dma_wait3A_128 : memref<1x80xi32, #tpu.memory_space<vmem>> -> memref<80xi32, #tpu.memory_space<vmem>>
        %dma_wait3A_130 = arith.constant 0 : i32
        %dma_wait3A_131 = arith.constant 0 : i32
        %dma_wait3A_132 = tpu.memref_slice %arg7[%dma_wait3A_130, %dma_wait3A_131] : memref<10240x128xf32, #tpu.memory_space<vmem_shared>> -> memref<10240x128xf32, #tpu.memory_space<vmem_shared>>
        tpu.wait_indirect_dma semaphore(%run_scoped3A_120 : memref<!tpu.dma_semaphore, #tpu.memory_space<semaphore_mem>>) src(%arg6 : memref<80x128xf32, #tpu.memory_space<vmem>>) dst(%dma_wait3A_132 : memref<10240x128xf32, #tpu.memory_space<vmem_shared>>)
        tpu.yield
      }) : () -> ()
    }
    %scan3A_27 = arith.constant 62 : i32
    %mul3A_28 = arith.constant 10000 : i32
    %mul3A_29 = arith.muli %add3A, %mul3A_28 : i32
    %add3A_30 = arith.constant 9920 : i32
    %add3A_31 = arith.addi %mul3A_29, %add3A_30 : i32
    %multiple_of3A_32 = tpu.assume_multiple %add3A_31, 8 : i32
    %dma_wait3A = arith.constant 0 : i32
    %dma_wait3A_33 = arith.constant 0 : i32
    %dma_wait3A_34 = tpu.memref_slice %arg5[%dma_wait3A, %dma_wait3A_33] : memref<2x80xi32, #tpu.memory_space<vmem>> -> memref<1x80xi32, #tpu.memory_space<vmem>>
    %dma_wait3A_35 = tpu.memref_squeeze %dma_wait3A_34 : memref<1x80xi32, #tpu.memory_space<vmem>> -> memref<80xi32, #tpu.memory_space<vmem>>
    %dma_wait3A_36 = tpu.memref_slice %arg2[%multiple_of3A_32] : memref<320000xi32, #tpu.memory_space<hbm>> -> memref<80xi32, #tpu.memory_space<hbm>>
    %dma_wait3A_37 = arith.constant 0 : i32
    %dma_wait3A_38 = tpu.memref_slice %arg5[%dma_wait3A, %dma_wait3A_37] : memref<2x80xi32, #tpu.memory_space<vmem>> -> memref<1x80xi32, #tpu.memory_space<vmem>>
    %dma_wait3A_39 = tpu.memref_squeeze %dma_wait3A_38 : memref<1x80xi32, #tpu.memory_space<vmem>> -> memref<80xi32, #tpu.memory_space<vmem>>
    %dma_wait3A_40 = tpu.memref_slice %arg2[%multiple_of3A_32] : memref<320000xi32, #tpu.memory_space<hbm>> -> memref<80xi32, #tpu.memory_space<hbm>>
    tpu.wait_dma2 semaphore(%arg8 : memref<!tpu.dma_semaphore, #tpu.memory_space<semaphore_mem>>) src(%dma_wait3A_40 : memref<80xi32, #tpu.memory_space<hbm>>) dst(%dma_wait3A_39 : memref<80xi32, #tpu.memory_space<vmem>>)
    %run_scoped3A = arith.constant 0 : i32
    "tpu.region"() ({
      %run_scoped3A_49 = tpu.sem_alloc : memref<!tpu.dma_semaphore, #tpu.memory_space<semaphore_mem>>
      %dma_start3A_50 = arith.constant 0 : i32
      %dma_start3A_51 = tpu.memref_slice %arg5[%run_scoped3A, %dma_start3A_50] : memref<2x80xi32, #tpu.memory_space<vmem>> -> memref<1x80xi32, #tpu.memory_space<vmem>>
      %dma_start3A_52 = tpu.memref_squeeze %dma_start3A_51 : memref<1x80xi32, #tpu.memory_space<vmem>> -> memref<80xi32, #tpu.memory_space<vmem>>
      %dma_start3A_53 = arith.constant 0 : i32
      %dma_start3A_54 = arith.constant 0 : i32
      %dma_start3A_55 = tpu.memref_slice %arg7[%dma_start3A_53, %dma_start3A_54] : memref<10240x128xf32, #tpu.memory_space<vmem_shared>> -> memref<10240x128xf32, #tpu.memory_space<vmem_shared>>
      tpu.enqueue_indirect_dma source(%arg6 : memref<80x128xf32, #tpu.memory_space<vmem>>) target(%dma_start3A_55 : memref<10240x128xf32, #tpu.memory_space<vmem_shared>>) offsets(%dma_start3A_52 : memref<80xi32, #tpu.memory_space<vmem>>) semaphore(%run_scoped3A_49 : memref<!tpu.dma_semaphore, #tpu.memory_space<semaphore_mem>>) {add = true}
      %dma_wait3A_56 = arith.constant 0 : i32
      %dma_wait3A_57 = tpu.memref_slice %arg5[%run_scoped3A, %dma_wait3A_56] : memref<2x80xi32, #tpu.memory_space<vmem>> -> memref<1x80xi32, #tpu.memory_space<vmem>>
      %dma_wait3A_58 = tpu.memref_squeeze %dma_wait3A_57 : memref<1x80xi32, #tpu.memory_space<vmem>> -> memref<80xi32, #tpu.memory_space<vmem>>
      %dma_wait3A_59 = arith.constant 0 : i32
      %dma_wait3A_60 = arith.constant 0 : i32
      %dma_wait3A_61 = tpu.memref_slice %arg7[%dma_wait3A_59, %dma_wait3A_60] : memref<10240x128xf32, #tpu.memory_space<vmem_shared>> -> memref<10240x128xf32, #tpu.memory_space<vmem_shared>>
      tpu.wait_indirect_dma semaphore(%run_scoped3A_49 : memref<!tpu.dma_semaphore, #tpu.memory_space<semaphore_mem>>) src(%arg6 : memref<80x128xf32, #tpu.memory_space<vmem>>) dst(%dma_wait3A_61 : memref<10240x128xf32, #tpu.memory_space<vmem_shared>>)
      tpu.yield
    }) : () -> ()
    %barrier3A_41 = arith.constant 0 : index
    tpu.barrier barrier_id(%barrier3A_41)
    %mul3A_42 = arith.constant 640 : i32
    %mul3A_43 = arith.muli %arg1, %mul3A_42 : i32
    %mul3A_44 = arith.constant 10240 : i32
    %mul3A_45 = arith.muli %arg0, %mul3A_44 : i32
    %mul3A_46 = arith.constant 640 : i32
    %mul3A_47 = arith.muli %arg1, %mul3A_46 : i32
    %add3A_48 = arith.addi %mul3A_45, %mul3A_47 : i32
    "tpu.region"() ({
      %run_scoped3A_49 = tpu.sem_alloc : memref<!tpu.dma_semaphore, #tpu.memory_space<semaphore_mem>>
      %dma_start3A_50 = arith.constant 0 : i32
      %dma_start3A_51 = tpu.memref_slice %arg4[%add3A_48, %dma_start3A_50] : memref<20480x128xf32, #tpu.memory_space<hbm>> -> memref<640x128xf32, #tpu.memory_space<hbm>>
      %dma_start3A_52 = arith.constant 0 : i32
      %dma_start3A_53 = tpu.memref_slice %arg7[%mul3A_43, %dma_start3A_52] : memref<10240x128xf32, #tpu.memory_space<vmem_shared>> -> memref<640x128xf32, #tpu.memory_space<vmem_shared>>
      tpu.enqueue_dma source(%dma_start3A_53 : memref<640x128xf32, #tpu.memory_space<vmem_shared>>) target(%dma_start3A_51 : memref<640x128xf32, #tpu.memory_space<hbm>>) target_semaphore(%run_scoped3A_49 : memref<!tpu.dma_semaphore, #tpu.memory_space<semaphore_mem>>)
      %dma_wait3A_54 = arith.constant 0 : i32
      %dma_wait3A_55 = tpu.memref_slice %arg4[%add3A_48, %dma_wait3A_54] : memref<20480x128xf32, #tpu.memory_space<hbm>> -> memref<640x128xf32, #tpu.memory_space<hbm>>
      %dma_wait3A_56 = arith.constant 0 : i32
      %dma_wait3A_57 = tpu.memref_slice %arg7[%mul3A_43, %dma_wait3A_56] : memref<10240x128xf32, #tpu.memory_space<vmem_shared>> -> memref<640x128xf32, #tpu.memory_space<vmem_shared>>
      tpu.wait_dma2 semaphore(%run_scoped3A_49 : memref<!tpu.dma_semaphore, #tpu.memory_space<semaphore_mem>>) src(%dma_wait3A_57 : memref<640x128xf32, #tpu.memory_space<vmem_shared>>) dst(%dma_wait3A_55 : memref<640x128xf32, #tpu.memory_space<hbm>>)
      tpu.yield
    }) : () -> ()
    return
  }
}

#map = affine_map<(d0, d1) -> (0, 0)>
#map1 = affine_map<(d0, d1) -> (0)>
module attributes {stable_mosaic.version = 14 : i64} {
  func.func @agg_kernel(%arg0: i32, %arg1: i32, %arg2: memref<10000x128xf32, #tpu.memory_space<hbm>>, %arg3: memref<320000xi32, #tpu.memory_space<hbm>>, %arg4: memref<320000xi32, #tpu.memory_space<hbm>>, %arg5: memref<10240x128xf32, #tpu.memory_space<hbm>>, %arg6: memref<20480x128xf32, #tpu.memory_space<hbm>>, %arg7: memref<4x80xi32, #tpu.memory_space<vmem>>, %arg8: memref<4x80xi32, #tpu.memory_space<vmem>>, %arg9: memref<4x80x128xf32, #tpu.memory_space<vmem>>, %arg10: memref<10240x128xf32, #tpu.memory_space<vmem_shared>>, %arg11: memref<!tpu.dma_semaphore, #tpu.memory_space<semaphore_mem>>, %arg12: memref<!tpu.dma_semaphore, #tpu.memory_space<semaphore_mem>>, %arg13: memref<!tpu.dma_semaphore, #tpu.memory_space<semaphore_mem>>, %arg14: memref<!tpu.dma_semaphore, #tpu.memory_space<semaphore_mem>>) attributes {dimension_semantics = [#tpu.dimension_semantics<core_parallel>, #tpu.dimension_semantics<subcore_parallel>], iteration_bounds = array<i64: 2, 16>, scalar_prefetch = 0 : i64, scratch_operands = 8 : i64, tpu.core_type = #tpu.core_type<sc_vector_subcore>, window_params = [{transform_indices = #map}, {transform_indices = #map1}, {transform_indices = #map1}, {transform_indices = #map}, {transform_indices = #map}]} {
    %mul3A = arith.constant 16 : i32
    %mul3A_0 = arith.muli %arg0, %mul3A : i32
    %add3A = arith.addi %mul3A_0, %arg1 : i32
    %mul3A_1 = arith.constant 640 : i32
    %mul3A_2 = arith.muli %arg1, %mul3A_1 : i32
    %mul3A_3 = arith.constant 640 : i32
    %mul3A_4 = arith.muli %arg1, %mul3A_3 : i32
    "tpu.region"() ({
      %run_scoped3A_179 = tpu.sem_alloc : memref<!tpu.dma_semaphore, #tpu.memory_space<semaphore_mem>>
      %dma_start3A_180 = arith.constant 0 : i32
      %dma_start3A_181 = tpu.memref_slice %arg10[%mul3A_4, %dma_start3A_180] : memref<10240x128xf32, #tpu.memory_space<vmem_shared>> -> memref<640x128xf32, #tpu.memory_space<vmem_shared>>
      %dma_start3A_182 = arith.constant 0 : i32
      %dma_start3A_183 = tpu.memref_slice %arg5[%mul3A_2, %dma_start3A_182] : memref<10240x128xf32, #tpu.memory_space<hbm>> -> memref<640x128xf32, #tpu.memory_space<hbm>>
      tpu.enqueue_dma source(%dma_start3A_183 : memref<640x128xf32, #tpu.memory_space<hbm>>) target(%dma_start3A_181 : memref<640x128xf32, #tpu.memory_space<vmem_shared>>) target_semaphore(%run_scoped3A_179 : memref<!tpu.dma_semaphore, #tpu.memory_space<semaphore_mem>>)
      %dma_wait3A_184 = arith.constant 0 : i32
      %dma_wait3A_185 = tpu.memref_slice %arg10[%mul3A_4, %dma_wait3A_184] : memref<10240x128xf32, #tpu.memory_space<vmem_shared>> -> memref<640x128xf32, #tpu.memory_space<vmem_shared>>
      %dma_wait3A_186 = arith.constant 0 : i32
      %dma_wait3A_187 = tpu.memref_slice %arg5[%mul3A_2, %dma_wait3A_186] : memref<10240x128xf32, #tpu.memory_space<hbm>> -> memref<640x128xf32, #tpu.memory_space<hbm>>
      tpu.wait_dma2 semaphore(%run_scoped3A_179 : memref<!tpu.dma_semaphore, #tpu.memory_space<semaphore_mem>>) src(%dma_wait3A_187 : memref<640x128xf32, #tpu.memory_space<hbm>>) dst(%dma_wait3A_185 : memref<640x128xf32, #tpu.memory_space<vmem_shared>>)
      tpu.yield
    }) : () -> ()
    %barrier3A = arith.constant 0 : index
    tpu.barrier barrier_id(%barrier3A)
    %mul3A_5 = arith.constant 10000 : i32
    %mul3A_6 = arith.muli %add3A, %mul3A_5 : i32
    %add3A_7 = arith.constant 0 : i32
    %add3A_8 = arith.addi %mul3A_6, %add3A_7 : i32
    %multiple_of3A = tpu.assume_multiple %add3A_8, 8 : i32
    %run_scoped3A = arith.constant 0 : i32
    "tpu.region"() ({
      %run_scoped3A_179 = tpu.sem_alloc : memref<!tpu.dma_semaphore, #tpu.memory_space<semaphore_mem>>
      %dma_start3A_180 = arith.constant 0 : i32
      %dma_start3A_181 = tpu.memref_slice %arg7[%run_scoped3A, %dma_start3A_180] : memref<4x80xi32, #tpu.memory_space<vmem>> -> memref<1x80xi32, #tpu.memory_space<vmem>>
      %dma_start3A_182 = tpu.memref_squeeze %dma_start3A_181 : memref<1x80xi32, #tpu.memory_space<vmem>> -> memref<80xi32, #tpu.memory_space<vmem>>
      %dma_start3A_183 = tpu.memref_slice %arg3[%multiple_of3A] : memref<320000xi32, #tpu.memory_space<hbm>> -> memref<80xi32, #tpu.memory_space<hbm>>
      %dma_start3A_184 = arith.constant 0 : i32
      %dma_start3A_185 = tpu.memref_slice %arg7[%run_scoped3A, %dma_start3A_184] : memref<4x80xi32, #tpu.memory_space<vmem>> -> memref<1x80xi32, #tpu.memory_space<vmem>>
      %dma_start3A_186 = tpu.memref_squeeze %dma_start3A_185 : memref<1x80xi32, #tpu.memory_space<vmem>> -> memref<80xi32, #tpu.memory_space<vmem>>
      %dma_start3A_187 = tpu.memref_slice %arg3[%multiple_of3A] : memref<320000xi32, #tpu.memory_space<hbm>> -> memref<80xi32, #tpu.memory_space<hbm>>
      tpu.enqueue_dma source(%dma_start3A_187 : memref<80xi32, #tpu.memory_space<hbm>>) target(%dma_start3A_186 : memref<80xi32, #tpu.memory_space<vmem>>) target_semaphore(%run_scoped3A_179 : memref<!tpu.dma_semaphore, #tpu.memory_space<semaphore_mem>>)
      %dma_wait3A_188 = arith.constant 0 : i32
      %dma_wait3A_189 = tpu.memref_slice %arg7[%run_scoped3A, %dma_wait3A_188] : memref<4x80xi32, #tpu.memory_space<vmem>> -> memref<1x80xi32, #tpu.memory_space<vmem>>
      %dma_wait3A_190 = tpu.memref_squeeze %dma_wait3A_189 : memref<1x80xi32, #tpu.memory_space<vmem>> -> memref<80xi32, #tpu.memory_space<vmem>>
      %dma_wait3A_191 = tpu.memref_slice %arg3[%multiple_of3A] : memref<320000xi32, #tpu.memory_space<hbm>> -> memref<80xi32, #tpu.memory_space<hbm>>
      %dma_wait3A_192 = arith.constant 0 : i32
      %dma_wait3A_193 = tpu.memref_slice %arg7[%run_scoped3A, %dma_wait3A_192] : memref<4x80xi32, #tpu.memory_space<vmem>> -> memref<1x80xi32, #tpu.memory_space<vmem>>
      %dma_wait3A_194 = tpu.memref_squeeze %dma_wait3A_193 : memref<1x80xi32, #tpu.memory_space<vmem>> -> memref<80xi32, #tpu.memory_space<vmem>>
      %dma_wait3A_195 = tpu.memref_slice %arg3[%multiple_of3A] : memref<320000xi32, #tpu.memory_space<hbm>> -> memref<80xi32, #tpu.memory_space<hbm>>
      tpu.wait_dma2 semaphore(%run_scoped3A_179 : memref<!tpu.dma_semaphore, #tpu.memory_space<semaphore_mem>>) src(%dma_wait3A_195 : memref<80xi32, #tpu.memory_space<hbm>>) dst(%dma_wait3A_194 : memref<80xi32, #tpu.memory_space<vmem>>)
      tpu.yield
    }) : () -> ()
    %run_scoped3A_9 = arith.constant 0 : i32
    "tpu.region"() ({
      %run_scoped3A_179 = tpu.sem_alloc : memref<!tpu.dma_semaphore, #tpu.memory_space<semaphore_mem>>
      %dma_start3A_180 = arith.constant 0 : i32
      %dma_start3A_181 = tpu.memref_slice %arg8[%run_scoped3A_9, %dma_start3A_180] : memref<4x80xi32, #tpu.memory_space<vmem>> -> memref<1x80xi32, #tpu.memory_space<vmem>>
      %dma_start3A_182 = tpu.memref_squeeze %dma_start3A_181 : memref<1x80xi32, #tpu.memory_space<vmem>> -> memref<80xi32, #tpu.memory_space<vmem>>
      %dma_start3A_183 = tpu.memref_slice %arg4[%multiple_of3A] : memref<320000xi32, #tpu.memory_space<hbm>> -> memref<80xi32, #tpu.memory_space<hbm>>
      %dma_start3A_184 = arith.constant 0 : i32
      %dma_start3A_185 = tpu.memref_slice %arg8[%run_scoped3A_9, %dma_start3A_184] : memref<4x80xi32, #tpu.memory_space<vmem>> -> memref<1x80xi32, #tpu.memory_space<vmem>>
      %dma_start3A_186 = tpu.memref_squeeze %dma_start3A_185 : memref<1x80xi32, #tpu.memory_space<vmem>> -> memref<80xi32, #tpu.memory_space<vmem>>
      %dma_start3A_187 = tpu.memref_slice %arg4[%multiple_of3A] : memref<320000xi32, #tpu.memory_space<hbm>> -> memref<80xi32, #tpu.memory_space<hbm>>
      tpu.enqueue_dma source(%dma_start3A_187 : memref<80xi32, #tpu.memory_space<hbm>>) target(%dma_start3A_186 : memref<80xi32, #tpu.memory_space<vmem>>) target_semaphore(%run_scoped3A_179 : memref<!tpu.dma_semaphore, #tpu.memory_space<semaphore_mem>>)
      %dma_wait3A_188 = arith.constant 0 : i32
      %dma_wait3A_189 = tpu.memref_slice %arg8[%run_scoped3A_9, %dma_wait3A_188] : memref<4x80xi32, #tpu.memory_space<vmem>> -> memref<1x80xi32, #tpu.memory_space<vmem>>
      %dma_wait3A_190 = tpu.memref_squeeze %dma_wait3A_189 : memref<1x80xi32, #tpu.memory_space<vmem>> -> memref<80xi32, #tpu.memory_space<vmem>>
      %dma_wait3A_191 = tpu.memref_slice %arg4[%multiple_of3A] : memref<320000xi32, #tpu.memory_space<hbm>> -> memref<80xi32, #tpu.memory_space<hbm>>
      %dma_wait3A_192 = arith.constant 0 : i32
      %dma_wait3A_193 = tpu.memref_slice %arg8[%run_scoped3A_9, %dma_wait3A_192] : memref<4x80xi32, #tpu.memory_space<vmem>> -> memref<1x80xi32, #tpu.memory_space<vmem>>
      %dma_wait3A_194 = tpu.memref_squeeze %dma_wait3A_193 : memref<1x80xi32, #tpu.memory_space<vmem>> -> memref<80xi32, #tpu.memory_space<vmem>>
      %dma_wait3A_195 = tpu.memref_slice %arg4[%multiple_of3A] : memref<320000xi32, #tpu.memory_space<hbm>> -> memref<80xi32, #tpu.memory_space<hbm>>
      tpu.wait_dma2 semaphore(%run_scoped3A_179 : memref<!tpu.dma_semaphore, #tpu.memory_space<semaphore_mem>>) src(%dma_wait3A_195 : memref<80xi32, #tpu.memory_space<hbm>>) dst(%dma_wait3A_194 : memref<80xi32, #tpu.memory_space<vmem>>)
      tpu.yield
    }) : () -> ()
    %dma_start3A = arith.constant 0 : i32
    %dma_start3A_10 = arith.constant 0 : i32
    %dma_start3A_11 = arith.constant 0 : i32
    %dma_start3A_12 = arith.constant 0 : i32
    %dma_start3A_13 = tpu.memref_slice %arg9[%dma_start3A_10, %dma_start3A_11, %dma_start3A_12] : memref<4x80x128xf32, #tpu.memory_space<vmem>> -> memref<1x80x128xf32, #tpu.memory_space<vmem>>
    %dma_start3A_14 = tpu.memref_squeeze %dma_start3A_13 : memref<1x80x128xf32, #tpu.memory_space<vmem>> -> memref<80x128xf32, #tpu.memory_space<vmem>>
    %dma_start3A_15 = arith.constant 0 : i32
    %dma_start3A_16 = tpu.memref_slice %arg7[%dma_start3A, %dma_start3A_15] : memref<4x80xi32, #tpu.memory_space<vmem>> -> memref<1x80xi32, #tpu.memory_space<vmem>>
    %dma_start3A_17 = tpu.memref_squeeze %dma_start3A_16 : memref<1x80xi32, #tpu.memory_space<vmem>> -> memref<80xi32, #tpu.memory_space<vmem>>
    %dma_start3A_18 = arith.constant 0 : i32
    %dma_start3A_19 = arith.constant 0 : i32
    %dma_start3A_20 = tpu.memref_slice %arg2[%dma_start3A_18, %dma_start3A_19] : memref<10000x128xf32, #tpu.memory_space<hbm>> -> memref<10000x128xf32, #tpu.memory_space<hbm>>
    tpu.enqueue_indirect_dma source(%dma_start3A_20 : memref<10000x128xf32, #tpu.memory_space<hbm>>) target(%dma_start3A_14 : memref<80x128xf32, #tpu.memory_space<vmem>>) offsets(%dma_start3A_17 : memref<80xi32, #tpu.memory_space<vmem>>) semaphore(%arg11 : memref<!tpu.dma_semaphore, #tpu.memory_space<semaphore_mem>>)
    %mul3A_21 = arith.constant 10000 : i32
    %mul3A_22 = arith.muli %add3A, %mul3A_21 : i32
    %add3A_23 = arith.constant 80 : i32
    %add3A_24 = arith.addi %mul3A_22, %add3A_23 : i32
    %multiple_of3A_25 = tpu.assume_multiple %add3A_24, 8 : i32
    %run_scoped3A_26 = arith.constant 1 : i32
    "tpu.region"() ({
      %run_scoped3A_179 = tpu.sem_alloc : memref<!tpu.dma_semaphore, #tpu.memory_space<semaphore_mem>>
      %dma_start3A_180 = arith.constant 0 : i32
      %dma_start3A_181 = tpu.memref_slice %arg7[%run_scoped3A_26, %dma_start3A_180] : memref<4x80xi32, #tpu.memory_space<vmem>> -> memref<1x80xi32, #tpu.memory_space<vmem>>
      %dma_start3A_182 = tpu.memref_squeeze %dma_start3A_181 : memref<1x80xi32, #tpu.memory_space<vmem>> -> memref<80xi32, #tpu.memory_space<vmem>>
      %dma_start3A_183 = tpu.memref_slice %arg3[%multiple_of3A_25] : memref<320000xi32, #tpu.memory_space<hbm>> -> memref<80xi32, #tpu.memory_space<hbm>>
      %dma_start3A_184 = arith.constant 0 : i32
      %dma_start3A_185 = tpu.memref_slice %arg7[%run_scoped3A_26, %dma_start3A_184] : memref<4x80xi32, #tpu.memory_space<vmem>> -> memref<1x80xi32, #tpu.memory_space<vmem>>
      %dma_start3A_186 = tpu.memref_squeeze %dma_start3A_185 : memref<1x80xi32, #tpu.memory_space<vmem>> -> memref<80xi32, #tpu.memory_space<vmem>>
      %dma_start3A_187 = tpu.memref_slice %arg3[%multiple_of3A_25] : memref<320000xi32, #tpu.memory_space<hbm>> -> memref<80xi32, #tpu.memory_space<hbm>>
      tpu.enqueue_dma source(%dma_start3A_187 : memref<80xi32, #tpu.memory_space<hbm>>) target(%dma_start3A_186 : memref<80xi32, #tpu.memory_space<vmem>>) target_semaphore(%run_scoped3A_179 : memref<!tpu.dma_semaphore, #tpu.memory_space<semaphore_mem>>)
      %dma_wait3A_188 = arith.constant 0 : i32
      %dma_wait3A_189 = tpu.memref_slice %arg7[%run_scoped3A_26, %dma_wait3A_188] : memref<4x80xi32, #tpu.memory_space<vmem>> -> memref<1x80xi32, #tpu.memory_space<vmem>>
      %dma_wait3A_190 = tpu.memref_squeeze %dma_wait3A_189 : memref<1x80xi32, #tpu.memory_space<vmem>> -> memref<80xi32, #tpu.memory_space<vmem>>
      %dma_wait3A_191 = tpu.memref_slice %arg3[%multiple_of3A_25] : memref<320000xi32, #tpu.memory_space<hbm>> -> memref<80xi32, #tpu.memory_space<hbm>>
      %dma_wait3A_192 = arith.constant 0 : i32
      %dma_wait3A_193 = tpu.memref_slice %arg7[%run_scoped3A_26, %dma_wait3A_192] : memref<4x80xi32, #tpu.memory_space<vmem>> -> memref<1x80xi32, #tpu.memory_space<vmem>>
      %dma_wait3A_194 = tpu.memref_squeeze %dma_wait3A_193 : memref<1x80xi32, #tpu.memory_space<vmem>> -> memref<80xi32, #tpu.memory_space<vmem>>
      %dma_wait3A_195 = tpu.memref_slice %arg3[%multiple_of3A_25] : memref<320000xi32, #tpu.memory_space<hbm>> -> memref<80xi32, #tpu.memory_space<hbm>>
      tpu.wait_dma2 semaphore(%run_scoped3A_179 : memref<!tpu.dma_semaphore, #tpu.memory_space<semaphore_mem>>) src(%dma_wait3A_195 : memref<80xi32, #tpu.memory_space<hbm>>) dst(%dma_wait3A_194 : memref<80xi32, #tpu.memory_space<vmem>>)
      tpu.yield
    }) : () -> ()
    %run_scoped3A_27 = arith.constant 1 : i32
    "tpu.region"() ({
      %run_scoped3A_179 = tpu.sem_alloc : memref<!tpu.dma_semaphore, #tpu.memory_space<semaphore_mem>>
      %dma_start3A_180 = arith.constant 0 : i32
      %dma_start3A_181 = tpu.memref_slice %arg8[%run_scoped3A_27, %dma_start3A_180] : memref<4x80xi32, #tpu.memory_space<vmem>> -> memref<1x80xi32, #tpu.memory_space<vmem>>
      %dma_start3A_182 = tpu.memref_squeeze %dma_start3A_181 : memref<1x80xi32, #tpu.memory_space<vmem>> -> memref<80xi32, #tpu.memory_space<vmem>>
      %dma_start3A_183 = tpu.memref_slice %arg4[%multiple_of3A_25] : memref<320000xi32, #tpu.memory_space<hbm>> -> memref<80xi32, #tpu.memory_space<hbm>>
      %dma_start3A_184 = arith.constant 0 : i32
      %dma_start3A_185 = tpu.memref_slice %arg8[%run_scoped3A_27, %dma_start3A_184] : memref<4x80xi32, #tpu.memory_space<vmem>> -> memref<1x80xi32, #tpu.memory_space<vmem>>
      %dma_start3A_186 = tpu.memref_squeeze %dma_start3A_185 : memref<1x80xi32, #tpu.memory_space<vmem>> -> memref<80xi32, #tpu.memory_space<vmem>>
      %dma_start3A_187 = tpu.memref_slice %arg4[%multiple_of3A_25] : memref<320000xi32, #tpu.memory_space<hbm>> -> memref<80xi32, #tpu.memory_space<hbm>>
      tpu.enqueue_dma source(%dma_start3A_187 : memref<80xi32, #tpu.memory_space<hbm>>) target(%dma_start3A_186 : memref<80xi32, #tpu.memory_space<vmem>>) target_semaphore(%run_scoped3A_179 : memref<!tpu.dma_semaphore, #tpu.memory_space<semaphore_mem>>)
      %dma_wait3A_188 = arith.constant 0 : i32
      %dma_wait3A_189 = tpu.memref_slice %arg8[%run_scoped3A_27, %dma_wait3A_188] : memref<4x80xi32, #tpu.memory_space<vmem>> -> memref<1x80xi32, #tpu.memory_space<vmem>>
      %dma_wait3A_190 = tpu.memref_squeeze %dma_wait3A_189 : memref<1x80xi32, #tpu.memory_space<vmem>> -> memref<80xi32, #tpu.memory_space<vmem>>
      %dma_wait3A_191 = tpu.memref_slice %arg4[%multiple_of3A_25] : memref<320000xi32, #tpu.memory_space<hbm>> -> memref<80xi32, #tpu.memory_space<hbm>>
      %dma_wait3A_192 = arith.constant 0 : i32
      %dma_wait3A_193 = tpu.memref_slice %arg8[%run_scoped3A_27, %dma_wait3A_192] : memref<4x80xi32, #tpu.memory_space<vmem>> -> memref<1x80xi32, #tpu.memory_space<vmem>>
      %dma_wait3A_194 = tpu.memref_squeeze %dma_wait3A_193 : memref<1x80xi32, #tpu.memory_space<vmem>> -> memref<80xi32, #tpu.memory_space<vmem>>
      %dma_wait3A_195 = tpu.memref_slice %arg4[%multiple_of3A_25] : memref<320000xi32, #tpu.memory_space<hbm>> -> memref<80xi32, #tpu.memory_space<hbm>>
      tpu.wait_dma2 semaphore(%run_scoped3A_179 : memref<!tpu.dma_semaphore, #tpu.memory_space<semaphore_mem>>) src(%dma_wait3A_195 : memref<80xi32, #tpu.memory_space<hbm>>) dst(%dma_wait3A_194 : memref<80xi32, #tpu.memory_space<vmem>>)
      tpu.yield
    }) : () -> ()
    %dma_start3A_28 = arith.constant 1 : i32
    %dma_start3A_29 = arith.constant 1 : i32
    %dma_start3A_30 = arith.constant 0 : i32
    %dma_start3A_31 = arith.constant 0 : i32
    %dma_start3A_32 = tpu.memref_slice %arg9[%dma_start3A_29, %dma_start3A_30, %dma_start3A_31] : memref<4x80x128xf32, #tpu.memory_space<vmem>> -> memref<1x80x128xf32, #tpu.memory_space<vmem>>
    %dma_start3A_33 = tpu.memref_squeeze %dma_start3A_32 : memref<1x80x128xf32, #tpu.memory_space<vmem>> -> memref<80x128xf32, #tpu.memory_space<vmem>>
    %dma_start3A_34 = arith.constant 0 : i32
    %dma_start3A_35 = tpu.memref_slice %arg7[%dma_start3A_28, %dma_start3A_34] : memref<4x80xi32, #tpu.memory_space<vmem>> -> memref<1x80xi32, #tpu.memory_space<vmem>>
    %dma_start3A_36 = tpu.memref_squeeze %dma_start3A_35 : memref<1x80xi32, #tpu.memory_space<vmem>> -> memref<80xi32, #tpu.memory_space<vmem>>
    %dma_start3A_37 = arith.constant 0 : i32
    %dma_start3A_38 = arith.constant 0 : i32
    %dma_start3A_39 = tpu.memref_slice %arg2[%dma_start3A_37, %dma_start3A_38] : memref<10000x128xf32, #tpu.memory_space<hbm>> -> memref<10000x128xf32, #tpu.memory_space<hbm>>
    tpu.enqueue_indirect_dma source(%dma_start3A_39 : memref<10000x128xf32, #tpu.memory_space<hbm>>) target(%dma_start3A_33 : memref<80x128xf32, #tpu.memory_space<vmem>>) offsets(%dma_start3A_36 : memref<80xi32, #tpu.memory_space<vmem>>) semaphore(%arg12 : memref<!tpu.dma_semaphore, #tpu.memory_space<semaphore_mem>>)
    %mul3A_40 = arith.constant 10000 : i32
    %mul3A_41 = arith.muli %add3A, %mul3A_40 : i32
    %add3A_42 = arith.constant 160 : i32
    %add3A_43 = arith.addi %mul3A_41, %add3A_42 : i32
    %multiple_of3A_44 = tpu.assume_multiple %add3A_43, 8 : i32
    %run_scoped3A_45 = arith.constant 2 : i32
    "tpu.region"() ({
      %run_scoped3A_179 = tpu.sem_alloc : memref<!tpu.dma_semaphore, #tpu.memory_space<semaphore_mem>>
      %dma_start3A_180 = arith.constant 0 : i32
      %dma_start3A_181 = tpu.memref_slice %arg7[%run_scoped3A_45, %dma_start3A_180] : memref<4x80xi32, #tpu.memory_space<vmem>> -> memref<1x80xi32, #tpu.memory_space<vmem>>
      %dma_start3A_182 = tpu.memref_squeeze %dma_start3A_181 : memref<1x80xi32, #tpu.memory_space<vmem>> -> memref<80xi32, #tpu.memory_space<vmem>>
      %dma_start3A_183 = tpu.memref_slice %arg3[%multiple_of3A_44] : memref<320000xi32, #tpu.memory_space<hbm>> -> memref<80xi32, #tpu.memory_space<hbm>>
      %dma_start3A_184 = arith.constant 0 : i32
      %dma_start3A_185 = tpu.memref_slice %arg7[%run_scoped3A_45, %dma_start3A_184] : memref<4x80xi32, #tpu.memory_space<vmem>> -> memref<1x80xi32, #tpu.memory_space<vmem>>
      %dma_start3A_186 = tpu.memref_squeeze %dma_start3A_185 : memref<1x80xi32, #tpu.memory_space<vmem>> -> memref<80xi32, #tpu.memory_space<vmem>>
      %dma_start3A_187 = tpu.memref_slice %arg3[%multiple_of3A_44] : memref<320000xi32, #tpu.memory_space<hbm>> -> memref<80xi32, #tpu.memory_space<hbm>>
      tpu.enqueue_dma source(%dma_start3A_187 : memref<80xi32, #tpu.memory_space<hbm>>) target(%dma_start3A_186 : memref<80xi32, #tpu.memory_space<vmem>>) target_semaphore(%run_scoped3A_179 : memref<!tpu.dma_semaphore, #tpu.memory_space<semaphore_mem>>)
      %dma_wait3A_188 = arith.constant 0 : i32
      %dma_wait3A_189 = tpu.memref_slice %arg7[%run_scoped3A_45, %dma_wait3A_188] : memref<4x80xi32, #tpu.memory_space<vmem>> -> memref<1x80xi32, #tpu.memory_space<vmem>>
      %dma_wait3A_190 = tpu.memref_squeeze %dma_wait3A_189 : memref<1x80xi32, #tpu.memory_space<vmem>> -> memref<80xi32, #tpu.memory_space<vmem>>
      %dma_wait3A_191 = tpu.memref_slice %arg3[%multiple_of3A_44] : memref<320000xi32, #tpu.memory_space<hbm>> -> memref<80xi32, #tpu.memory_space<hbm>>
      %dma_wait3A_192 = arith.constant 0 : i32
      %dma_wait3A_193 = tpu.memref_slice %arg7[%run_scoped3A_45, %dma_wait3A_192] : memref<4x80xi32, #tpu.memory_space<vmem>> -> memref<1x80xi32, #tpu.memory_space<vmem>>
      %dma_wait3A_194 = tpu.memref_squeeze %dma_wait3A_193 : memref<1x80xi32, #tpu.memory_space<vmem>> -> memref<80xi32, #tpu.memory_space<vmem>>
      %dma_wait3A_195 = tpu.memref_slice %arg3[%multiple_of3A_44] : memref<320000xi32, #tpu.memory_space<hbm>> -> memref<80xi32, #tpu.memory_space<hbm>>
      tpu.wait_dma2 semaphore(%run_scoped3A_179 : memref<!tpu.dma_semaphore, #tpu.memory_space<semaphore_mem>>) src(%dma_wait3A_195 : memref<80xi32, #tpu.memory_space<hbm>>) dst(%dma_wait3A_194 : memref<80xi32, #tpu.memory_space<vmem>>)
      tpu.yield
    }) : () -> ()
    %run_scoped3A_46 = arith.constant 2 : i32
    "tpu.region"() ({
      %run_scoped3A_179 = tpu.sem_alloc : memref<!tpu.dma_semaphore, #tpu.memory_space<semaphore_mem>>
      %dma_start3A_180 = arith.constant 0 : i32
      %dma_start3A_181 = tpu.memref_slice %arg8[%run_scoped3A_46, %dma_start3A_180] : memref<4x80xi32, #tpu.memory_space<vmem>> -> memref<1x80xi32, #tpu.memory_space<vmem>>
      %dma_start3A_182 = tpu.memref_squeeze %dma_start3A_181 : memref<1x80xi32, #tpu.memory_space<vmem>> -> memref<80xi32, #tpu.memory_space<vmem>>
      %dma_start3A_183 = tpu.memref_slice %arg4[%multiple_of3A_44] : memref<320000xi32, #tpu.memory_space<hbm>> -> memref<80xi32, #tpu.memory_space<hbm>>
      %dma_start3A_184 = arith.constant 0 : i32
      %dma_start3A_185 = tpu.memref_slice %arg8[%run_scoped3A_46, %dma_start3A_184] : memref<4x80xi32, #tpu.memory_space<vmem>> -> memref<1x80xi32, #tpu.memory_space<vmem>>
      %dma_start3A_186 = tpu.memref_squeeze %dma_start3A_185 : memref<1x80xi32, #tpu.memory_space<vmem>> -> memref<80xi32, #tpu.memory_space<vmem>>
      %dma_start3A_187 = tpu.memref_slice %arg4[%multiple_of3A_44] : memref<320000xi32, #tpu.memory_space<hbm>> -> memref<80xi32, #tpu.memory_space<hbm>>
      tpu.enqueue_dma source(%dma_start3A_187 : memref<80xi32, #tpu.memory_space<hbm>>) target(%dma_start3A_186 : memref<80xi32, #tpu.memory_space<vmem>>) target_semaphore(%run_scoped3A_179 : memref<!tpu.dma_semaphore, #tpu.memory_space<semaphore_mem>>)
      %dma_wait3A_188 = arith.constant 0 : i32
      %dma_wait3A_189 = tpu.memref_slice %arg8[%run_scoped3A_46, %dma_wait3A_188] : memref<4x80xi32, #tpu.memory_space<vmem>> -> memref<1x80xi32, #tpu.memory_space<vmem>>
      %dma_wait3A_190 = tpu.memref_squeeze %dma_wait3A_189 : memref<1x80xi32, #tpu.memory_space<vmem>> -> memref<80xi32, #tpu.memory_space<vmem>>
      %dma_wait3A_191 = tpu.memref_slice %arg4[%multiple_of3A_44] : memref<320000xi32, #tpu.memory_space<hbm>> -> memref<80xi32, #tpu.memory_space<hbm>>
      %dma_wait3A_192 = arith.constant 0 : i32
      %dma_wait3A_193 = tpu.memref_slice %arg8[%run_scoped3A_46, %dma_wait3A_192] : memref<4x80xi32, #tpu.memory_space<vmem>> -> memref<1x80xi32, #tpu.memory_space<vmem>>
      %dma_wait3A_194 = tpu.memref_squeeze %dma_wait3A_193 : memref<1x80xi32, #tpu.memory_space<vmem>> -> memref<80xi32, #tpu.memory_space<vmem>>
      %dma_wait3A_195 = tpu.memref_slice %arg4[%multiple_of3A_44] : memref<320000xi32, #tpu.memory_space<hbm>> -> memref<80xi32, #tpu.memory_space<hbm>>
      tpu.wait_dma2 semaphore(%run_scoped3A_179 : memref<!tpu.dma_semaphore, #tpu.memory_space<semaphore_mem>>) src(%dma_wait3A_195 : memref<80xi32, #tpu.memory_space<hbm>>) dst(%dma_wait3A_194 : memref<80xi32, #tpu.memory_space<vmem>>)
      tpu.yield
    }) : () -> ()
    %dma_start3A_47 = arith.constant 2 : i32
    %dma_start3A_48 = arith.constant 2 : i32
    %dma_start3A_49 = arith.constant 0 : i32
    %dma_start3A_50 = arith.constant 0 : i32
    %dma_start3A_51 = tpu.memref_slice %arg9[%dma_start3A_48, %dma_start3A_49, %dma_start3A_50] : memref<4x80x128xf32, #tpu.memory_space<vmem>> -> memref<1x80x128xf32, #tpu.memory_space<vmem>>
    %dma_start3A_52 = tpu.memref_squeeze %dma_start3A_51 : memref<1x80x128xf32, #tpu.memory_space<vmem>> -> memref<80x128xf32, #tpu.memory_space<vmem>>
    %dma_start3A_53 = arith.constant 0 : i32
    %dma_start3A_54 = tpu.memref_slice %arg7[%dma_start3A_47, %dma_start3A_53] : memref<4x80xi32, #tpu.memory_space<vmem>> -> memref<1x80xi32, #tpu.memory_space<vmem>>
    %dma_start3A_55 = tpu.memref_squeeze %dma_start3A_54 : memref<1x80xi32, #tpu.memory_space<vmem>> -> memref<80xi32, #tpu.memory_space<vmem>>
    %dma_start3A_56 = arith.constant 0 : i32
    %dma_start3A_57 = arith.constant 0 : i32
    %dma_start3A_58 = tpu.memref_slice %arg2[%dma_start3A_56, %dma_start3A_57] : memref<10000x128xf32, #tpu.memory_space<hbm>> -> memref<10000x128xf32, #tpu.memory_space<hbm>>
    tpu.enqueue_indirect_dma source(%dma_start3A_58 : memref<10000x128xf32, #tpu.memory_space<hbm>>) target(%dma_start3A_52 : memref<80x128xf32, #tpu.memory_space<vmem>>) offsets(%dma_start3A_55 : memref<80xi32, #tpu.memory_space<vmem>>) semaphore(%arg13 : memref<!tpu.dma_semaphore, #tpu.memory_space<semaphore_mem>>)
    %scan3A = arith.constant 0 : i32
    %scan3A_59 = arith.constant 0 : i32
    %scan3A_60 = arith.constant 30 : i32
    %scan3A_61 = arith.addi %scan3A_59, %scan3A_60 : i32
    %scan3A_62 = arith.constant 1 : i32
    scf.for %scan3A_179 = %scan3A_59 to %scan3A_61 step %scan3A_62  : i32 {
      %mul3A_180 = arith.constant 4 : i32
      %mul3A_181 = arith.muli %scan3A_179, %mul3A_180 : i32
      %add3A_182 = arith.constant 0 : i32
      %add3A_183 = arith.addi %mul3A_181, %add3A_182 : i32
      %add3A_184 = arith.constant 4 : i32
      %add3A_185 = arith.addi %add3A_183, %add3A_184 : i32
      %sub3A = arith.constant 1 : i32
      %sub3A_186 = arith.subi %add3A_185, %sub3A : i32
      %mul3A_187 = arith.constant 10000 : i32
      %mul3A_188 = arith.muli %add3A, %mul3A_187 : i32
      %mul3A_189 = arith.constant 80 : i32
      %mul3A_190 = arith.muli %sub3A_186, %mul3A_189 : i32
      %add3A_191 = arith.addi %mul3A_188, %mul3A_190 : i32
      %multiple_of3A_192 = tpu.assume_multiple %add3A_191, 8 : i32
      %run_scoped3A_193 = arith.constant 3 : i32
      "tpu.region"() ({
        %run_scoped3A_341 = tpu.sem_alloc : memref<!tpu.dma_semaphore, #tpu.memory_space<semaphore_mem>>
        %dma_start3A_342 = arith.constant 0 : i32
        %dma_start3A_343 = tpu.memref_slice %arg7[%run_scoped3A_193, %dma_start3A_342] : memref<4x80xi32, #tpu.memory_space<vmem>> -> memref<1x80xi32, #tpu.memory_space<vmem>>
        %dma_start3A_344 = tpu.memref_squeeze %dma_start3A_343 : memref<1x80xi32, #tpu.memory_space<vmem>> -> memref<80xi32, #tpu.memory_space<vmem>>
        %dma_start3A_345 = tpu.memref_slice %arg3[%multiple_of3A_192] : memref<320000xi32, #tpu.memory_space<hbm>> -> memref<80xi32, #tpu.memory_space<hbm>>
        %dma_start3A_346 = arith.constant 0 : i32
        %dma_start3A_347 = tpu.memref_slice %arg7[%run_scoped3A_193, %dma_start3A_346] : memref<4x80xi32, #tpu.memory_space<vmem>> -> memref<1x80xi32, #tpu.memory_space<vmem>>
        %dma_start3A_348 = tpu.memref_squeeze %dma_start3A_347 : memref<1x80xi32, #tpu.memory_space<vmem>> -> memref<80xi32, #tpu.memory_space<vmem>>
        %dma_start3A_349 = tpu.memref_slice %arg3[%multiple_of3A_192] : memref<320000xi32, #tpu.memory_space<hbm>> -> memref<80xi32, #tpu.memory_space<hbm>>
        tpu.enqueue_dma source(%dma_start3A_349 : memref<80xi32, #tpu.memory_space<hbm>>) target(%dma_start3A_348 : memref<80xi32, #tpu.memory_space<vmem>>) target_semaphore(%run_scoped3A_341 : memref<!tpu.dma_semaphore, #tpu.memory_space<semaphore_mem>>)
        %dma_wait3A_350 = arith.constant 0 : i32
        %dma_wait3A_351 = tpu.memref_slice %arg7[%run_scoped3A_193, %dma_wait3A_350] : memref<4x80xi32, #tpu.memory_space<vmem>> -> memref<1x80xi32, #tpu.memory_space<vmem>>
        %dma_wait3A_352 = tpu.memref_squeeze %dma_wait3A_351 : memref<1x80xi32, #tpu.memory_space<vmem>> -> memref<80xi32, #tpu.memory_space<vmem>>
        %dma_wait3A_353 = tpu.memref_slice %arg3[%multiple_of3A_192] : memref<320000xi32, #tpu.memory_space<hbm>> -> memref<80xi32, #tpu.memory_space<hbm>>
        %dma_wait3A_354 = arith.constant 0 : i32
        %dma_wait3A_355 = tpu.memref_slice %arg7[%run_scoped3A_193, %dma_wait3A_354] : memref<4x80xi32, #tpu.memory_space<vmem>> -> memref<1x80xi32, #tpu.memory_space<vmem>>
        %dma_wait3A_356 = tpu.memref_squeeze %dma_wait3A_355 : memref<1x80xi32, #tpu.memory_space<vmem>> -> memref<80xi32, #tpu.memory_space<vmem>>
        %dma_wait3A_357 = tpu.memref_slice %arg3[%multiple_of3A_192] : memref<320000xi32, #tpu.memory_space<hbm>> -> memref<80xi32, #tpu.memory_space<hbm>>
        tpu.wait_dma2 semaphore(%run_scoped3A_341 : memref<!tpu.dma_semaphore, #tpu.memory_space<semaphore_mem>>) src(%dma_wait3A_357 : memref<80xi32, #tpu.memory_space<hbm>>) dst(%dma_wait3A_356 : memref<80xi32, #tpu.memory_space<vmem>>)
        tpu.yield
      }) : () -> ()
      %run_scoped3A_194 = arith.constant 3 : i32
      "tpu.region"() ({
        %run_scoped3A_341 = tpu.sem_alloc : memref<!tpu.dma_semaphore, #tpu.memory_space<semaphore_mem>>
        %dma_start3A_342 = arith.constant 0 : i32
        %dma_start3A_343 = tpu.memref_slice %arg8[%run_scoped3A_194, %dma_start3A_342] : memref<4x80xi32, #tpu.memory_space<vmem>> -> memref<1x80xi32, #tpu.memory_space<vmem>>
        %dma_start3A_344 = tpu.memref_squeeze %dma_start3A_343 : memref<1x80xi32, #tpu.memory_space<vmem>> -> memref<80xi32, #tpu.memory_space<vmem>>
        %dma_start3A_345 = tpu.memref_slice %arg4[%multiple_of3A_192] : memref<320000xi32, #tpu.memory_space<hbm>> -> memref<80xi32, #tpu.memory_space<hbm>>
        %dma_start3A_346 = arith.constant 0 : i32
        %dma_start3A_347 = tpu.memref_slice %arg8[%run_scoped3A_194, %dma_start3A_346] : memref<4x80xi32, #tpu.memory_space<vmem>> -> memref<1x80xi32, #tpu.memory_space<vmem>>
        %dma_start3A_348 = tpu.memref_squeeze %dma_start3A_347 : memref<1x80xi32, #tpu.memory_space<vmem>> -> memref<80xi32, #tpu.memory_space<vmem>>
        %dma_start3A_349 = tpu.memref_slice %arg4[%multiple_of3A_192] : memref<320000xi32, #tpu.memory_space<hbm>> -> memref<80xi32, #tpu.memory_space<hbm>>
        tpu.enqueue_dma source(%dma_start3A_349 : memref<80xi32, #tpu.memory_space<hbm>>) target(%dma_start3A_348 : memref<80xi32, #tpu.memory_space<vmem>>) target_semaphore(%run_scoped3A_341 : memref<!tpu.dma_semaphore, #tpu.memory_space<semaphore_mem>>)
        %dma_wait3A_350 = arith.constant 0 : i32
        %dma_wait3A_351 = tpu.memref_slice %arg8[%run_scoped3A_194, %dma_wait3A_350] : memref<4x80xi32, #tpu.memory_space<vmem>> -> memref<1x80xi32, #tpu.memory_space<vmem>>
        %dma_wait3A_352 = tpu.memref_squeeze %dma_wait3A_351 : memref<1x80xi32, #tpu.memory_space<vmem>> -> memref<80xi32, #tpu.memory_space<vmem>>
        %dma_wait3A_353 = tpu.memref_slice %arg4[%multiple_of3A_192] : memref<320000xi32, #tpu.memory_space<hbm>> -> memref<80xi32, #tpu.memory_space<hbm>>
        %dma_wait3A_354 = arith.constant 0 : i32
        %dma_wait3A_355 = tpu.memref_slice %arg8[%run_scoped3A_194, %dma_wait3A_354] : memref<4x80xi32, #tpu.memory_space<vmem>> -> memref<1x80xi32, #tpu.memory_space<vmem>>
        %dma_wait3A_356 = tpu.memref_squeeze %dma_wait3A_355 : memref<1x80xi32, #tpu.memory_space<vmem>> -> memref<80xi32, #tpu.memory_space<vmem>>
        %dma_wait3A_357 = tpu.memref_slice %arg4[%multiple_of3A_192] : memref<320000xi32, #tpu.memory_space<hbm>> -> memref<80xi32, #tpu.memory_space<hbm>>
        tpu.wait_dma2 semaphore(%run_scoped3A_341 : memref<!tpu.dma_semaphore, #tpu.memory_space<semaphore_mem>>) src(%dma_wait3A_357 : memref<80xi32, #tpu.memory_space<hbm>>) dst(%dma_wait3A_356 : memref<80xi32, #tpu.memory_space<vmem>>)
        tpu.yield
      }) : () -> ()
      %dma_start3A_195 = arith.constant 3 : i32
      %dma_start3A_196 = arith.constant 3 : i32
      %dma_start3A_197 = arith.constant 0 : i32
      %dma_start3A_198 = arith.constant 0 : i32
      %dma_start3A_199 = tpu.memref_slice %arg9[%dma_start3A_196, %dma_start3A_197, %dma_start3A_198] : memref<4x80x128xf32, #tpu.memory_space<vmem>> -> memref<1x80x128xf32, #tpu.memory_space<vmem>>
      %dma_start3A_200 = tpu.memref_squeeze %dma_start3A_199 : memref<1x80x128xf32, #tpu.memory_space<vmem>> -> memref<80x128xf32, #tpu.memory_space<vmem>>
      %dma_start3A_201 = arith.constant 0 : i32
      %dma_start3A_202 = tpu.memref_slice %arg7[%dma_start3A_195, %dma_start3A_201] : memref<4x80xi32, #tpu.memory_space<vmem>> -> memref<1x80xi32, #tpu.memory_space<vmem>>
      %dma_start3A_203 = tpu.memref_squeeze %dma_start3A_202 : memref<1x80xi32, #tpu.memory_space<vmem>> -> memref<80xi32, #tpu.memory_space<vmem>>
      %dma_start3A_204 = arith.constant 0 : i32
      %dma_start3A_205 = arith.constant 0 : i32
      %dma_start3A_206 = tpu.memref_slice %arg2[%dma_start3A_204, %dma_start3A_205] : memref<10000x128xf32, #tpu.memory_space<hbm>> -> memref<10000x128xf32, #tpu.memory_space<hbm>>
      tpu.enqueue_indirect_dma source(%dma_start3A_206 : memref<10000x128xf32, #tpu.memory_space<hbm>>) target(%dma_start3A_200 : memref<80x128xf32, #tpu.memory_space<vmem>>) offsets(%dma_start3A_203 : memref<80xi32, #tpu.memory_space<vmem>>) semaphore(%arg14 : memref<!tpu.dma_semaphore, #tpu.memory_space<semaphore_mem>>)
      %dma_wait3A_207 = arith.constant 0 : i32
      %dma_wait3A_208 = arith.constant 0 : i32
      %dma_wait3A_209 = arith.constant 0 : i32
      %dma_wait3A_210 = arith.constant 0 : i32
      %dma_wait3A_211 = tpu.memref_slice %arg9[%dma_wait3A_208, %dma_wait3A_209, %dma_wait3A_210] : memref<4x80x128xf32, #tpu.memory_space<vmem>> -> memref<1x80x128xf32, #tpu.memory_space<vmem>>
      %dma_wait3A_212 = tpu.memref_squeeze %dma_wait3A_211 : memref<1x80x128xf32, #tpu.memory_space<vmem>> -> memref<80x128xf32, #tpu.memory_space<vmem>>
      %dma_wait3A_213 = arith.constant 0 : i32
      %dma_wait3A_214 = tpu.memref_slice %arg7[%dma_wait3A_207, %dma_wait3A_213] : memref<4x80xi32, #tpu.memory_space<vmem>> -> memref<1x80xi32, #tpu.memory_space<vmem>>
      %dma_wait3A_215 = tpu.memref_squeeze %dma_wait3A_214 : memref<1x80xi32, #tpu.memory_space<vmem>> -> memref<80xi32, #tpu.memory_space<vmem>>
      %dma_wait3A_216 = arith.constant 0 : i32
      %dma_wait3A_217 = arith.constant 0 : i32
      %dma_wait3A_218 = tpu.memref_slice %arg2[%dma_wait3A_216, %dma_wait3A_217] : memref<10000x128xf32, #tpu.memory_space<hbm>> -> memref<10000x128xf32, #tpu.memory_space<hbm>>
      tpu.wait_indirect_dma semaphore(%arg11 : memref<!tpu.dma_semaphore, #tpu.memory_space<semaphore_mem>>) src(%dma_wait3A_218 : memref<10000x128xf32, #tpu.memory_space<hbm>>) dst(%dma_wait3A_212 : memref<80x128xf32, #tpu.memory_space<vmem>>)
      %run_scoped3A_219 = arith.constant 0 : i32
      %run_scoped3A_220 = arith.constant 0 : i32
      "tpu.region"() ({
        %run_scoped3A_341 = tpu.sem_alloc : memref<!tpu.dma_semaphore, #tpu.memory_space<semaphore_mem>>
        %dma_start3A_342 = arith.constant 0 : i32
        %dma_start3A_343 = arith.constant 0 : i32
        %dma_start3A_344 = tpu.memref_slice %arg9[%run_scoped3A_219, %dma_start3A_342, %dma_start3A_343] : memref<4x80x128xf32, #tpu.memory_space<vmem>> -> memref<1x80x128xf32, #tpu.memory_space<vmem>>
        %dma_start3A_345 = tpu.memref_squeeze %dma_start3A_344 : memref<1x80x128xf32, #tpu.memory_space<vmem>> -> memref<80x128xf32, #tpu.memory_space<vmem>>
        %dma_start3A_346 = arith.constant 0 : i32
        %dma_start3A_347 = tpu.memref_slice %arg8[%run_scoped3A_220, %dma_start3A_346] : memref<4x80xi32, #tpu.memory_space<vmem>> -> memref<1x80xi32, #tpu.memory_space<vmem>>
        %dma_start3A_348 = tpu.memref_squeeze %dma_start3A_347 : memref<1x80xi32, #tpu.memory_space<vmem>> -> memref<80xi32, #tpu.memory_space<vmem>>
        %dma_start3A_349 = arith.constant 0 : i32
        %dma_start3A_350 = arith.constant 0 : i32
        %dma_start3A_351 = tpu.memref_slice %arg10[%dma_start3A_349, %dma_start3A_350] : memref<10240x128xf32, #tpu.memory_space<vmem_shared>> -> memref<10240x128xf32, #tpu.memory_space<vmem_shared>>
        tpu.enqueue_indirect_dma source(%dma_start3A_345 : memref<80x128xf32, #tpu.memory_space<vmem>>) target(%dma_start3A_351 : memref<10240x128xf32, #tpu.memory_space<vmem_shared>>) offsets(%dma_start3A_348 : memref<80xi32, #tpu.memory_space<vmem>>) semaphore(%run_scoped3A_341 : memref<!tpu.dma_semaphore, #tpu.memory_space<semaphore_mem>>) {add = true}
        %dma_wait3A_352 = arith.constant 0 : i32
        %dma_wait3A_353 = arith.constant 0 : i32
        %dma_wait3A_354 = tpu.memref_slice %arg9[%run_scoped3A_219, %dma_wait3A_352, %dma_wait3A_353] : memref<4x80x128xf32, #tpu.memory_space<vmem>> -> memref<1x80x128xf32, #tpu.memory_space<vmem>>
        %dma_wait3A_355 = tpu.memref_squeeze %dma_wait3A_354 : memref<1x80x128xf32, #tpu.memory_space<vmem>> -> memref<80x128xf32, #tpu.memory_space<vmem>>
        %dma_wait3A_356 = arith.constant 0 : i32
        %dma_wait3A_357 = tpu.memref_slice %arg8[%run_scoped3A_220, %dma_wait3A_356] : memref<4x80xi32, #tpu.memory_space<vmem>> -> memref<1x80xi32, #tpu.memory_space<vmem>>
        %dma_wait3A_358 = tpu.memref_squeeze %dma_wait3A_357 : memref<1x80xi32, #tpu.memory_space<vmem>> -> memref<80xi32, #tpu.memory_space<vmem>>
        %dma_wait3A_359 = arith.constant 0 : i32
        %dma_wait3A_360 = arith.constant 0 : i32
        %dma_wait3A_361 = tpu.memref_slice %arg10[%dma_wait3A_359, %dma_wait3A_360] : memref<10240x128xf32, #tpu.memory_space<vmem_shared>> -> memref<10240x128xf32, #tpu.memory_space<vmem_shared>>
        tpu.wait_indirect_dma semaphore(%run_scoped3A_341 : memref<!tpu.dma_semaphore, #tpu.memory_space<semaphore_mem>>) src(%dma_wait3A_355 : memref<80x128xf32, #tpu.memory_space<vmem>>) dst(%dma_wait3A_361 : memref<10240x128xf32, #tpu.memory_space<vmem_shared>>)
        tpu.yield
      }) : () -> ()
      %add3A_221 = arith.constant 1 : i32
      %add3A_222 = arith.addi %mul3A_181, %add3A_221 : i32
      %add3A_223 = arith.constant 4 : i32
      %add3A_224 = arith.addi %add3A_222, %add3A_223 : i32
      %sub3A_225 = arith.constant 1 : i32
      %sub3A_226 = arith.subi %add3A_224, %sub3A_225 : i32
      %mul3A_227 = arith.constant 10000 : i32
      %mul3A_228 = arith.muli %add3A, %mul3A_227 : i32
      %mul3A_229 = arith.constant 80 : i32
      %mul3A_230 = arith.muli %sub3A_226, %mul3A_229 : i32
      %add3A_231 = arith.addi %mul3A_228, %mul3A_230 : i32
      %multiple_of3A_232 = tpu.assume_multiple %add3A_231, 8 : i32
      %run_scoped3A_233 = arith.constant 0 : i32
      "tpu.region"() ({
        %run_scoped3A_341 = tpu.sem_alloc : memref<!tpu.dma_semaphore, #tpu.memory_space<semaphore_mem>>
        %dma_start3A_342 = arith.constant 0 : i32
        %dma_start3A_343 = tpu.memref_slice %arg7[%run_scoped3A_233, %dma_start3A_342] : memref<4x80xi32, #tpu.memory_space<vmem>> -> memref<1x80xi32, #tpu.memory_space<vmem>>
        %dma_start3A_344 = tpu.memref_squeeze %dma_start3A_343 : memref<1x80xi32, #tpu.memory_space<vmem>> -> memref<80xi32, #tpu.memory_space<vmem>>
        %dma_start3A_345 = tpu.memref_slice %arg3[%multiple_of3A_232] : memref<320000xi32, #tpu.memory_space<hbm>> -> memref<80xi32, #tpu.memory_space<hbm>>
        %dma_start3A_346 = arith.constant 0 : i32
        %dma_start3A_347 = tpu.memref_slice %arg7[%run_scoped3A_233, %dma_start3A_346] : memref<4x80xi32, #tpu.memory_space<vmem>> -> memref<1x80xi32, #tpu.memory_space<vmem>>
        %dma_start3A_348 = tpu.memref_squeeze %dma_start3A_347 : memref<1x80xi32, #tpu.memory_space<vmem>> -> memref<80xi32, #tpu.memory_space<vmem>>
        %dma_start3A_349 = tpu.memref_slice %arg3[%multiple_of3A_232] : memref<320000xi32, #tpu.memory_space<hbm>> -> memref<80xi32, #tpu.memory_space<hbm>>
        tpu.enqueue_dma source(%dma_start3A_349 : memref<80xi32, #tpu.memory_space<hbm>>) target(%dma_start3A_348 : memref<80xi32, #tpu.memory_space<vmem>>) target_semaphore(%run_scoped3A_341 : memref<!tpu.dma_semaphore, #tpu.memory_space<semaphore_mem>>)
        %dma_wait3A_350 = arith.constant 0 : i32
        %dma_wait3A_351 = tpu.memref_slice %arg7[%run_scoped3A_233, %dma_wait3A_350] : memref<4x80xi32, #tpu.memory_space<vmem>> -> memref<1x80xi32, #tpu.memory_space<vmem>>
        %dma_wait3A_352 = tpu.memref_squeeze %dma_wait3A_351 : memref<1x80xi32, #tpu.memory_space<vmem>> -> memref<80xi32, #tpu.memory_space<vmem>>
        %dma_wait3A_353 = tpu.memref_slice %arg3[%multiple_of3A_232] : memref<320000xi32, #tpu.memory_space<hbm>> -> memref<80xi32, #tpu.memory_space<hbm>>
        %dma_wait3A_354 = arith.constant 0 : i32
        %dma_wait3A_355 = tpu.memref_slice %arg7[%run_scoped3A_233, %dma_wait3A_354] : memref<4x80xi32, #tpu.memory_space<vmem>> -> memref<1x80xi32, #tpu.memory_space<vmem>>
        %dma_wait3A_356 = tpu.memref_squeeze %dma_wait3A_355 : memref<1x80xi32, #tpu.memory_space<vmem>> -> memref<80xi32, #tpu.memory_space<vmem>>
        %dma_wait3A_357 = tpu.memref_slice %arg3[%multiple_of3A_232] : memref<320000xi32, #tpu.memory_space<hbm>> -> memref<80xi32, #tpu.memory_space<hbm>>
        tpu.wait_dma2 semaphore(%run_scoped3A_341 : memref<!tpu.dma_semaphore, #tpu.memory_space<semaphore_mem>>) src(%dma_wait3A_357 : memref<80xi32, #tpu.memory_space<hbm>>) dst(%dma_wait3A_356 : memref<80xi32, #tpu.memory_space<vmem>>)
        tpu.yield
      }) : () -> ()
      %run_scoped3A_234 = arith.constant 0 : i32
      "tpu.region"() ({
        %run_scoped3A_341 = tpu.sem_alloc : memref<!tpu.dma_semaphore, #tpu.memory_space<semaphore_mem>>
        %dma_start3A_342 = arith.constant 0 : i32
        %dma_start3A_343 = tpu.memref_slice %arg8[%run_scoped3A_234, %dma_start3A_342] : memref<4x80xi32, #tpu.memory_space<vmem>> -> memref<1x80xi32, #tpu.memory_space<vmem>>
        %dma_start3A_344 = tpu.memref_squeeze %dma_start3A_343 : memref<1x80xi32, #tpu.memory_space<vmem>> -> memref<80xi32, #tpu.memory_space<vmem>>
        %dma_start3A_345 = tpu.memref_slice %arg4[%multiple_of3A_232] : memref<320000xi32, #tpu.memory_space<hbm>> -> memref<80xi32, #tpu.memory_space<hbm>>
        %dma_start3A_346 = arith.constant 0 : i32
        %dma_start3A_347 = tpu.memref_slice %arg8[%run_scoped3A_234, %dma_start3A_346] : memref<4x80xi32, #tpu.memory_space<vmem>> -> memref<1x80xi32, #tpu.memory_space<vmem>>
        %dma_start3A_348 = tpu.memref_squeeze %dma_start3A_347 : memref<1x80xi32, #tpu.memory_space<vmem>> -> memref<80xi32, #tpu.memory_space<vmem>>
        %dma_start3A_349 = tpu.memref_slice %arg4[%multiple_of3A_232] : memref<320000xi32, #tpu.memory_space<hbm>> -> memref<80xi32, #tpu.memory_space<hbm>>
        tpu.enqueue_dma source(%dma_start3A_349 : memref<80xi32, #tpu.memory_space<hbm>>) target(%dma_start3A_348 : memref<80xi32, #tpu.memory_space<vmem>>) target_semaphore(%run_scoped3A_341 : memref<!tpu.dma_semaphore, #tpu.memory_space<semaphore_mem>>)
        %dma_wait3A_350 = arith.constant 0 : i32
        %dma_wait3A_351 = tpu.memref_slice %arg8[%run_scoped3A_234, %dma_wait3A_350] : memref<4x80xi32, #tpu.memory_space<vmem>> -> memref<1x80xi32, #tpu.memory_space<vmem>>
        %dma_wait3A_352 = tpu.memref_squeeze %dma_wait3A_351 : memref<1x80xi32, #tpu.memory_space<vmem>> -> memref<80xi32, #tpu.memory_space<vmem>>
        %dma_wait3A_353 = tpu.memref_slice %arg4[%multiple_of3A_232] : memref<320000xi32, #tpu.memory_space<hbm>> -> memref<80xi32, #tpu.memory_space<hbm>>
        %dma_wait3A_354 = arith.constant 0 : i32
        %dma_wait3A_355 = tpu.memref_slice %arg8[%run_scoped3A_234, %dma_wait3A_354] : memref<4x80xi32, #tpu.memory_space<vmem>> -> memref<1x80xi32, #tpu.memory_space<vmem>>
        %dma_wait3A_356 = tpu.memref_squeeze %dma_wait3A_355 : memref<1x80xi32, #tpu.memory_space<vmem>> -> memref<80xi32, #tpu.memory_space<vmem>>
        %dma_wait3A_357 = tpu.memref_slice %arg4[%multiple_of3A_232] : memref<320000xi32, #tpu.memory_space<hbm>> -> memref<80xi32, #tpu.memory_space<hbm>>
        tpu.wait_dma2 semaphore(%run_scoped3A_341 : memref<!tpu.dma_semaphore, #tpu.memory_space<semaphore_mem>>) src(%dma_wait3A_357 : memref<80xi32, #tpu.memory_space<hbm>>) dst(%dma_wait3A_356 : memref<80xi32, #tpu.memory_space<vmem>>)
        tpu.yield
      }) : () -> ()
      %dma_start3A_235 = arith.constant 0 : i32
      %dma_start3A_236 = arith.constant 0 : i32
      %dma_start3A_237 = arith.constant 0 : i32
      %dma_start3A_238 = arith.constant 0 : i32
      %dma_start3A_239 = tpu.memref_slice %arg9[%dma_start3A_236, %dma_start3A_237, %dma_start3A_238] : memref<4x80x128xf32, #tpu.memory_space<vmem>> -> memref<1x80x128xf32, #tpu.memory_space<vmem>>
      %dma_start3A_240 = tpu.memref_squeeze %dma_start3A_239 : memref<1x80x128xf32, #tpu.memory_space<vmem>> -> memref<80x128xf32, #tpu.memory_space<vmem>>
      %dma_start3A_241 = arith.constant 0 : i32
      %dma_start3A_242 = tpu.memref_slice %arg7[%dma_start3A_235, %dma_start3A_241] : memref<4x80xi32, #tpu.memory_space<vmem>> -> memref<1x80xi32, #tpu.memory_space<vmem>>
      %dma_start3A_243 = tpu.memref_squeeze %dma_start3A_242 : memref<1x80xi32, #tpu.memory_space<vmem>> -> memref<80xi32, #tpu.memory_space<vmem>>
      %dma_start3A_244 = arith.constant 0 : i32
      %dma_start3A_245 = arith.constant 0 : i32
      %dma_start3A_246 = tpu.memref_slice %arg2[%dma_start3A_244, %dma_start3A_245] : memref<10000x128xf32, #tpu.memory_space<hbm>> -> memref<10000x128xf32, #tpu.memory_space<hbm>>
      tpu.enqueue_indirect_dma source(%dma_start3A_246 : memref<10000x128xf32, #tpu.memory_space<hbm>>) target(%dma_start3A_240 : memref<80x128xf32, #tpu.memory_space<vmem>>) offsets(%dma_start3A_243 : memref<80xi32, #tpu.memory_space<vmem>>) semaphore(%arg11 : memref<!tpu.dma_semaphore, #tpu.memory_space<semaphore_mem>>)
      %dma_wait3A_247 = arith.constant 1 : i32
      %dma_wait3A_248 = arith.constant 1 : i32
      %dma_wait3A_249 = arith.constant 0 : i32
      %dma_wait3A_250 = arith.constant 0 : i32
      %dma_wait3A_251 = tpu.memref_slice %arg9[%dma_wait3A_248, %dma_wait3A_249, %dma_wait3A_250] : memref<4x80x128xf32, #tpu.memory_space<vmem>> -> memref<1x80x128xf32, #tpu.memory_space<vmem>>
      %dma_wait3A_252 = tpu.memref_squeeze %dma_wait3A_251 : memref<1x80x128xf32, #tpu.memory_space<vmem>> -> memref<80x128xf32, #tpu.memory_space<vmem>>
      %dma_wait3A_253 = arith.constant 0 : i32
      %dma_wait3A_254 = tpu.memref_slice %arg7[%dma_wait3A_247, %dma_wait3A_253] : memref<4x80xi32, #tpu.memory_space<vmem>> -> memref<1x80xi32, #tpu.memory_space<vmem>>
      %dma_wait3A_255 = tpu.memref_squeeze %dma_wait3A_254 : memref<1x80xi32, #tpu.memory_space<vmem>> -> memref<80xi32, #tpu.memory_space<vmem>>
      %dma_wait3A_256 = arith.constant 0 : i32
      %dma_wait3A_257 = arith.constant 0 : i32
      %dma_wait3A_258 = tpu.memref_slice %arg2[%dma_wait3A_256, %dma_wait3A_257] : memref<10000x128xf32, #tpu.memory_space<hbm>> -> memref<10000x128xf32, #tpu.memory_space<hbm>>
      tpu.wait_indirect_dma semaphore(%arg12 : memref<!tpu.dma_semaphore, #tpu.memory_space<semaphore_mem>>) src(%dma_wait3A_258 : memref<10000x128xf32, #tpu.memory_space<hbm>>) dst(%dma_wait3A_252 : memref<80x128xf32, #tpu.memory_space<vmem>>)
      %run_scoped3A_259 = arith.constant 1 : i32
      %run_scoped3A_260 = arith.constant 1 : i32
      "tpu.region"() ({
        %run_scoped3A_341 = tpu.sem_alloc : memref<!tpu.dma_semaphore, #tpu.memory_space<semaphore_mem>>
        %dma_start3A_342 = arith.constant 0 : i32
        %dma_start3A_343 = arith.constant 0 : i32
        %dma_start3A_344 = tpu.memref_slice %arg9[%run_scoped3A_259, %dma_start3A_342, %dma_start3A_343] : memref<4x80x128xf32, #tpu.memory_space<vmem>> -> memref<1x80x128xf32, #tpu.memory_space<vmem>>
        %dma_start3A_345 = tpu.memref_squeeze %dma_start3A_344 : memref<1x80x128xf32, #tpu.memory_space<vmem>> -> memref<80x128xf32, #tpu.memory_space<vmem>>
        %dma_start3A_346 = arith.constant 0 : i32
        %dma_start3A_347 = tpu.memref_slice %arg8[%run_scoped3A_260, %dma_start3A_346] : memref<4x80xi32, #tpu.memory_space<vmem>> -> memref<1x80xi32, #tpu.memory_space<vmem>>
        %dma_start3A_348 = tpu.memref_squeeze %dma_start3A_347 : memref<1x80xi32, #tpu.memory_space<vmem>> -> memref<80xi32, #tpu.memory_space<vmem>>
        %dma_start3A_349 = arith.constant 0 : i32
        %dma_start3A_350 = arith.constant 0 : i32
        %dma_start3A_351 = tpu.memref_slice %arg10[%dma_start3A_349, %dma_start3A_350] : memref<10240x128xf32, #tpu.memory_space<vmem_shared>> -> memref<10240x128xf32, #tpu.memory_space<vmem_shared>>
        tpu.enqueue_indirect_dma source(%dma_start3A_345 : memref<80x128xf32, #tpu.memory_space<vmem>>) target(%dma_start3A_351 : memref<10240x128xf32, #tpu.memory_space<vmem_shared>>) offsets(%dma_start3A_348 : memref<80xi32, #tpu.memory_space<vmem>>) semaphore(%run_scoped3A_341 : memref<!tpu.dma_semaphore, #tpu.memory_space<semaphore_mem>>) {add = true}
        %dma_wait3A_352 = arith.constant 0 : i32
        %dma_wait3A_353 = arith.constant 0 : i32
        %dma_wait3A_354 = tpu.memref_slice %arg9[%run_scoped3A_259, %dma_wait3A_352, %dma_wait3A_353] : memref<4x80x128xf32, #tpu.memory_space<vmem>> -> memref<1x80x128xf32, #tpu.memory_space<vmem>>
        %dma_wait3A_355 = tpu.memref_squeeze %dma_wait3A_354 : memref<1x80x128xf32, #tpu.memory_space<vmem>> -> memref<80x128xf32, #tpu.memory_space<vmem>>
        %dma_wait3A_356 = arith.constant 0 : i32
        %dma_wait3A_357 = tpu.memref_slice %arg8[%run_scoped3A_260, %dma_wait3A_356] : memref<4x80xi32, #tpu.memory_space<vmem>> -> memref<1x80xi32, #tpu.memory_space<vmem>>
        %dma_wait3A_358 = tpu.memref_squeeze %dma_wait3A_357 : memref<1x80xi32, #tpu.memory_space<vmem>> -> memref<80xi32, #tpu.memory_space<vmem>>
        %dma_wait3A_359 = arith.constant 0 : i32
        %dma_wait3A_360 = arith.constant 0 : i32
        %dma_wait3A_361 = tpu.memref_slice %arg10[%dma_wait3A_359, %dma_wait3A_360] : memref<10240x128xf32, #tpu.memory_space<vmem_shared>> -> memref<10240x128xf32, #tpu.memory_space<vmem_shared>>
        tpu.wait_indirect_dma semaphore(%run_scoped3A_341 : memref<!tpu.dma_semaphore, #tpu.memory_space<semaphore_mem>>) src(%dma_wait3A_355 : memref<80x128xf32, #tpu.memory_space<vmem>>) dst(%dma_wait3A_361 : memref<10240x128xf32, #tpu.memory_space<vmem_shared>>)
        tpu.yield
      }) : () -> ()
      %add3A_261 = arith.constant 2 : i32
      %add3A_262 = arith.addi %mul3A_181, %add3A_261 : i32
      %add3A_263 = arith.constant 4 : i32
      %add3A_264 = arith.addi %add3A_262, %add3A_263 : i32
      %sub3A_265 = arith.constant 1 : i32
      %sub3A_266 = arith.subi %add3A_264, %sub3A_265 : i32
      %mul3A_267 = arith.constant 10000 : i32
      %mul3A_268 = arith.muli %add3A, %mul3A_267 : i32
      %mul3A_269 = arith.constant 80 : i32
      %mul3A_270 = arith.muli %sub3A_266, %mul3A_269 : i32
      %add3A_271 = arith.addi %mul3A_268, %mul3A_270 : i32
      %multiple_of3A_272 = tpu.assume_multiple %add3A_271, 8 : i32
      %run_scoped3A_273 = arith.constant 1 : i32
      "tpu.region"() ({
        %run_scoped3A_341 = tpu.sem_alloc : memref<!tpu.dma_semaphore, #tpu.memory_space<semaphore_mem>>
        %dma_start3A_342 = arith.constant 0 : i32
        %dma_start3A_343 = tpu.memref_slice %arg7[%run_scoped3A_273, %dma_start3A_342] : memref<4x80xi32, #tpu.memory_space<vmem>> -> memref<1x80xi32, #tpu.memory_space<vmem>>
        %dma_start3A_344 = tpu.memref_squeeze %dma_start3A_343 : memref<1x80xi32, #tpu.memory_space<vmem>> -> memref<80xi32, #tpu.memory_space<vmem>>
        %dma_start3A_345 = tpu.memref_slice %arg3[%multiple_of3A_272] : memref<320000xi32, #tpu.memory_space<hbm>> -> memref<80xi32, #tpu.memory_space<hbm>>
        %dma_start3A_346 = arith.constant 0 : i32
        %dma_start3A_347 = tpu.memref_slice %arg7[%run_scoped3A_273, %dma_start3A_346] : memref<4x80xi32, #tpu.memory_space<vmem>> -> memref<1x80xi32, #tpu.memory_space<vmem>>
        %dma_start3A_348 = tpu.memref_squeeze %dma_start3A_347 : memref<1x80xi32, #tpu.memory_space<vmem>> -> memref<80xi32, #tpu.memory_space<vmem>>
        %dma_start3A_349 = tpu.memref_slice %arg3[%multiple_of3A_272] : memref<320000xi32, #tpu.memory_space<hbm>> -> memref<80xi32, #tpu.memory_space<hbm>>
        tpu.enqueue_dma source(%dma_start3A_349 : memref<80xi32, #tpu.memory_space<hbm>>) target(%dma_start3A_348 : memref<80xi32, #tpu.memory_space<vmem>>) target_semaphore(%run_scoped3A_341 : memref<!tpu.dma_semaphore, #tpu.memory_space<semaphore_mem>>)
        %dma_wait3A_350 = arith.constant 0 : i32
        %dma_wait3A_351 = tpu.memref_slice %arg7[%run_scoped3A_273, %dma_wait3A_350] : memref<4x80xi32, #tpu.memory_space<vmem>> -> memref<1x80xi32, #tpu.memory_space<vmem>>
        %dma_wait3A_352 = tpu.memref_squeeze %dma_wait3A_351 : memref<1x80xi32, #tpu.memory_space<vmem>> -> memref<80xi32, #tpu.memory_space<vmem>>
        %dma_wait3A_353 = tpu.memref_slice %arg3[%multiple_of3A_272] : memref<320000xi32, #tpu.memory_space<hbm>> -> memref<80xi32, #tpu.memory_space<hbm>>
        %dma_wait3A_354 = arith.constant 0 : i32
        %dma_wait3A_355 = tpu.memref_slice %arg7[%run_scoped3A_273, %dma_wait3A_354] : memref<4x80xi32, #tpu.memory_space<vmem>> -> memref<1x80xi32, #tpu.memory_space<vmem>>
        %dma_wait3A_356 = tpu.memref_squeeze %dma_wait3A_355 : memref<1x80xi32, #tpu.memory_space<vmem>> -> memref<80xi32, #tpu.memory_space<vmem>>
        %dma_wait3A_357 = tpu.memref_slice %arg3[%multiple_of3A_272] : memref<320000xi32, #tpu.memory_space<hbm>> -> memref<80xi32, #tpu.memory_space<hbm>>
        tpu.wait_dma2 semaphore(%run_scoped3A_341 : memref<!tpu.dma_semaphore, #tpu.memory_space<semaphore_mem>>) src(%dma_wait3A_357 : memref<80xi32, #tpu.memory_space<hbm>>) dst(%dma_wait3A_356 : memref<80xi32, #tpu.memory_space<vmem>>)
        tpu.yield
      }) : () -> ()
      %run_scoped3A_274 = arith.constant 1 : i32
      "tpu.region"() ({
        %run_scoped3A_341 = tpu.sem_alloc : memref<!tpu.dma_semaphore, #tpu.memory_space<semaphore_mem>>
        %dma_start3A_342 = arith.constant 0 : i32
        %dma_start3A_343 = tpu.memref_slice %arg8[%run_scoped3A_274, %dma_start3A_342] : memref<4x80xi32, #tpu.memory_space<vmem>> -> memref<1x80xi32, #tpu.memory_space<vmem>>
        %dma_start3A_344 = tpu.memref_squeeze %dma_start3A_343 : memref<1x80xi32, #tpu.memory_space<vmem>> -> memref<80xi32, #tpu.memory_space<vmem>>
        %dma_start3A_345 = tpu.memref_slice %arg4[%multiple_of3A_272] : memref<320000xi32, #tpu.memory_space<hbm>> -> memref<80xi32, #tpu.memory_space<hbm>>
        %dma_start3A_346 = arith.constant 0 : i32
        %dma_start3A_347 = tpu.memref_slice %arg8[%run_scoped3A_274, %dma_start3A_346] : memref<4x80xi32, #tpu.memory_space<vmem>> -> memref<1x80xi32, #tpu.memory_space<vmem>>
        %dma_start3A_348 = tpu.memref_squeeze %dma_start3A_347 : memref<1x80xi32, #tpu.memory_space<vmem>> -> memref<80xi32, #tpu.memory_space<vmem>>
        %dma_start3A_349 = tpu.memref_slice %arg4[%multiple_of3A_272] : memref<320000xi32, #tpu.memory_space<hbm>> -> memref<80xi32, #tpu.memory_space<hbm>>
        tpu.enqueue_dma source(%dma_start3A_349 : memref<80xi32, #tpu.memory_space<hbm>>) target(%dma_start3A_348 : memref<80xi32, #tpu.memory_space<vmem>>) target_semaphore(%run_scoped3A_341 : memref<!tpu.dma_semaphore, #tpu.memory_space<semaphore_mem>>)
        %dma_wait3A_350 = arith.constant 0 : i32
        %dma_wait3A_351 = tpu.memref_slice %arg8[%run_scoped3A_274, %dma_wait3A_350] : memref<4x80xi32, #tpu.memory_space<vmem>> -> memref<1x80xi32, #tpu.memory_space<vmem>>
        %dma_wait3A_352 = tpu.memref_squeeze %dma_wait3A_351 : memref<1x80xi32, #tpu.memory_space<vmem>> -> memref<80xi32, #tpu.memory_space<vmem>>
        %dma_wait3A_353 = tpu.memref_slice %arg4[%multiple_of3A_272] : memref<320000xi32, #tpu.memory_space<hbm>> -> memref<80xi32, #tpu.memory_space<hbm>>
        %dma_wait3A_354 = arith.constant 0 : i32
        %dma_wait3A_355 = tpu.memref_slice %arg8[%run_scoped3A_274, %dma_wait3A_354] : memref<4x80xi32, #tpu.memory_space<vmem>> -> memref<1x80xi32, #tpu.memory_space<vmem>>
        %dma_wait3A_356 = tpu.memref_squeeze %dma_wait3A_355 : memref<1x80xi32, #tpu.memory_space<vmem>> -> memref<80xi32, #tpu.memory_space<vmem>>
        %dma_wait3A_357 = tpu.memref_slice %arg4[%multiple_of3A_272] : memref<320000xi32, #tpu.memory_space<hbm>> -> memref<80xi32, #tpu.memory_space<hbm>>
        tpu.wait_dma2 semaphore(%run_scoped3A_341 : memref<!tpu.dma_semaphore, #tpu.memory_space<semaphore_mem>>) src(%dma_wait3A_357 : memref<80xi32, #tpu.memory_space<hbm>>) dst(%dma_wait3A_356 : memref<80xi32, #tpu.memory_space<vmem>>)
        tpu.yield
      }) : () -> ()
      %dma_start3A_275 = arith.constant 1 : i32
      %dma_start3A_276 = arith.constant 1 : i32
      %dma_start3A_277 = arith.constant 0 : i32
      %dma_start3A_278 = arith.constant 0 : i32
      %dma_start3A_279 = tpu.memref_slice %arg9[%dma_start3A_276, %dma_start3A_277, %dma_start3A_278] : memref<4x80x128xf32, #tpu.memory_space<vmem>> -> memref<1x80x128xf32, #tpu.memory_space<vmem>>
      %dma_start3A_280 = tpu.memref_squeeze %dma_start3A_279 : memref<1x80x128xf32, #tpu.memory_space<vmem>> -> memref<80x128xf32, #tpu.memory_space<vmem>>
      %dma_start3A_281 = arith.constant 0 : i32
      %dma_start3A_282 = tpu.memref_slice %arg7[%dma_start3A_275, %dma_start3A_281] : memref<4x80xi32, #tpu.memory_space<vmem>> -> memref<1x80xi32, #tpu.memory_space<vmem>>
      %dma_start3A_283 = tpu.memref_squeeze %dma_start3A_282 : memref<1x80xi32, #tpu.memory_space<vmem>> -> memref<80xi32, #tpu.memory_space<vmem>>
      %dma_start3A_284 = arith.constant 0 : i32
      %dma_start3A_285 = arith.constant 0 : i32
      %dma_start3A_286 = tpu.memref_slice %arg2[%dma_start3A_284, %dma_start3A_285] : memref<10000x128xf32, #tpu.memory_space<hbm>> -> memref<10000x128xf32, #tpu.memory_space<hbm>>
      tpu.enqueue_indirect_dma source(%dma_start3A_286 : memref<10000x128xf32, #tpu.memory_space<hbm>>) target(%dma_start3A_280 : memref<80x128xf32, #tpu.memory_space<vmem>>) offsets(%dma_start3A_283 : memref<80xi32, #tpu.memory_space<vmem>>) semaphore(%arg12 : memref<!tpu.dma_semaphore, #tpu.memory_space<semaphore_mem>>)
      %dma_wait3A_287 = arith.constant 2 : i32
      %dma_wait3A_288 = arith.constant 2 : i32
      %dma_wait3A_289 = arith.constant 0 : i32
      %dma_wait3A_290 = arith.constant 0 : i32
      %dma_wait3A_291 = tpu.memref_slice %arg9[%dma_wait3A_288, %dma_wait3A_289, %dma_wait3A_290] : memref<4x80x128xf32, #tpu.memory_space<vmem>> -> memref<1x80x128xf32, #tpu.memory_space<vmem>>
      %dma_wait3A_292 = tpu.memref_squeeze %dma_wait3A_291 : memref<1x80x128xf32, #tpu.memory_space<vmem>> -> memref<80x128xf32, #tpu.memory_space<vmem>>
      %dma_wait3A_293 = arith.constant 0 : i32
      %dma_wait3A_294 = tpu.memref_slice %arg7[%dma_wait3A_287, %dma_wait3A_293] : memref<4x80xi32, #tpu.memory_space<vmem>> -> memref<1x80xi32, #tpu.memory_space<vmem>>
      %dma_wait3A_295 = tpu.memref_squeeze %dma_wait3A_294 : memref<1x80xi32, #tpu.memory_space<vmem>> -> memref<80xi32, #tpu.memory_space<vmem>>
      %dma_wait3A_296 = arith.constant 0 : i32
      %dma_wait3A_297 = arith.constant 0 : i32
      %dma_wait3A_298 = tpu.memref_slice %arg2[%dma_wait3A_296, %dma_wait3A_297] : memref<10000x128xf32, #tpu.memory_space<hbm>> -> memref<10000x128xf32, #tpu.memory_space<hbm>>
      tpu.wait_indirect_dma semaphore(%arg13 : memref<!tpu.dma_semaphore, #tpu.memory_space<semaphore_mem>>) src(%dma_wait3A_298 : memref<10000x128xf32, #tpu.memory_space<hbm>>) dst(%dma_wait3A_292 : memref<80x128xf32, #tpu.memory_space<vmem>>)
      %run_scoped3A_299 = arith.constant 2 : i32
      %run_scoped3A_300 = arith.constant 2 : i32
      "tpu.region"() ({
        %run_scoped3A_341 = tpu.sem_alloc : memref<!tpu.dma_semaphore, #tpu.memory_space<semaphore_mem>>
        %dma_start3A_342 = arith.constant 0 : i32
        %dma_start3A_343 = arith.constant 0 : i32
        %dma_start3A_344 = tpu.memref_slice %arg9[%run_scoped3A_299, %dma_start3A_342, %dma_start3A_343] : memref<4x80x128xf32, #tpu.memory_space<vmem>> -> memref<1x80x128xf32, #tpu.memory_space<vmem>>
        %dma_start3A_345 = tpu.memref_squeeze %dma_start3A_344 : memref<1x80x128xf32, #tpu.memory_space<vmem>> -> memref<80x128xf32, #tpu.memory_space<vmem>>
        %dma_start3A_346 = arith.constant 0 : i32
        %dma_start3A_347 = tpu.memref_slice %arg8[%run_scoped3A_300, %dma_start3A_346] : memref<4x80xi32, #tpu.memory_space<vmem>> -> memref<1x80xi32, #tpu.memory_space<vmem>>
        %dma_start3A_348 = tpu.memref_squeeze %dma_start3A_347 : memref<1x80xi32, #tpu.memory_space<vmem>> -> memref<80xi32, #tpu.memory_space<vmem>>
        %dma_start3A_349 = arith.constant 0 : i32
        %dma_start3A_350 = arith.constant 0 : i32
        %dma_start3A_351 = tpu.memref_slice %arg10[%dma_start3A_349, %dma_start3A_350] : memref<10240x128xf32, #tpu.memory_space<vmem_shared>> -> memref<10240x128xf32, #tpu.memory_space<vmem_shared>>
        tpu.enqueue_indirect_dma source(%dma_start3A_345 : memref<80x128xf32, #tpu.memory_space<vmem>>) target(%dma_start3A_351 : memref<10240x128xf32, #tpu.memory_space<vmem_shared>>) offsets(%dma_start3A_348 : memref<80xi32, #tpu.memory_space<vmem>>) semaphore(%run_scoped3A_341 : memref<!tpu.dma_semaphore, #tpu.memory_space<semaphore_mem>>) {add = true}
        %dma_wait3A_352 = arith.constant 0 : i32
        %dma_wait3A_353 = arith.constant 0 : i32
        %dma_wait3A_354 = tpu.memref_slice %arg9[%run_scoped3A_299, %dma_wait3A_352, %dma_wait3A_353] : memref<4x80x128xf32, #tpu.memory_space<vmem>> -> memref<1x80x128xf32, #tpu.memory_space<vmem>>
        %dma_wait3A_355 = tpu.memref_squeeze %dma_wait3A_354 : memref<1x80x128xf32, #tpu.memory_space<vmem>> -> memref<80x128xf32, #tpu.memory_space<vmem>>
        %dma_wait3A_356 = arith.constant 0 : i32
        %dma_wait3A_357 = tpu.memref_slice %arg8[%run_scoped3A_300, %dma_wait3A_356] : memref<4x80xi32, #tpu.memory_space<vmem>> -> memref<1x80xi32, #tpu.memory_space<vmem>>
        %dma_wait3A_358 = tpu.memref_squeeze %dma_wait3A_357 : memref<1x80xi32, #tpu.memory_space<vmem>> -> memref<80xi32, #tpu.memory_space<vmem>>
        %dma_wait3A_359 = arith.constant 0 : i32
        %dma_wait3A_360 = arith.constant 0 : i32
        %dma_wait3A_361 = tpu.memref_slice %arg10[%dma_wait3A_359, %dma_wait3A_360] : memref<10240x128xf32, #tpu.memory_space<vmem_shared>> -> memref<10240x128xf32, #tpu.memory_space<vmem_shared>>
        tpu.wait_indirect_dma semaphore(%run_scoped3A_341 : memref<!tpu.dma_semaphore, #tpu.memory_space<semaphore_mem>>) src(%dma_wait3A_355 : memref<80x128xf32, #tpu.memory_space<vmem>>) dst(%dma_wait3A_361 : memref<10240x128xf32, #tpu.memory_space<vmem_shared>>)
        tpu.yield
      }) : () -> ()
      %add3A_301 = arith.constant 3 : i32
      %add3A_302 = arith.addi %mul3A_181, %add3A_301 : i32
      %add3A_303 = arith.constant 4 : i32
      %add3A_304 = arith.addi %add3A_302, %add3A_303 : i32
      %sub3A_305 = arith.constant 1 : i32
      %sub3A_306 = arith.subi %add3A_304, %sub3A_305 : i32
      %mul3A_307 = arith.constant 10000 : i32
      %mul3A_308 = arith.muli %add3A, %mul3A_307 : i32
      %mul3A_309 = arith.constant 80 : i32
      %mul3A_310 = arith.muli %sub3A_306, %mul3A_309 : i32
      %add3A_311 = arith.addi %mul3A_308, %mul3A_310 : i32
      %multiple_of3A_312 = tpu.assume_multiple %add3A_311, 8 : i32
      %run_scoped3A_313 = arith.constant 2 : i32
      "tpu.region"() ({
        %run_scoped3A_341 = tpu.sem_alloc : memref<!tpu.dma_semaphore, #tpu.memory_space<semaphore_mem>>
        %dma_start3A_342 = arith.constant 0 : i32
        %dma_start3A_343 = tpu.memref_slice %arg7[%run_scoped3A_313, %dma_start3A_342] : memref<4x80xi32, #tpu.memory_space<vmem>> -> memref<1x80xi32, #tpu.memory_space<vmem>>
        %dma_start3A_344 = tpu.memref_squeeze %dma_start3A_343 : memref<1x80xi32, #tpu.memory_space<vmem>> -> memref<80xi32, #tpu.memory_space<vmem>>
        %dma_start3A_345 = tpu.memref_slice %arg3[%multiple_of3A_312] : memref<320000xi32, #tpu.memory_space<hbm>> -> memref<80xi32, #tpu.memory_space<hbm>>
        %dma_start3A_346 = arith.constant 0 : i32
        %dma_start3A_347 = tpu.memref_slice %arg7[%run_scoped3A_313, %dma_start3A_346] : memref<4x80xi32, #tpu.memory_space<vmem>> -> memref<1x80xi32, #tpu.memory_space<vmem>>
        %dma_start3A_348 = tpu.memref_squeeze %dma_start3A_347 : memref<1x80xi32, #tpu.memory_space<vmem>> -> memref<80xi32, #tpu.memory_space<vmem>>
        %dma_start3A_349 = tpu.memref_slice %arg3[%multiple_of3A_312] : memref<320000xi32, #tpu.memory_space<hbm>> -> memref<80xi32, #tpu.memory_space<hbm>>
        tpu.enqueue_dma source(%dma_start3A_349 : memref<80xi32, #tpu.memory_space<hbm>>) target(%dma_start3A_348 : memref<80xi32, #tpu.memory_space<vmem>>) target_semaphore(%run_scoped3A_341 : memref<!tpu.dma_semaphore, #tpu.memory_space<semaphore_mem>>)
        %dma_wait3A_350 = arith.constant 0 : i32
        %dma_wait3A_351 = tpu.memref_slice %arg7[%run_scoped3A_313, %dma_wait3A_350] : memref<4x80xi32, #tpu.memory_space<vmem>> -> memref<1x80xi32, #tpu.memory_space<vmem>>
        %dma_wait3A_352 = tpu.memref_squeeze %dma_wait3A_351 : memref<1x80xi32, #tpu.memory_space<vmem>> -> memref<80xi32, #tpu.memory_space<vmem>>
        %dma_wait3A_353 = tpu.memref_slice %arg3[%multiple_of3A_312] : memref<320000xi32, #tpu.memory_space<hbm>> -> memref<80xi32, #tpu.memory_space<hbm>>
        %dma_wait3A_354 = arith.constant 0 : i32
        %dma_wait3A_355 = tpu.memref_slice %arg7[%run_scoped3A_313, %dma_wait3A_354] : memref<4x80xi32, #tpu.memory_space<vmem>> -> memref<1x80xi32, #tpu.memory_space<vmem>>
        %dma_wait3A_356 = tpu.memref_squeeze %dma_wait3A_355 : memref<1x80xi32, #tpu.memory_space<vmem>> -> memref<80xi32, #tpu.memory_space<vmem>>
        %dma_wait3A_357 = tpu.memref_slice %arg3[%multiple_of3A_312] : memref<320000xi32, #tpu.memory_space<hbm>> -> memref<80xi32, #tpu.memory_space<hbm>>
        tpu.wait_dma2 semaphore(%run_scoped3A_341 : memref<!tpu.dma_semaphore, #tpu.memory_space<semaphore_mem>>) src(%dma_wait3A_357 : memref<80xi32, #tpu.memory_space<hbm>>) dst(%dma_wait3A_356 : memref<80xi32, #tpu.memory_space<vmem>>)
        tpu.yield
      }) : () -> ()
      %run_scoped3A_314 = arith.constant 2 : i32
      "tpu.region"() ({
        %run_scoped3A_341 = tpu.sem_alloc : memref<!tpu.dma_semaphore, #tpu.memory_space<semaphore_mem>>
        %dma_start3A_342 = arith.constant 0 : i32
        %dma_start3A_343 = tpu.memref_slice %arg8[%run_scoped3A_314, %dma_start3A_342] : memref<4x80xi32, #tpu.memory_space<vmem>> -> memref<1x80xi32, #tpu.memory_space<vmem>>
        %dma_start3A_344 = tpu.memref_squeeze %dma_start3A_343 : memref<1x80xi32, #tpu.memory_space<vmem>> -> memref<80xi32, #tpu.memory_space<vmem>>
        %dma_start3A_345 = tpu.memref_slice %arg4[%multiple_of3A_312] : memref<320000xi32, #tpu.memory_space<hbm>> -> memref<80xi32, #tpu.memory_space<hbm>>
        %dma_start3A_346 = arith.constant 0 : i32
        %dma_start3A_347 = tpu.memref_slice %arg8[%run_scoped3A_314, %dma_start3A_346] : memref<4x80xi32, #tpu.memory_space<vmem>> -> memref<1x80xi32, #tpu.memory_space<vmem>>
        %dma_start3A_348 = tpu.memref_squeeze %dma_start3A_347 : memref<1x80xi32, #tpu.memory_space<vmem>> -> memref<80xi32, #tpu.memory_space<vmem>>
        %dma_start3A_349 = tpu.memref_slice %arg4[%multiple_of3A_312] : memref<320000xi32, #tpu.memory_space<hbm>> -> memref<80xi32, #tpu.memory_space<hbm>>
        tpu.enqueue_dma source(%dma_start3A_349 : memref<80xi32, #tpu.memory_space<hbm>>) target(%dma_start3A_348 : memref<80xi32, #tpu.memory_space<vmem>>) target_semaphore(%run_scoped3A_341 : memref<!tpu.dma_semaphore, #tpu.memory_space<semaphore_mem>>)
        %dma_wait3A_350 = arith.constant 0 : i32
        %dma_wait3A_351 = tpu.memref_slice %arg8[%run_scoped3A_314, %dma_wait3A_350] : memref<4x80xi32, #tpu.memory_space<vmem>> -> memref<1x80xi32, #tpu.memory_space<vmem>>
        %dma_wait3A_352 = tpu.memref_squeeze %dma_wait3A_351 : memref<1x80xi32, #tpu.memory_space<vmem>> -> memref<80xi32, #tpu.memory_space<vmem>>
        %dma_wait3A_353 = tpu.memref_slice %arg4[%multiple_of3A_312] : memref<320000xi32, #tpu.memory_space<hbm>> -> memref<80xi32, #tpu.memory_space<hbm>>
        %dma_wait3A_354 = arith.constant 0 : i32
        %dma_wait3A_355 = tpu.memref_slice %arg8[%run_scoped3A_314, %dma_wait3A_354] : memref<4x80xi32, #tpu.memory_space<vmem>> -> memref<1x80xi32, #tpu.memory_space<vmem>>
        %dma_wait3A_356 = tpu.memref_squeeze %dma_wait3A_355 : memref<1x80xi32, #tpu.memory_space<vmem>> -> memref<80xi32, #tpu.memory_space<vmem>>
        %dma_wait3A_357 = tpu.memref_slice %arg4[%multiple_of3A_312] : memref<320000xi32, #tpu.memory_space<hbm>> -> memref<80xi32, #tpu.memory_space<hbm>>
        tpu.wait_dma2 semaphore(%run_scoped3A_341 : memref<!tpu.dma_semaphore, #tpu.memory_space<semaphore_mem>>) src(%dma_wait3A_357 : memref<80xi32, #tpu.memory_space<hbm>>) dst(%dma_wait3A_356 : memref<80xi32, #tpu.memory_space<vmem>>)
        tpu.yield
      }) : () -> ()
      %dma_start3A_315 = arith.constant 2 : i32
      %dma_start3A_316 = arith.constant 2 : i32
      %dma_start3A_317 = arith.constant 0 : i32
      %dma_start3A_318 = arith.constant 0 : i32
      %dma_start3A_319 = tpu.memref_slice %arg9[%dma_start3A_316, %dma_start3A_317, %dma_start3A_318] : memref<4x80x128xf32, #tpu.memory_space<vmem>> -> memref<1x80x128xf32, #tpu.memory_space<vmem>>
      %dma_start3A_320 = tpu.memref_squeeze %dma_start3A_319 : memref<1x80x128xf32, #tpu.memory_space<vmem>> -> memref<80x128xf32, #tpu.memory_space<vmem>>
      %dma_start3A_321 = arith.constant 0 : i32
      %dma_start3A_322 = tpu.memref_slice %arg7[%dma_start3A_315, %dma_start3A_321] : memref<4x80xi32, #tpu.memory_space<vmem>> -> memref<1x80xi32, #tpu.memory_space<vmem>>
      %dma_start3A_323 = tpu.memref_squeeze %dma_start3A_322 : memref<1x80xi32, #tpu.memory_space<vmem>> -> memref<80xi32, #tpu.memory_space<vmem>>
      %dma_start3A_324 = arith.constant 0 : i32
      %dma_start3A_325 = arith.constant 0 : i32
      %dma_start3A_326 = tpu.memref_slice %arg2[%dma_start3A_324, %dma_start3A_325] : memref<10000x128xf32, #tpu.memory_space<hbm>> -> memref<10000x128xf32, #tpu.memory_space<hbm>>
      tpu.enqueue_indirect_dma source(%dma_start3A_326 : memref<10000x128xf32, #tpu.memory_space<hbm>>) target(%dma_start3A_320 : memref<80x128xf32, #tpu.memory_space<vmem>>) offsets(%dma_start3A_323 : memref<80xi32, #tpu.memory_space<vmem>>) semaphore(%arg13 : memref<!tpu.dma_semaphore, #tpu.memory_space<semaphore_mem>>)
      %dma_wait3A_327 = arith.constant 3 : i32
      %dma_wait3A_328 = arith.constant 3 : i32
      %dma_wait3A_329 = arith.constant 0 : i32
      %dma_wait3A_330 = arith.constant 0 : i32
      %dma_wait3A_331 = tpu.memref_slice %arg9[%dma_wait3A_328, %dma_wait3A_329, %dma_wait3A_330] : memref<4x80x128xf32, #tpu.memory_space<vmem>> -> memref<1x80x128xf32, #tpu.memory_space<vmem>>
      %dma_wait3A_332 = tpu.memref_squeeze %dma_wait3A_331 : memref<1x80x128xf32, #tpu.memory_space<vmem>> -> memref<80x128xf32, #tpu.memory_space<vmem>>
      %dma_wait3A_333 = arith.constant 0 : i32
      %dma_wait3A_334 = tpu.memref_slice %arg7[%dma_wait3A_327, %dma_wait3A_333] : memref<4x80xi32, #tpu.memory_space<vmem>> -> memref<1x80xi32, #tpu.memory_space<vmem>>
      %dma_wait3A_335 = tpu.memref_squeeze %dma_wait3A_334 : memref<1x80xi32, #tpu.memory_space<vmem>> -> memref<80xi32, #tpu.memory_space<vmem>>
      %dma_wait3A_336 = arith.constant 0 : i32
      %dma_wait3A_337 = arith.constant 0 : i32
      %dma_wait3A_338 = tpu.memref_slice %arg2[%dma_wait3A_336, %dma_wait3A_337] : memref<10000x128xf32, #tpu.memory_space<hbm>> -> memref<10000x128xf32, #tpu.memory_space<hbm>>
      tpu.wait_indirect_dma semaphore(%arg14 : memref<!tpu.dma_semaphore, #tpu.memory_space<semaphore_mem>>) src(%dma_wait3A_338 : memref<10000x128xf32, #tpu.memory_space<hbm>>) dst(%dma_wait3A_332 : memref<80x128xf32, #tpu.memory_space<vmem>>)
      %run_scoped3A_339 = arith.constant 3 : i32
      %run_scoped3A_340 = arith.constant 3 : i32
      "tpu.region"() ({
        %run_scoped3A_341 = tpu.sem_alloc : memref<!tpu.dma_semaphore, #tpu.memory_space<semaphore_mem>>
        %dma_start3A_342 = arith.constant 0 : i32
        %dma_start3A_343 = arith.constant 0 : i32
        %dma_start3A_344 = tpu.memref_slice %arg9[%run_scoped3A_339, %dma_start3A_342, %dma_start3A_343] : memref<4x80x128xf32, #tpu.memory_space<vmem>> -> memref<1x80x128xf32, #tpu.memory_space<vmem>>
        %dma_start3A_345 = tpu.memref_squeeze %dma_start3A_344 : memref<1x80x128xf32, #tpu.memory_space<vmem>> -> memref<80x128xf32, #tpu.memory_space<vmem>>
        %dma_start3A_346 = arith.constant 0 : i32
        %dma_start3A_347 = tpu.memref_slice %arg8[%run_scoped3A_340, %dma_start3A_346] : memref<4x80xi32, #tpu.memory_space<vmem>> -> memref<1x80xi32, #tpu.memory_space<vmem>>
        %dma_start3A_348 = tpu.memref_squeeze %dma_start3A_347 : memref<1x80xi32, #tpu.memory_space<vmem>> -> memref<80xi32, #tpu.memory_space<vmem>>
        %dma_start3A_349 = arith.constant 0 : i32
        %dma_start3A_350 = arith.constant 0 : i32
        %dma_start3A_351 = tpu.memref_slice %arg10[%dma_start3A_349, %dma_start3A_350] : memref<10240x128xf32, #tpu.memory_space<vmem_shared>> -> memref<10240x128xf32, #tpu.memory_space<vmem_shared>>
        tpu.enqueue_indirect_dma source(%dma_start3A_345 : memref<80x128xf32, #tpu.memory_space<vmem>>) target(%dma_start3A_351 : memref<10240x128xf32, #tpu.memory_space<vmem_shared>>) offsets(%dma_start3A_348 : memref<80xi32, #tpu.memory_space<vmem>>) semaphore(%run_scoped3A_341 : memref<!tpu.dma_semaphore, #tpu.memory_space<semaphore_mem>>) {add = true}
        %dma_wait3A_352 = arith.constant 0 : i32
        %dma_wait3A_353 = arith.constant 0 : i32
        %dma_wait3A_354 = tpu.memref_slice %arg9[%run_scoped3A_339, %dma_wait3A_352, %dma_wait3A_353] : memref<4x80x128xf32, #tpu.memory_space<vmem>> -> memref<1x80x128xf32, #tpu.memory_space<vmem>>
        %dma_wait3A_355 = tpu.memref_squeeze %dma_wait3A_354 : memref<1x80x128xf32, #tpu.memory_space<vmem>> -> memref<80x128xf32, #tpu.memory_space<vmem>>
        %dma_wait3A_356 = arith.constant 0 : i32
        %dma_wait3A_357 = tpu.memref_slice %arg8[%run_scoped3A_340, %dma_wait3A_356] : memref<4x80xi32, #tpu.memory_space<vmem>> -> memref<1x80xi32, #tpu.memory_space<vmem>>
        %dma_wait3A_358 = tpu.memref_squeeze %dma_wait3A_357 : memref<1x80xi32, #tpu.memory_space<vmem>> -> memref<80xi32, #tpu.memory_space<vmem>>
        %dma_wait3A_359 = arith.constant 0 : i32
        %dma_wait3A_360 = arith.constant 0 : i32
        %dma_wait3A_361 = tpu.memref_slice %arg10[%dma_wait3A_359, %dma_wait3A_360] : memref<10240x128xf32, #tpu.memory_space<vmem_shared>> -> memref<10240x128xf32, #tpu.memory_space<vmem_shared>>
        tpu.wait_indirect_dma semaphore(%run_scoped3A_341 : memref<!tpu.dma_semaphore, #tpu.memory_space<semaphore_mem>>) src(%dma_wait3A_355 : memref<80x128xf32, #tpu.memory_space<vmem>>) dst(%dma_wait3A_361 : memref<10240x128xf32, #tpu.memory_space<vmem_shared>>)
        tpu.yield
      }) : () -> ()
    }
    %scan3A_63 = arith.constant 30 : i32
    %mul3A_64 = arith.constant 10000 : i32
    %mul3A_65 = arith.muli %add3A, %mul3A_64 : i32
    %add3A_66 = arith.constant 9840 : i32
    %add3A_67 = arith.addi %mul3A_65, %add3A_66 : i32
    %multiple_of3A_68 = tpu.assume_multiple %add3A_67, 8 : i32
    %run_scoped3A_69 = arith.constant 3 : i32
    "tpu.region"() ({
      %run_scoped3A_179 = tpu.sem_alloc : memref<!tpu.dma_semaphore, #tpu.memory_space<semaphore_mem>>
      %dma_start3A_180 = arith.constant 0 : i32
      %dma_start3A_181 = tpu.memref_slice %arg7[%run_scoped3A_69, %dma_start3A_180] : memref<4x80xi32, #tpu.memory_space<vmem>> -> memref<1x80xi32, #tpu.memory_space<vmem>>
      %dma_start3A_182 = tpu.memref_squeeze %dma_start3A_181 : memref<1x80xi32, #tpu.memory_space<vmem>> -> memref<80xi32, #tpu.memory_space<vmem>>
      %dma_start3A_183 = tpu.memref_slice %arg3[%multiple_of3A_68] : memref<320000xi32, #tpu.memory_space<hbm>> -> memref<80xi32, #tpu.memory_space<hbm>>
      %dma_start3A_184 = arith.constant 0 : i32
      %dma_start3A_185 = tpu.memref_slice %arg7[%run_scoped3A_69, %dma_start3A_184] : memref<4x80xi32, #tpu.memory_space<vmem>> -> memref<1x80xi32, #tpu.memory_space<vmem>>
      %dma_start3A_186 = tpu.memref_squeeze %dma_start3A_185 : memref<1x80xi32, #tpu.memory_space<vmem>> -> memref<80xi32, #tpu.memory_space<vmem>>
      %dma_start3A_187 = tpu.memref_slice %arg3[%multiple_of3A_68] : memref<320000xi32, #tpu.memory_space<hbm>> -> memref<80xi32, #tpu.memory_space<hbm>>
      tpu.enqueue_dma source(%dma_start3A_187 : memref<80xi32, #tpu.memory_space<hbm>>) target(%dma_start3A_186 : memref<80xi32, #tpu.memory_space<vmem>>) target_semaphore(%run_scoped3A_179 : memref<!tpu.dma_semaphore, #tpu.memory_space<semaphore_mem>>)
      %dma_wait3A_188 = arith.constant 0 : i32
      %dma_wait3A_189 = tpu.memref_slice %arg7[%run_scoped3A_69, %dma_wait3A_188] : memref<4x80xi32, #tpu.memory_space<vmem>> -> memref<1x80xi32, #tpu.memory_space<vmem>>
      %dma_wait3A_190 = tpu.memref_squeeze %dma_wait3A_189 : memref<1x80xi32, #tpu.memory_space<vmem>> -> memref<80xi32, #tpu.memory_space<vmem>>
      %dma_wait3A_191 = tpu.memref_slice %arg3[%multiple_of3A_68] : memref<320000xi32, #tpu.memory_space<hbm>> -> memref<80xi32, #tpu.memory_space<hbm>>
      %dma_wait3A_192 = arith.constant 0 : i32
      %dma_wait3A_193 = tpu.memref_slice %arg7[%run_scoped3A_69, %dma_wait3A_192] : memref<4x80xi32, #tpu.memory_space<vmem>> -> memref<1x80xi32, #tpu.memory_space<vmem>>
      %dma_wait3A_194 = tpu.memref_squeeze %dma_wait3A_193 : memref<1x80xi32, #tpu.memory_space<vmem>> -> memref<80xi32, #tpu.memory_space<vmem>>
      %dma_wait3A_195 = tpu.memref_slice %arg3[%multiple_of3A_68] : memref<320000xi32, #tpu.memory_space<hbm>> -> memref<80xi32, #tpu.memory_space<hbm>>
      tpu.wait_dma2 semaphore(%run_scoped3A_179 : memref<!tpu.dma_semaphore, #tpu.memory_space<semaphore_mem>>) src(%dma_wait3A_195 : memref<80xi32, #tpu.memory_space<hbm>>) dst(%dma_wait3A_194 : memref<80xi32, #tpu.memory_space<vmem>>)
      tpu.yield
    }) : () -> ()
    %run_scoped3A_70 = arith.constant 3 : i32
    "tpu.region"() ({
      %run_scoped3A_179 = tpu.sem_alloc : memref<!tpu.dma_semaphore, #tpu.memory_space<semaphore_mem>>
      %dma_start3A_180 = arith.constant 0 : i32
      %dma_start3A_181 = tpu.memref_slice %arg8[%run_scoped3A_70, %dma_start3A_180] : memref<4x80xi32, #tpu.memory_space<vmem>> -> memref<1x80xi32, #tpu.memory_space<vmem>>
      %dma_start3A_182 = tpu.memref_squeeze %dma_start3A_181 : memref<1x80xi32, #tpu.memory_space<vmem>> -> memref<80xi32, #tpu.memory_space<vmem>>
      %dma_start3A_183 = tpu.memref_slice %arg4[%multiple_of3A_68] : memref<320000xi32, #tpu.memory_space<hbm>> -> memref<80xi32, #tpu.memory_space<hbm>>
      %dma_start3A_184 = arith.constant 0 : i32
      %dma_start3A_185 = tpu.memref_slice %arg8[%run_scoped3A_70, %dma_start3A_184] : memref<4x80xi32, #tpu.memory_space<vmem>> -> memref<1x80xi32, #tpu.memory_space<vmem>>
      %dma_start3A_186 = tpu.memref_squeeze %dma_start3A_185 : memref<1x80xi32, #tpu.memory_space<vmem>> -> memref<80xi32, #tpu.memory_space<vmem>>
      %dma_start3A_187 = tpu.memref_slice %arg4[%multiple_of3A_68] : memref<320000xi32, #tpu.memory_space<hbm>> -> memref<80xi32, #tpu.memory_space<hbm>>
      tpu.enqueue_dma source(%dma_start3A_187 : memref<80xi32, #tpu.memory_space<hbm>>) target(%dma_start3A_186 : memref<80xi32, #tpu.memory_space<vmem>>) target_semaphore(%run_scoped3A_179 : memref<!tpu.dma_semaphore, #tpu.memory_space<semaphore_mem>>)
      %dma_wait3A_188 = arith.constant 0 : i32
      %dma_wait3A_189 = tpu.memref_slice %arg8[%run_scoped3A_70, %dma_wait3A_188] : memref<4x80xi32, #tpu.memory_space<vmem>> -> memref<1x80xi32, #tpu.memory_space<vmem>>
      %dma_wait3A_190 = tpu.memref_squeeze %dma_wait3A_189 : memref<1x80xi32, #tpu.memory_space<vmem>> -> memref<80xi32, #tpu.memory_space<vmem>>
      %dma_wait3A_191 = tpu.memref_slice %arg4[%multiple_of3A_68] : memref<320000xi32, #tpu.memory_space<hbm>> -> memref<80xi32, #tpu.memory_space<hbm>>
      %dma_wait3A_192 = arith.constant 0 : i32
      %dma_wait3A_193 = tpu.memref_slice %arg8[%run_scoped3A_70, %dma_wait3A_192] : memref<4x80xi32, #tpu.memory_space<vmem>> -> memref<1x80xi32, #tpu.memory_space<vmem>>
      %dma_wait3A_194 = tpu.memref_squeeze %dma_wait3A_193 : memref<1x80xi32, #tpu.memory_space<vmem>> -> memref<80xi32, #tpu.memory_space<vmem>>
      %dma_wait3A_195 = tpu.memref_slice %arg4[%multiple_of3A_68] : memref<320000xi32, #tpu.memory_space<hbm>> -> memref<80xi32, #tpu.memory_space<hbm>>
      tpu.wait_dma2 semaphore(%run_scoped3A_179 : memref<!tpu.dma_semaphore, #tpu.memory_space<semaphore_mem>>) src(%dma_wait3A_195 : memref<80xi32, #tpu.memory_space<hbm>>) dst(%dma_wait3A_194 : memref<80xi32, #tpu.memory_space<vmem>>)
      tpu.yield
    }) : () -> ()
    %dma_start3A_71 = arith.constant 3 : i32
    %dma_start3A_72 = arith.constant 3 : i32
    %dma_start3A_73 = arith.constant 0 : i32
    %dma_start3A_74 = arith.constant 0 : i32
    %dma_start3A_75 = tpu.memref_slice %arg9[%dma_start3A_72, %dma_start3A_73, %dma_start3A_74] : memref<4x80x128xf32, #tpu.memory_space<vmem>> -> memref<1x80x128xf32, #tpu.memory_space<vmem>>
    %dma_start3A_76 = tpu.memref_squeeze %dma_start3A_75 : memref<1x80x128xf32, #tpu.memory_space<vmem>> -> memref<80x128xf32, #tpu.memory_space<vmem>>
    %dma_start3A_77 = arith.constant 0 : i32
    %dma_start3A_78 = tpu.memref_slice %arg7[%dma_start3A_71, %dma_start3A_77] : memref<4x80xi32, #tpu.memory_space<vmem>> -> memref<1x80xi32, #tpu.memory_space<vmem>>
    %dma_start3A_79 = tpu.memref_squeeze %dma_start3A_78 : memref<1x80xi32, #tpu.memory_space<vmem>> -> memref<80xi32, #tpu.memory_space<vmem>>
    %dma_start3A_80 = arith.constant 0 : i32
    %dma_start3A_81 = arith.constant 0 : i32
    %dma_start3A_82 = tpu.memref_slice %arg2[%dma_start3A_80, %dma_start3A_81] : memref<10000x128xf32, #tpu.memory_space<hbm>> -> memref<10000x128xf32, #tpu.memory_space<hbm>>
    tpu.enqueue_indirect_dma source(%dma_start3A_82 : memref<10000x128xf32, #tpu.memory_space<hbm>>) target(%dma_start3A_76 : memref<80x128xf32, #tpu.memory_space<vmem>>) offsets(%dma_start3A_79 : memref<80xi32, #tpu.memory_space<vmem>>) semaphore(%arg14 : memref<!tpu.dma_semaphore, #tpu.memory_space<semaphore_mem>>)
    %dma_wait3A = arith.constant 0 : i32
    %dma_wait3A_83 = arith.constant 0 : i32
    %dma_wait3A_84 = arith.constant 0 : i32
    %dma_wait3A_85 = arith.constant 0 : i32
    %dma_wait3A_86 = tpu.memref_slice %arg9[%dma_wait3A_83, %dma_wait3A_84, %dma_wait3A_85] : memref<4x80x128xf32, #tpu.memory_space<vmem>> -> memref<1x80x128xf32, #tpu.memory_space<vmem>>
    %dma_wait3A_87 = tpu.memref_squeeze %dma_wait3A_86 : memref<1x80x128xf32, #tpu.memory_space<vmem>> -> memref<80x128xf32, #tpu.memory_space<vmem>>
    %dma_wait3A_88 = arith.constant 0 : i32
    %dma_wait3A_89 = tpu.memref_slice %arg7[%dma_wait3A, %dma_wait3A_88] : memref<4x80xi32, #tpu.memory_space<vmem>> -> memref<1x80xi32, #tpu.memory_space<vmem>>
    %dma_wait3A_90 = tpu.memref_squeeze %dma_wait3A_89 : memref<1x80xi32, #tpu.memory_space<vmem>> -> memref<80xi32, #tpu.memory_space<vmem>>
    %dma_wait3A_91 = arith.constant 0 : i32
    %dma_wait3A_92 = arith.constant 0 : i32
    %dma_wait3A_93 = tpu.memref_slice %arg2[%dma_wait3A_91, %dma_wait3A_92] : memref<10000x128xf32, #tpu.memory_space<hbm>> -> memref<10000x128xf32, #tpu.memory_space<hbm>>
    tpu.wait_indirect_dma semaphore(%arg11 : memref<!tpu.dma_semaphore, #tpu.memory_space<semaphore_mem>>) src(%dma_wait3A_93 : memref<10000x128xf32, #tpu.memory_space<hbm>>) dst(%dma_wait3A_87 : memref<80x128xf32, #tpu.memory_space<vmem>>)
    %run_scoped3A_94 = arith.constant 0 : i32
    %run_scoped3A_95 = arith.constant 0 : i32
    "tpu.region"() ({
      %run_scoped3A_179 = tpu.sem_alloc : memref<!tpu.dma_semaphore, #tpu.memory_space<semaphore_mem>>
      %dma_start3A_180 = arith.constant 0 : i32
      %dma_start3A_181 = arith.constant 0 : i32
      %dma_start3A_182 = tpu.memref_slice %arg9[%run_scoped3A_94, %dma_start3A_180, %dma_start3A_181] : memref<4x80x128xf32, #tpu.memory_space<vmem>> -> memref<1x80x128xf32, #tpu.memory_space<vmem>>
      %dma_start3A_183 = tpu.memref_squeeze %dma_start3A_182 : memref<1x80x128xf32, #tpu.memory_space<vmem>> -> memref<80x128xf32, #tpu.memory_space<vmem>>
      %dma_start3A_184 = arith.constant 0 : i32
      %dma_start3A_185 = tpu.memref_slice %arg8[%run_scoped3A_95, %dma_start3A_184] : memref<4x80xi32, #tpu.memory_space<vmem>> -> memref<1x80xi32, #tpu.memory_space<vmem>>
      %dma_start3A_186 = tpu.memref_squeeze %dma_start3A_185 : memref<1x80xi32, #tpu.memory_space<vmem>> -> memref<80xi32, #tpu.memory_space<vmem>>
      %dma_start3A_187 = arith.constant 0 : i32
      %dma_start3A_188 = arith.constant 0 : i32
      %dma_start3A_189 = tpu.memref_slice %arg10[%dma_start3A_187, %dma_start3A_188] : memref<10240x128xf32, #tpu.memory_space<vmem_shared>> -> memref<10240x128xf32, #tpu.memory_space<vmem_shared>>
      tpu.enqueue_indirect_dma source(%dma_start3A_183 : memref<80x128xf32, #tpu.memory_space<vmem>>) target(%dma_start3A_189 : memref<10240x128xf32, #tpu.memory_space<vmem_shared>>) offsets(%dma_start3A_186 : memref<80xi32, #tpu.memory_space<vmem>>) semaphore(%run_scoped3A_179 : memref<!tpu.dma_semaphore, #tpu.memory_space<semaphore_mem>>) {add = true}
      %dma_wait3A_190 = arith.constant 0 : i32
      %dma_wait3A_191 = arith.constant 0 : i32
      %dma_wait3A_192 = tpu.memref_slice %arg9[%run_scoped3A_94, %dma_wait3A_190, %dma_wait3A_191] : memref<4x80x128xf32, #tpu.memory_space<vmem>> -> memref<1x80x128xf32, #tpu.memory_space<vmem>>
      %dma_wait3A_193 = tpu.memref_squeeze %dma_wait3A_192 : memref<1x80x128xf32, #tpu.memory_space<vmem>> -> memref<80x128xf32, #tpu.memory_space<vmem>>
      %dma_wait3A_194 = arith.constant 0 : i32
      %dma_wait3A_195 = tpu.memref_slice %arg8[%run_scoped3A_95, %dma_wait3A_194] : memref<4x80xi32, #tpu.memory_space<vmem>> -> memref<1x80xi32, #tpu.memory_space<vmem>>
      %dma_wait3A_196 = tpu.memref_squeeze %dma_wait3A_195 : memref<1x80xi32, #tpu.memory_space<vmem>> -> memref<80xi32, #tpu.memory_space<vmem>>
      %dma_wait3A_197 = arith.constant 0 : i32
      %dma_wait3A_198 = arith.constant 0 : i32
      %dma_wait3A_199 = tpu.memref_slice %arg10[%dma_wait3A_197, %dma_wait3A_198] : memref<10240x128xf32, #tpu.memory_space<vmem_shared>> -> memref<10240x128xf32, #tpu.memory_space<vmem_shared>>
      tpu.wait_indirect_dma semaphore(%run_scoped3A_179 : memref<!tpu.dma_semaphore, #tpu.memory_space<semaphore_mem>>) src(%dma_wait3A_193 : memref<80x128xf32, #tpu.memory_space<vmem>>) dst(%dma_wait3A_199 : memref<10240x128xf32, #tpu.memory_space<vmem_shared>>)
      tpu.yield
    }) : () -> ()
    %mul3A_96 = arith.constant 10000 : i32
    %mul3A_97 = arith.muli %add3A, %mul3A_96 : i32
    %add3A_98 = arith.constant 9920 : i32
    %add3A_99 = arith.addi %mul3A_97, %add3A_98 : i32
    %multiple_of3A_100 = tpu.assume_multiple %add3A_99, 8 : i32
    %run_scoped3A_101 = arith.constant 0 : i32
    "tpu.region"() ({
      %run_scoped3A_179 = tpu.sem_alloc : memref<!tpu.dma_semaphore, #tpu.memory_space<semaphore_mem>>
      %dma_start3A_180 = arith.constant 0 : i32
      %dma_start3A_181 = tpu.memref_slice %arg7[%run_scoped3A_101, %dma_start3A_180] : memref<4x80xi32, #tpu.memory_space<vmem>> -> memref<1x80xi32, #tpu.memory_space<vmem>>
      %dma_start3A_182 = tpu.memref_squeeze %dma_start3A_181 : memref<1x80xi32, #tpu.memory_space<vmem>> -> memref<80xi32, #tpu.memory_space<vmem>>
      %dma_start3A_183 = tpu.memref_slice %arg3[%multiple_of3A_100] : memref<320000xi32, #tpu.memory_space<hbm>> -> memref<80xi32, #tpu.memory_space<hbm>>
      %dma_start3A_184 = arith.constant 0 : i32
      %dma_start3A_185 = tpu.memref_slice %arg7[%run_scoped3A_101, %dma_start3A_184] : memref<4x80xi32, #tpu.memory_space<vmem>> -> memref<1x80xi32, #tpu.memory_space<vmem>>
      %dma_start3A_186 = tpu.memref_squeeze %dma_start3A_185 : memref<1x80xi32, #tpu.memory_space<vmem>> -> memref<80xi32, #tpu.memory_space<vmem>>
      %dma_start3A_187 = tpu.memref_slice %arg3[%multiple_of3A_100] : memref<320000xi32, #tpu.memory_space<hbm>> -> memref<80xi32, #tpu.memory_space<hbm>>
      tpu.enqueue_dma source(%dma_start3A_187 : memref<80xi32, #tpu.memory_space<hbm>>) target(%dma_start3A_186 : memref<80xi32, #tpu.memory_space<vmem>>) target_semaphore(%run_scoped3A_179 : memref<!tpu.dma_semaphore, #tpu.memory_space<semaphore_mem>>)
      %dma_wait3A_188 = arith.constant 0 : i32
      %dma_wait3A_189 = tpu.memref_slice %arg7[%run_scoped3A_101, %dma_wait3A_188] : memref<4x80xi32, #tpu.memory_space<vmem>> -> memref<1x80xi32, #tpu.memory_space<vmem>>
      %dma_wait3A_190 = tpu.memref_squeeze %dma_wait3A_189 : memref<1x80xi32, #tpu.memory_space<vmem>> -> memref<80xi32, #tpu.memory_space<vmem>>
      %dma_wait3A_191 = tpu.memref_slice %arg3[%multiple_of3A_100] : memref<320000xi32, #tpu.memory_space<hbm>> -> memref<80xi32, #tpu.memory_space<hbm>>
      %dma_wait3A_192 = arith.constant 0 : i32
      %dma_wait3A_193 = tpu.memref_slice %arg7[%run_scoped3A_101, %dma_wait3A_192] : memref<4x80xi32, #tpu.memory_space<vmem>> -> memref<1x80xi32, #tpu.memory_space<vmem>>
      %dma_wait3A_194 = tpu.memref_squeeze %dma_wait3A_193 : memref<1x80xi32, #tpu.memory_space<vmem>> -> memref<80xi32, #tpu.memory_space<vmem>>
      %dma_wait3A_195 = tpu.memref_slice %arg3[%multiple_of3A_100] : memref<320000xi32, #tpu.memory_space<hbm>> -> memref<80xi32, #tpu.memory_space<hbm>>
      tpu.wait_dma2 semaphore(%run_scoped3A_179 : memref<!tpu.dma_semaphore, #tpu.memory_space<semaphore_mem>>) src(%dma_wait3A_195 : memref<80xi32, #tpu.memory_space<hbm>>) dst(%dma_wait3A_194 : memref<80xi32, #tpu.memory_space<vmem>>)
      tpu.yield
    }) : () -> ()
    %run_scoped3A_102 = arith.constant 0 : i32
    "tpu.region"() ({
      %run_scoped3A_179 = tpu.sem_alloc : memref<!tpu.dma_semaphore, #tpu.memory_space<semaphore_mem>>
      %dma_start3A_180 = arith.constant 0 : i32
      %dma_start3A_181 = tpu.memref_slice %arg8[%run_scoped3A_102, %dma_start3A_180] : memref<4x80xi32, #tpu.memory_space<vmem>> -> memref<1x80xi32, #tpu.memory_space<vmem>>
      %dma_start3A_182 = tpu.memref_squeeze %dma_start3A_181 : memref<1x80xi32, #tpu.memory_space<vmem>> -> memref<80xi32, #tpu.memory_space<vmem>>
      %dma_start3A_183 = tpu.memref_slice %arg4[%multiple_of3A_100] : memref<320000xi32, #tpu.memory_space<hbm>> -> memref<80xi32, #tpu.memory_space<hbm>>
      %dma_start3A_184 = arith.constant 0 : i32
      %dma_start3A_185 = tpu.memref_slice %arg8[%run_scoped3A_102, %dma_start3A_184] : memref<4x80xi32, #tpu.memory_space<vmem>> -> memref<1x80xi32, #tpu.memory_space<vmem>>
      %dma_start3A_186 = tpu.memref_squeeze %dma_start3A_185 : memref<1x80xi32, #tpu.memory_space<vmem>> -> memref<80xi32, #tpu.memory_space<vmem>>
      %dma_start3A_187 = tpu.memref_slice %arg4[%multiple_of3A_100] : memref<320000xi32, #tpu.memory_space<hbm>> -> memref<80xi32, #tpu.memory_space<hbm>>
      tpu.enqueue_dma source(%dma_start3A_187 : memref<80xi32, #tpu.memory_space<hbm>>) target(%dma_start3A_186 : memref<80xi32, #tpu.memory_space<vmem>>) target_semaphore(%run_scoped3A_179 : memref<!tpu.dma_semaphore, #tpu.memory_space<semaphore_mem>>)
      %dma_wait3A_188 = arith.constant 0 : i32
      %dma_wait3A_189 = tpu.memref_slice %arg8[%run_scoped3A_102, %dma_wait3A_188] : memref<4x80xi32, #tpu.memory_space<vmem>> -> memref<1x80xi32, #tpu.memory_space<vmem>>
      %dma_wait3A_190 = tpu.memref_squeeze %dma_wait3A_189 : memref<1x80xi32, #tpu.memory_space<vmem>> -> memref<80xi32, #tpu.memory_space<vmem>>
      %dma_wait3A_191 = tpu.memref_slice %arg4[%multiple_of3A_100] : memref<320000xi32, #tpu.memory_space<hbm>> -> memref<80xi32, #tpu.memory_space<hbm>>
      %dma_wait3A_192 = arith.constant 0 : i32
      %dma_wait3A_193 = tpu.memref_slice %arg8[%run_scoped3A_102, %dma_wait3A_192] : memref<4x80xi32, #tpu.memory_space<vmem>> -> memref<1x80xi32, #tpu.memory_space<vmem>>
      %dma_wait3A_194 = tpu.memref_squeeze %dma_wait3A_193 : memref<1x80xi32, #tpu.memory_space<vmem>> -> memref<80xi32, #tpu.memory_space<vmem>>
      %dma_wait3A_195 = tpu.memref_slice %arg4[%multiple_of3A_100] : memref<320000xi32, #tpu.memory_space<hbm>> -> memref<80xi32, #tpu.memory_space<hbm>>
      tpu.wait_dma2 semaphore(%run_scoped3A_179 : memref<!tpu.dma_semaphore, #tpu.memory_space<semaphore_mem>>) src(%dma_wait3A_195 : memref<80xi32, #tpu.memory_space<hbm>>) dst(%dma_wait3A_194 : memref<80xi32, #tpu.memory_space<vmem>>)
      tpu.yield
    }) : () -> ()
    %dma_start3A_103 = arith.constant 0 : i32
    %dma_start3A_104 = arith.constant 0 : i32
    %dma_start3A_105 = arith.constant 0 : i32
    %dma_start3A_106 = arith.constant 0 : i32
    %dma_start3A_107 = tpu.memref_slice %arg9[%dma_start3A_104, %dma_start3A_105, %dma_start3A_106] : memref<4x80x128xf32, #tpu.memory_space<vmem>> -> memref<1x80x128xf32, #tpu.memory_space<vmem>>
    %dma_start3A_108 = tpu.memref_squeeze %dma_start3A_107 : memref<1x80x128xf32, #tpu.memory_space<vmem>> -> memref<80x128xf32, #tpu.memory_space<vmem>>
    %dma_start3A_109 = arith.constant 0 : i32
    %dma_start3A_110 = tpu.memref_slice %arg7[%dma_start3A_103, %dma_start3A_109] : memref<4x80xi32, #tpu.memory_space<vmem>> -> memref<1x80xi32, #tpu.memory_space<vmem>>
    %dma_start3A_111 = tpu.memref_squeeze %dma_start3A_110 : memref<1x80xi32, #tpu.memory_space<vmem>> -> memref<80xi32, #tpu.memory_space<vmem>>
    %dma_start3A_112 = arith.constant 0 : i32
    %dma_start3A_113 = arith.constant 0 : i32
    %dma_start3A_114 = tpu.memref_slice %arg2[%dma_start3A_112, %dma_start3A_113] : memref<10000x128xf32, #tpu.memory_space<hbm>> -> memref<10000x128xf32, #tpu.memory_space<hbm>>
    tpu.enqueue_indirect_dma source(%dma_start3A_114 : memref<10000x128xf32, #tpu.memory_space<hbm>>) target(%dma_start3A_108 : memref<80x128xf32, #tpu.memory_space<vmem>>) offsets(%dma_start3A_111 : memref<80xi32, #tpu.memory_space<vmem>>) semaphore(%arg11 : memref<!tpu.dma_semaphore, #tpu.memory_space<semaphore_mem>>)
    %dma_wait3A_115 = arith.constant 1 : i32
    %dma_wait3A_116 = arith.constant 1 : i32
    %dma_wait3A_117 = arith.constant 0 : i32
    %dma_wait3A_118 = arith.constant 0 : i32
    %dma_wait3A_119 = tpu.memref_slice %arg9[%dma_wait3A_116, %dma_wait3A_117, %dma_wait3A_118] : memref<4x80x128xf32, #tpu.memory_space<vmem>> -> memref<1x80x128xf32, #tpu.memory_space<vmem>>
    %dma_wait3A_120 = tpu.memref_squeeze %dma_wait3A_119 : memref<1x80x128xf32, #tpu.memory_space<vmem>> -> memref<80x128xf32, #tpu.memory_space<vmem>>
    %dma_wait3A_121 = arith.constant 0 : i32
    %dma_wait3A_122 = tpu.memref_slice %arg7[%dma_wait3A_115, %dma_wait3A_121] : memref<4x80xi32, #tpu.memory_space<vmem>> -> memref<1x80xi32, #tpu.memory_space<vmem>>
    %dma_wait3A_123 = tpu.memref_squeeze %dma_wait3A_122 : memref<1x80xi32, #tpu.memory_space<vmem>> -> memref<80xi32, #tpu.memory_space<vmem>>
    %dma_wait3A_124 = arith.constant 0 : i32
    %dma_wait3A_125 = arith.constant 0 : i32
    %dma_wait3A_126 = tpu.memref_slice %arg2[%dma_wait3A_124, %dma_wait3A_125] : memref<10000x128xf32, #tpu.memory_space<hbm>> -> memref<10000x128xf32, #tpu.memory_space<hbm>>
    tpu.wait_indirect_dma semaphore(%arg12 : memref<!tpu.dma_semaphore, #tpu.memory_space<semaphore_mem>>) src(%dma_wait3A_126 : memref<10000x128xf32, #tpu.memory_space<hbm>>) dst(%dma_wait3A_120 : memref<80x128xf32, #tpu.memory_space<vmem>>)
    %run_scoped3A_127 = arith.constant 1 : i32
    %run_scoped3A_128 = arith.constant 1 : i32
    "tpu.region"() ({
      %run_scoped3A_179 = tpu.sem_alloc : memref<!tpu.dma_semaphore, #tpu.memory_space<semaphore_mem>>
      %dma_start3A_180 = arith.constant 0 : i32
      %dma_start3A_181 = arith.constant 0 : i32
      %dma_start3A_182 = tpu.memref_slice %arg9[%run_scoped3A_127, %dma_start3A_180, %dma_start3A_181] : memref<4x80x128xf32, #tpu.memory_space<vmem>> -> memref<1x80x128xf32, #tpu.memory_space<vmem>>
      %dma_start3A_183 = tpu.memref_squeeze %dma_start3A_182 : memref<1x80x128xf32, #tpu.memory_space<vmem>> -> memref<80x128xf32, #tpu.memory_space<vmem>>
      %dma_start3A_184 = arith.constant 0 : i32
      %dma_start3A_185 = tpu.memref_slice %arg8[%run_scoped3A_128, %dma_start3A_184] : memref<4x80xi32, #tpu.memory_space<vmem>> -> memref<1x80xi32, #tpu.memory_space<vmem>>
      %dma_start3A_186 = tpu.memref_squeeze %dma_start3A_185 : memref<1x80xi32, #tpu.memory_space<vmem>> -> memref<80xi32, #tpu.memory_space<vmem>>
      %dma_start3A_187 = arith.constant 0 : i32
      %dma_start3A_188 = arith.constant 0 : i32
      %dma_start3A_189 = tpu.memref_slice %arg10[%dma_start3A_187, %dma_start3A_188] : memref<10240x128xf32, #tpu.memory_space<vmem_shared>> -> memref<10240x128xf32, #tpu.memory_space<vmem_shared>>
      tpu.enqueue_indirect_dma source(%dma_start3A_183 : memref<80x128xf32, #tpu.memory_space<vmem>>) target(%dma_start3A_189 : memref<10240x128xf32, #tpu.memory_space<vmem_shared>>) offsets(%dma_start3A_186 : memref<80xi32, #tpu.memory_space<vmem>>) semaphore(%run_scoped3A_179 : memref<!tpu.dma_semaphore, #tpu.memory_space<semaphore_mem>>) {add = true}
      %dma_wait3A_190 = arith.constant 0 : i32
      %dma_wait3A_191 = arith.constant 0 : i32
      %dma_wait3A_192 = tpu.memref_slice %arg9[%run_scoped3A_127, %dma_wait3A_190, %dma_wait3A_191] : memref<4x80x128xf32, #tpu.memory_space<vmem>> -> memref<1x80x128xf32, #tpu.memory_space<vmem>>
      %dma_wait3A_193 = tpu.memref_squeeze %dma_wait3A_192 : memref<1x80x128xf32, #tpu.memory_space<vmem>> -> memref<80x128xf32, #tpu.memory_space<vmem>>
      %dma_wait3A_194 = arith.constant 0 : i32
      %dma_wait3A_195 = tpu.memref_slice %arg8[%run_scoped3A_128, %dma_wait3A_194] : memref<4x80xi32, #tpu.memory_space<vmem>> -> memref<1x80xi32, #tpu.memory_space<vmem>>
      %dma_wait3A_196 = tpu.memref_squeeze %dma_wait3A_195 : memref<1x80xi32, #tpu.memory_space<vmem>> -> memref<80xi32, #tpu.memory_space<vmem>>
      %dma_wait3A_197 = arith.constant 0 : i32
      %dma_wait3A_198 = arith.constant 0 : i32
      %dma_wait3A_199 = tpu.memref_slice %arg10[%dma_wait3A_197, %dma_wait3A_198] : memref<10240x128xf32, #tpu.memory_space<vmem_shared>> -> memref<10240x128xf32, #tpu.memory_space<vmem_shared>>
      tpu.wait_indirect_dma semaphore(%run_scoped3A_179 : memref<!tpu.dma_semaphore, #tpu.memory_space<semaphore_mem>>) src(%dma_wait3A_193 : memref<80x128xf32, #tpu.memory_space<vmem>>) dst(%dma_wait3A_199 : memref<10240x128xf32, #tpu.memory_space<vmem_shared>>)
      tpu.yield
    }) : () -> ()
    %dma_wait3A_129 = arith.constant 2 : i32
    %dma_wait3A_130 = arith.constant 2 : i32
    %dma_wait3A_131 = arith.constant 0 : i32
    %dma_wait3A_132 = arith.constant 0 : i32
    %dma_wait3A_133 = tpu.memref_slice %arg9[%dma_wait3A_130, %dma_wait3A_131, %dma_wait3A_132] : memref<4x80x128xf32, #tpu.memory_space<vmem>> -> memref<1x80x128xf32, #tpu.memory_space<vmem>>
    %dma_wait3A_134 = tpu.memref_squeeze %dma_wait3A_133 : memref<1x80x128xf32, #tpu.memory_space<vmem>> -> memref<80x128xf32, #tpu.memory_space<vmem>>
    %dma_wait3A_135 = arith.constant 0 : i32
    %dma_wait3A_136 = tpu.memref_slice %arg7[%dma_wait3A_129, %dma_wait3A_135] : memref<4x80xi32, #tpu.memory_space<vmem>> -> memref<1x80xi32, #tpu.memory_space<vmem>>
    %dma_wait3A_137 = tpu.memref_squeeze %dma_wait3A_136 : memref<1x80xi32, #tpu.memory_space<vmem>> -> memref<80xi32, #tpu.memory_space<vmem>>
    %dma_wait3A_138 = arith.constant 0 : i32
    %dma_wait3A_139 = arith.constant 0 : i32
    %dma_wait3A_140 = tpu.memref_slice %arg2[%dma_wait3A_138, %dma_wait3A_139] : memref<10000x128xf32, #tpu.memory_space<hbm>> -> memref<10000x128xf32, #tpu.memory_space<hbm>>
    tpu.wait_indirect_dma semaphore(%arg13 : memref<!tpu.dma_semaphore, #tpu.memory_space<semaphore_mem>>) src(%dma_wait3A_140 : memref<10000x128xf32, #tpu.memory_space<hbm>>) dst(%dma_wait3A_134 : memref<80x128xf32, #tpu.memory_space<vmem>>)
    %run_scoped3A_141 = arith.constant 2 : i32
    %run_scoped3A_142 = arith.constant 2 : i32
    "tpu.region"() ({
      %run_scoped3A_179 = tpu.sem_alloc : memref<!tpu.dma_semaphore, #tpu.memory_space<semaphore_mem>>
      %dma_start3A_180 = arith.constant 0 : i32
      %dma_start3A_181 = arith.constant 0 : i32
      %dma_start3A_182 = tpu.memref_slice %arg9[%run_scoped3A_141, %dma_start3A_180, %dma_start3A_181] : memref<4x80x128xf32, #tpu.memory_space<vmem>> -> memref<1x80x128xf32, #tpu.memory_space<vmem>>
      %dma_start3A_183 = tpu.memref_squeeze %dma_start3A_182 : memref<1x80x128xf32, #tpu.memory_space<vmem>> -> memref<80x128xf32, #tpu.memory_space<vmem>>
      %dma_start3A_184 = arith.constant 0 : i32
      %dma_start3A_185 = tpu.memref_slice %arg8[%run_scoped3A_142, %dma_start3A_184] : memref<4x80xi32, #tpu.memory_space<vmem>> -> memref<1x80xi32, #tpu.memory_space<vmem>>
      %dma_start3A_186 = tpu.memref_squeeze %dma_start3A_185 : memref<1x80xi32, #tpu.memory_space<vmem>> -> memref<80xi32, #tpu.memory_space<vmem>>
      %dma_start3A_187 = arith.constant 0 : i32
      %dma_start3A_188 = arith.constant 0 : i32
      %dma_start3A_189 = tpu.memref_slice %arg10[%dma_start3A_187, %dma_start3A_188] : memref<10240x128xf32, #tpu.memory_space<vmem_shared>> -> memref<10240x128xf32, #tpu.memory_space<vmem_shared>>
      tpu.enqueue_indirect_dma source(%dma_start3A_183 : memref<80x128xf32, #tpu.memory_space<vmem>>) target(%dma_start3A_189 : memref<10240x128xf32, #tpu.memory_space<vmem_shared>>) offsets(%dma_start3A_186 : memref<80xi32, #tpu.memory_space<vmem>>) semaphore(%run_scoped3A_179 : memref<!tpu.dma_semaphore, #tpu.memory_space<semaphore_mem>>) {add = true}
      %dma_wait3A_190 = arith.constant 0 : i32
      %dma_wait3A_191 = arith.constant 0 : i32
      %dma_wait3A_192 = tpu.memref_slice %arg9[%run_scoped3A_141, %dma_wait3A_190, %dma_wait3A_191] : memref<4x80x128xf32, #tpu.memory_space<vmem>> -> memref<1x80x128xf32, #tpu.memory_space<vmem>>
      %dma_wait3A_193 = tpu.memref_squeeze %dma_wait3A_192 : memref<1x80x128xf32, #tpu.memory_space<vmem>> -> memref<80x128xf32, #tpu.memory_space<vmem>>
      %dma_wait3A_194 = arith.constant 0 : i32
      %dma_wait3A_195 = tpu.memref_slice %arg8[%run_scoped3A_142, %dma_wait3A_194] : memref<4x80xi32, #tpu.memory_space<vmem>> -> memref<1x80xi32, #tpu.memory_space<vmem>>
      %dma_wait3A_196 = tpu.memref_squeeze %dma_wait3A_195 : memref<1x80xi32, #tpu.memory_space<vmem>> -> memref<80xi32, #tpu.memory_space<vmem>>
      %dma_wait3A_197 = arith.constant 0 : i32
      %dma_wait3A_198 = arith.constant 0 : i32
      %dma_wait3A_199 = tpu.memref_slice %arg10[%dma_wait3A_197, %dma_wait3A_198] : memref<10240x128xf32, #tpu.memory_space<vmem_shared>> -> memref<10240x128xf32, #tpu.memory_space<vmem_shared>>
      tpu.wait_indirect_dma semaphore(%run_scoped3A_179 : memref<!tpu.dma_semaphore, #tpu.memory_space<semaphore_mem>>) src(%dma_wait3A_193 : memref<80x128xf32, #tpu.memory_space<vmem>>) dst(%dma_wait3A_199 : memref<10240x128xf32, #tpu.memory_space<vmem_shared>>)
      tpu.yield
    }) : () -> ()
    %dma_wait3A_143 = arith.constant 3 : i32
    %dma_wait3A_144 = arith.constant 3 : i32
    %dma_wait3A_145 = arith.constant 0 : i32
    %dma_wait3A_146 = arith.constant 0 : i32
    %dma_wait3A_147 = tpu.memref_slice %arg9[%dma_wait3A_144, %dma_wait3A_145, %dma_wait3A_146] : memref<4x80x128xf32, #tpu.memory_space<vmem>> -> memref<1x80x128xf32, #tpu.memory_space<vmem>>
    %dma_wait3A_148 = tpu.memref_squeeze %dma_wait3A_147 : memref<1x80x128xf32, #tpu.memory_space<vmem>> -> memref<80x128xf32, #tpu.memory_space<vmem>>
    %dma_wait3A_149 = arith.constant 0 : i32
    %dma_wait3A_150 = tpu.memref_slice %arg7[%dma_wait3A_143, %dma_wait3A_149] : memref<4x80xi32, #tpu.memory_space<vmem>> -> memref<1x80xi32, #tpu.memory_space<vmem>>
    %dma_wait3A_151 = tpu.memref_squeeze %dma_wait3A_150 : memref<1x80xi32, #tpu.memory_space<vmem>> -> memref<80xi32, #tpu.memory_space<vmem>>
    %dma_wait3A_152 = arith.constant 0 : i32
    %dma_wait3A_153 = arith.constant 0 : i32
    %dma_wait3A_154 = tpu.memref_slice %arg2[%dma_wait3A_152, %dma_wait3A_153] : memref<10000x128xf32, #tpu.memory_space<hbm>> -> memref<10000x128xf32, #tpu.memory_space<hbm>>
    tpu.wait_indirect_dma semaphore(%arg14 : memref<!tpu.dma_semaphore, #tpu.memory_space<semaphore_mem>>) src(%dma_wait3A_154 : memref<10000x128xf32, #tpu.memory_space<hbm>>) dst(%dma_wait3A_148 : memref<80x128xf32, #tpu.memory_space<vmem>>)
    %run_scoped3A_155 = arith.constant 3 : i32
    %run_scoped3A_156 = arith.constant 3 : i32
    "tpu.region"() ({
      %run_scoped3A_179 = tpu.sem_alloc : memref<!tpu.dma_semaphore, #tpu.memory_space<semaphore_mem>>
      %dma_start3A_180 = arith.constant 0 : i32
      %dma_start3A_181 = arith.constant 0 : i32
      %dma_start3A_182 = tpu.memref_slice %arg9[%run_scoped3A_155, %dma_start3A_180, %dma_start3A_181] : memref<4x80x128xf32, #tpu.memory_space<vmem>> -> memref<1x80x128xf32, #tpu.memory_space<vmem>>
      %dma_start3A_183 = tpu.memref_squeeze %dma_start3A_182 : memref<1x80x128xf32, #tpu.memory_space<vmem>> -> memref<80x128xf32, #tpu.memory_space<vmem>>
      %dma_start3A_184 = arith.constant 0 : i32
      %dma_start3A_185 = tpu.memref_slice %arg8[%run_scoped3A_156, %dma_start3A_184] : memref<4x80xi32, #tpu.memory_space<vmem>> -> memref<1x80xi32, #tpu.memory_space<vmem>>
      %dma_start3A_186 = tpu.memref_squeeze %dma_start3A_185 : memref<1x80xi32, #tpu.memory_space<vmem>> -> memref<80xi32, #tpu.memory_space<vmem>>
      %dma_start3A_187 = arith.constant 0 : i32
      %dma_start3A_188 = arith.constant 0 : i32
      %dma_start3A_189 = tpu.memref_slice %arg10[%dma_start3A_187, %dma_start3A_188] : memref<10240x128xf32, #tpu.memory_space<vmem_shared>> -> memref<10240x128xf32, #tpu.memory_space<vmem_shared>>
      tpu.enqueue_indirect_dma source(%dma_start3A_183 : memref<80x128xf32, #tpu.memory_space<vmem>>) target(%dma_start3A_189 : memref<10240x128xf32, #tpu.memory_space<vmem_shared>>) offsets(%dma_start3A_186 : memref<80xi32, #tpu.memory_space<vmem>>) semaphore(%run_scoped3A_179 : memref<!tpu.dma_semaphore, #tpu.memory_space<semaphore_mem>>) {add = true}
      %dma_wait3A_190 = arith.constant 0 : i32
      %dma_wait3A_191 = arith.constant 0 : i32
      %dma_wait3A_192 = tpu.memref_slice %arg9[%run_scoped3A_155, %dma_wait3A_190, %dma_wait3A_191] : memref<4x80x128xf32, #tpu.memory_space<vmem>> -> memref<1x80x128xf32, #tpu.memory_space<vmem>>
      %dma_wait3A_193 = tpu.memref_squeeze %dma_wait3A_192 : memref<1x80x128xf32, #tpu.memory_space<vmem>> -> memref<80x128xf32, #tpu.memory_space<vmem>>
      %dma_wait3A_194 = arith.constant 0 : i32
      %dma_wait3A_195 = tpu.memref_slice %arg8[%run_scoped3A_156, %dma_wait3A_194] : memref<4x80xi32, #tpu.memory_space<vmem>> -> memref<1x80xi32, #tpu.memory_space<vmem>>
      %dma_wait3A_196 = tpu.memref_squeeze %dma_wait3A_195 : memref<1x80xi32, #tpu.memory_space<vmem>> -> memref<80xi32, #tpu.memory_space<vmem>>
      %dma_wait3A_197 = arith.constant 0 : i32
      %dma_wait3A_198 = arith.constant 0 : i32
      %dma_wait3A_199 = tpu.memref_slice %arg10[%dma_wait3A_197, %dma_wait3A_198] : memref<10240x128xf32, #tpu.memory_space<vmem_shared>> -> memref<10240x128xf32, #tpu.memory_space<vmem_shared>>
      tpu.wait_indirect_dma semaphore(%run_scoped3A_179 : memref<!tpu.dma_semaphore, #tpu.memory_space<semaphore_mem>>) src(%dma_wait3A_193 : memref<80x128xf32, #tpu.memory_space<vmem>>) dst(%dma_wait3A_199 : memref<10240x128xf32, #tpu.memory_space<vmem_shared>>)
      tpu.yield
    }) : () -> ()
    %dma_wait3A_157 = arith.constant 0 : i32
    %dma_wait3A_158 = arith.constant 0 : i32
    %dma_wait3A_159 = arith.constant 0 : i32
    %dma_wait3A_160 = arith.constant 0 : i32
    %dma_wait3A_161 = tpu.memref_slice %arg9[%dma_wait3A_158, %dma_wait3A_159, %dma_wait3A_160] : memref<4x80x128xf32, #tpu.memory_space<vmem>> -> memref<1x80x128xf32, #tpu.memory_space<vmem>>
    %dma_wait3A_162 = tpu.memref_squeeze %dma_wait3A_161 : memref<1x80x128xf32, #tpu.memory_space<vmem>> -> memref<80x128xf32, #tpu.memory_space<vmem>>
    %dma_wait3A_163 = arith.constant 0 : i32
    %dma_wait3A_164 = tpu.memref_slice %arg7[%dma_wait3A_157, %dma_wait3A_163] : memref<4x80xi32, #tpu.memory_space<vmem>> -> memref<1x80xi32, #tpu.memory_space<vmem>>
    %dma_wait3A_165 = tpu.memref_squeeze %dma_wait3A_164 : memref<1x80xi32, #tpu.memory_space<vmem>> -> memref<80xi32, #tpu.memory_space<vmem>>
    %dma_wait3A_166 = arith.constant 0 : i32
    %dma_wait3A_167 = arith.constant 0 : i32
    %dma_wait3A_168 = tpu.memref_slice %arg2[%dma_wait3A_166, %dma_wait3A_167] : memref<10000x128xf32, #tpu.memory_space<hbm>> -> memref<10000x128xf32, #tpu.memory_space<hbm>>
    tpu.wait_indirect_dma semaphore(%arg11 : memref<!tpu.dma_semaphore, #tpu.memory_space<semaphore_mem>>) src(%dma_wait3A_168 : memref<10000x128xf32, #tpu.memory_space<hbm>>) dst(%dma_wait3A_162 : memref<80x128xf32, #tpu.memory_space<vmem>>)
    %run_scoped3A_169 = arith.constant 0 : i32
    %run_scoped3A_170 = arith.constant 0 : i32
    "tpu.region"() ({
      %run_scoped3A_179 = tpu.sem_alloc : memref<!tpu.dma_semaphore, #tpu.memory_space<semaphore_mem>>
      %dma_start3A_180 = arith.constant 0 : i32
      %dma_start3A_181 = arith.constant 0 : i32
      %dma_start3A_182 = tpu.memref_slice %arg9[%run_scoped3A_169, %dma_start3A_180, %dma_start3A_181] : memref<4x80x128xf32, #tpu.memory_space<vmem>> -> memref<1x80x128xf32, #tpu.memory_space<vmem>>
      %dma_start3A_183 = tpu.memref_squeeze %dma_start3A_182 : memref<1x80x128xf32, #tpu.memory_space<vmem>> -> memref<80x128xf32, #tpu.memory_space<vmem>>
      %dma_start3A_184 = arith.constant 0 : i32
      %dma_start3A_185 = tpu.memref_slice %arg8[%run_scoped3A_170, %dma_start3A_184] : memref<4x80xi32, #tpu.memory_space<vmem>> -> memref<1x80xi32, #tpu.memory_space<vmem>>
      %dma_start3A_186 = tpu.memref_squeeze %dma_start3A_185 : memref<1x80xi32, #tpu.memory_space<vmem>> -> memref<80xi32, #tpu.memory_space<vmem>>
      %dma_start3A_187 = arith.constant 0 : i32
      %dma_start3A_188 = arith.constant 0 : i32
      %dma_start3A_189 = tpu.memref_slice %arg10[%dma_start3A_187, %dma_start3A_188] : memref<10240x128xf32, #tpu.memory_space<vmem_shared>> -> memref<10240x128xf32, #tpu.memory_space<vmem_shared>>
      tpu.enqueue_indirect_dma source(%dma_start3A_183 : memref<80x128xf32, #tpu.memory_space<vmem>>) target(%dma_start3A_189 : memref<10240x128xf32, #tpu.memory_space<vmem_shared>>) offsets(%dma_start3A_186 : memref<80xi32, #tpu.memory_space<vmem>>) semaphore(%run_scoped3A_179 : memref<!tpu.dma_semaphore, #tpu.memory_space<semaphore_mem>>) {add = true}
      %dma_wait3A_190 = arith.constant 0 : i32
      %dma_wait3A_191 = arith.constant 0 : i32
      %dma_wait3A_192 = tpu.memref_slice %arg9[%run_scoped3A_169, %dma_wait3A_190, %dma_wait3A_191] : memref<4x80x128xf32, #tpu.memory_space<vmem>> -> memref<1x80x128xf32, #tpu.memory_space<vmem>>
      %dma_wait3A_193 = tpu.memref_squeeze %dma_wait3A_192 : memref<1x80x128xf32, #tpu.memory_space<vmem>> -> memref<80x128xf32, #tpu.memory_space<vmem>>
      %dma_wait3A_194 = arith.constant 0 : i32
      %dma_wait3A_195 = tpu.memref_slice %arg8[%run_scoped3A_170, %dma_wait3A_194] : memref<4x80xi32, #tpu.memory_space<vmem>> -> memref<1x80xi32, #tpu.memory_space<vmem>>
      %dma_wait3A_196 = tpu.memref_squeeze %dma_wait3A_195 : memref<1x80xi32, #tpu.memory_space<vmem>> -> memref<80xi32, #tpu.memory_space<vmem>>
      %dma_wait3A_197 = arith.constant 0 : i32
      %dma_wait3A_198 = arith.constant 0 : i32
      %dma_wait3A_199 = tpu.memref_slice %arg10[%dma_wait3A_197, %dma_wait3A_198] : memref<10240x128xf32, #tpu.memory_space<vmem_shared>> -> memref<10240x128xf32, #tpu.memory_space<vmem_shared>>
      tpu.wait_indirect_dma semaphore(%run_scoped3A_179 : memref<!tpu.dma_semaphore, #tpu.memory_space<semaphore_mem>>) src(%dma_wait3A_193 : memref<80x128xf32, #tpu.memory_space<vmem>>) dst(%dma_wait3A_199 : memref<10240x128xf32, #tpu.memory_space<vmem_shared>>)
      tpu.yield
    }) : () -> ()
    %barrier3A_171 = arith.constant 0 : index
    tpu.barrier barrier_id(%barrier3A_171)
    %mul3A_172 = arith.constant 640 : i32
    %mul3A_173 = arith.muli %arg1, %mul3A_172 : i32
    %mul3A_174 = arith.constant 10240 : i32
    %mul3A_175 = arith.muli %arg0, %mul3A_174 : i32
    %mul3A_176 = arith.constant 640 : i32
    %mul3A_177 = arith.muli %arg1, %mul3A_176 : i32
    %add3A_178 = arith.addi %mul3A_175, %mul3A_177 : i32
    "tpu.region"() ({
      %run_scoped3A_179 = tpu.sem_alloc : memref<!tpu.dma_semaphore, #tpu.memory_space<semaphore_mem>>
      %dma_start3A_180 = arith.constant 0 : i32
      %dma_start3A_181 = tpu.memref_slice %arg6[%add3A_178, %dma_start3A_180] : memref<20480x128xf32, #tpu.memory_space<hbm>> -> memref<640x128xf32, #tpu.memory_space<hbm>>
      %dma_start3A_182 = arith.constant 0 : i32
      %dma_start3A_183 = tpu.memref_slice %arg10[%mul3A_173, %dma_start3A_182] : memref<10240x128xf32, #tpu.memory_space<vmem_shared>> -> memref<640x128xf32, #tpu.memory_space<vmem_shared>>
      tpu.enqueue_dma source(%dma_start3A_183 : memref<640x128xf32, #tpu.memory_space<vmem_shared>>) target(%dma_start3A_181 : memref<640x128xf32, #tpu.memory_space<hbm>>) target_semaphore(%run_scoped3A_179 : memref<!tpu.dma_semaphore, #tpu.memory_space<semaphore_mem>>)
      %dma_wait3A_184 = arith.constant 0 : i32
      %dma_wait3A_185 = tpu.memref_slice %arg6[%add3A_178, %dma_wait3A_184] : memref<20480x128xf32, #tpu.memory_space<hbm>> -> memref<640x128xf32, #tpu.memory_space<hbm>>
      %dma_wait3A_186 = arith.constant 0 : i32
      %dma_wait3A_187 = tpu.memref_slice %arg10[%mul3A_173, %dma_wait3A_186] : memref<10240x128xf32, #tpu.memory_space<vmem_shared>> -> memref<640x128xf32, #tpu.memory_space<vmem_shared>>
      tpu.wait_dma2 semaphore(%run_scoped3A_179 : memref<!tpu.dma_semaphore, #tpu.memory_space<semaphore_mem>>) src(%dma_wait3A_187 : memref<640x128xf32, #tpu.memory_space<vmem_shared>>) dst(%dma_wait3A_185 : memref<640x128xf32, #tpu.memory_space<hbm>>)
      tpu.yield
    }) : () -> ()
    return
  }
}

module attributes {stable_mosaic.version = 14 : i64} {
  func.func @body(%arg0: i32, %arg1: memref<1x1000x128xf32, #tpu.memory_space<vmem>>, %arg2: memref<1x1000x128xf32, #tpu.memory_space<vmem>>, %arg3: memref<1000x128xf32, #tpu.memory_space<vmem>>, %arg4: memref<1x1000x128xf32, #tpu.memory_space<vmem>>, %arg5: memref<1x1000x128xf32, #tpu.memory_space<vmem>>, %arg6: memref<1x128xf32, #tpu.memory_space<vmem>>, %arg7: memref<1x128xf32, #tpu.memory_space<vmem>>, %arg8: memref<1000x128xf32, #tpu.memory_space<vmem>>) attributes {dimension_semantics = [#tpu.dimension_semantics<arbitrary>], iteration_bounds = array<i64: 10>, scalar_prefetch = 0 : i64, scratch_operands = 0 : i64, tpu.core_type = #tpu.core_type<tc>, window_params = [{transform_indices = @transform_0, window_bounds = array<i64: 1, 1000, 128>}, {transform_indices = @transform_1, window_bounds = array<i64: 1, 1000, 128>}, {transform_indices = @transform_2, window_bounds = array<i64: 1000, 128>}, {transform_indices = @transform_3, window_bounds = array<i64: 1, 1000, 128>}, {transform_indices = @transform_4, window_bounds = array<i64: 1, 1000, 128>}, {pipeline_mode = #tpu.pipeline_mode<synchronous>, transform_indices = @transform_5, window_bounds = array<i64: 1, 128>}, {pipeline_mode = #tpu.pipeline_mode<synchronous>, transform_indices = @transform_6, window_bounds = array<i64: 1, 128>}, {transform_indices = @transform_7, window_bounds = array<i64: 1000, 128>}]} {
    %get3A = arith.constant 0 : index
    %get3A_0 = arith.constant 0 : index
    %get3A_1 = arith.constant 0 : index
    %get3A_2 = vector.load %arg4[%get3A, %get3A_0, %get3A_1] : memref<1x1000x128xf32, #tpu.memory_space<vmem>>, vector<1x1000x128xf32>
    %squeeze3A = vector.shape_cast %get3A_2 : vector<1x1000x128xf32> to vector<1000x128xf32>
    %get3A_3 = arith.constant 0 : index
    %get3A_4 = arith.constant 0 : index
    %get3A_5 = arith.constant 0 : index
    %get3A_6 = vector.load %arg5[%get3A_3, %get3A_4, %get3A_5] : memref<1x1000x128xf32, #tpu.memory_space<vmem>>, vector<1x1000x128xf32>
    %squeeze3A_7 = vector.shape_cast %get3A_6 : vector<1x1000x128xf32> to vector<1000x128xf32>
    %add3A = arith.addf %squeeze3A, %squeeze3A_7 : vector<1000x128xf32>
    %slice3A = vector.extract_strided_slice %add3A {offsets = [0, 0], sizes = [1000, 1], strides = [1, 1]} : vector<1000x128xf32> to vector<1000x1xf32>
    %gt3A = arith.constant 0.000000e+00 : f32
    %gt3A_8 = vector.broadcast %gt3A : f32 to vector<1000x1xf32>
    %gt3A_9 = arith.cmpf ogt, %slice3A, %gt3A_8 : vector<1000x1xf32>
    %rsqrt3A = math.rsqrt %slice3A : vector<1000x1xf32>
    %mul3A = arith.constant 5.000000e-01 : f32
    %mul3A_10 = vector.broadcast %mul3A : f32 to vector<1000x1xf32>
    %mul3A_11 = arith.mulf %mul3A_10, %rsqrt3A : vector<1000x1xf32>
    %jit3A = arith.constant 0.000000e+00 : f32
    %broadcast_in_dim3A = vector.broadcast %jit3A : f32 to vector<1000x1xf32>
    %select_n3A = arith.select %gt3A_9, %mul3A_11, %broadcast_in_dim3A : vector<1000x1xi1>, vector<1000x1xf32>
    %get3A_12 = arith.constant 0 : index
    %get3A_13 = arith.constant 0 : index
    %get3A_14 = arith.constant 0 : index
    %get3A_15 = vector.load %arg1[%get3A_12, %get3A_13, %get3A_14] : memref<1x1000x128xf32, #tpu.memory_space<vmem>>, vector<1x1000x128xf32>
    %squeeze3A_16 = vector.shape_cast %get3A_15 : vector<1x1000x128xf32> to vector<1000x128xf32>
    %get3A_17 = arith.constant 0 : index
    %get3A_18 = arith.constant 0 : index
    %get3A_19 = arith.constant 0 : index
    %get3A_20 = vector.load %arg2[%get3A_17, %get3A_18, %get3A_19] : memref<1x1000x128xf32, #tpu.memory_space<vmem>>, vector<1x1000x128xf32>
    %squeeze3A_21 = vector.shape_cast %get3A_20 : vector<1x1000x128xf32> to vector<1000x128xf32>
    %add3A_22 = arith.addf %squeeze3A_16, %squeeze3A_21 : vector<1000x128xf32>
    %mul3A_23 = vector.broadcast %select_n3A : vector<1000x1xf32> to vector<1000x128xf32>
    %mul3A_24 = arith.mulf %add3A_22, %mul3A_23 : vector<1000x128xf32>
    %get3A_25 = arith.constant 0 : index
    %get3A_26 = arith.constant 0 : index
    %get3A_27 = vector.load %arg3[%get3A_25, %get3A_26] : memref<1000x128xf32, #tpu.memory_space<vmem>>, vector<1000x128xf32>
    %add3A_28 = arith.addf %mul3A_24, %get3A_27 : vector<1000x128xf32>
    %get3A_29 = arith.constant 0 : index
    %get3A_30 = arith.constant 0 : index
    %get3A_31 = vector.load %arg6[%get3A_29, %get3A_30] : memref<1x128xf32, #tpu.memory_space<vmem>>, vector<1x128xf32>
    %mul3A_32 = arith.constant 0.999500393 : f32
    %mul3A_33 = vector.broadcast %mul3A_32 : f32 to vector<1x128xf32>
    %mul3A_34 = arith.mulf %get3A_31, %mul3A_33 : vector<1x128xf32>
    %mul3A_35 = vector.broadcast %mul3A_34 : vector<1x128xf32> to vector<1000x128xf32>
    %mul3A_36 = arith.mulf %add3A_28, %mul3A_35 : vector<1000x128xf32>
    %get3A_37 = arith.constant 0 : index
    %get3A_38 = arith.constant 0 : index
    %get3A_39 = vector.load %arg7[%get3A_37, %get3A_38] : memref<1x128xf32, #tpu.memory_space<vmem>>, vector<1x128xf32>
    %add3A_40 = vector.broadcast %get3A_39 : vector<1x128xf32> to vector<1000x128xf32>
    %add3A_41 = arith.addf %mul3A_36, %add3A_40 : vector<1000x128xf32>
    %swap3A = arith.constant 0 : index
    %swap3A_42 = arith.constant 0 : index
    %swap3A_43 = vector.load %arg8[%swap3A, %swap3A_42] : memref<1000x128xf32, #tpu.memory_space<vmem>>, vector<1000x128xf32>
    tpu.vector_store %arg8[%swap3A, %swap3A_42], %add3A_41 {strides = array<i32>} : memref<1000x128xf32, #tpu.memory_space<vmem>>, vector<1000x128xf32>,
    return
  }
  func.func @transform_0(%arg0: i32) -> (i32, i32, i32) {
    %c0_i32 = arith.constant 0 : i32
    %c0_i32_0 = arith.constant 0 : i32
    %c0_i32_1 = arith.constant 0 : i32
    return %c0_i32, %arg0, %c0_i32_0 : i32, i32, i32
  }
  func.func @transform_1(%arg0: i32) -> (i32, i32, i32) {
    %c1_i32 = arith.constant 1 : i32
    %c0_i32 = arith.constant 0 : i32
    %c0_i32_0 = arith.constant 0 : i32
    return %c1_i32, %arg0, %c0_i32 : i32, i32, i32
  }
  func.func @transform_2(%arg0: i32) -> (i32, i32) {
    %c0_i32 = arith.constant 0 : i32
    %c0_i32_0 = arith.constant 0 : i32
    return %arg0, %c0_i32 : i32, i32
  }
  func.func @transform_3(%arg0: i32) -> (i32, i32, i32) {
    %c0_i32 = arith.constant 0 : i32
    %c0_i32_0 = arith.constant 0 : i32
    %c0_i32_1 = arith.constant 0 : i32
    return %c0_i32, %arg0, %c0_i32_0 : i32, i32, i32
  }
  func.func @transform_4(%arg0: i32) -> (i32, i32, i32) {
    %c1_i32 = arith.constant 1 : i32
    %c0_i32 = arith.constant 0 : i32
    %c0_i32_0 = arith.constant 0 : i32
    return %c1_i32, %arg0, %c0_i32 : i32, i32, i32
  }
  func.func @transform_5(%arg0: i32) -> (i32, i32) {
    %c0_i32 = arith.constant 0 : i32
    %c0_i32_0 = arith.constant 0 : i32
    %c0_i32_1 = arith.constant 0 : i32
    return %c0_i32, %c0_i32_0 : i32, i32
  }
  func.func @transform_6(%arg0: i32) -> (i32, i32) {
    %c0_i32 = arith.constant 0 : i32
    %c0_i32_0 = arith.constant 0 : i32
    %c0_i32_1 = arith.constant 0 : i32
    return %c0_i32, %c0_i32_0 : i32, i32
  }
  func.func @transform_7(%arg0: i32) -> (i32, i32) {
    %c0_i32 = arith.constant 0 : i32
    %c0_i32_0 = arith.constant 0 : i32
    return %arg0, %c0_i32 : i32, i32
  }
}

module attributes {stable_mosaic.version = 14 : i64} {
  func.func @body(%arg0: i32, %arg1: memref<1000x128xf32, #tpu.memory_space<vmem>>, %arg2: memref<128x128xf32, #tpu.memory_space<vmem>>, %arg3: memref<1x128xf32, #tpu.memory_space<vmem>>, %arg4: memref<1x1000x128xf32, #tpu.memory_space<vmem>>, %arg5: memref<1x1000x128xf32, #tpu.memory_space<vmem>>, %arg6: memref<1000x128xf32, #tpu.memory_space<vmem>>, %arg7: memref<1000x128xf32, #tpu.memory_space<vmem>>) attributes {dimension_semantics = [#tpu.dimension_semantics<arbitrary>], iteration_bounds = array<i64: 10>, scalar_prefetch = 0 : i64, scratch_operands = 0 : i64, tpu.core_type = #tpu.core_type<tc>, window_params = [{transform_indices = @transform_0, window_bounds = array<i64: 1000, 128>}, {pipeline_mode = #tpu.pipeline_mode<synchronous>, transform_indices = @transform_1, window_bounds = array<i64: 128, 128>}, {pipeline_mode = #tpu.pipeline_mode<synchronous>, transform_indices = @transform_2, window_bounds = array<i64: 1, 128>}, {transform_indices = @transform_3, window_bounds = array<i64: 1, 1000, 128>}, {transform_indices = @transform_4, window_bounds = array<i64: 1, 1000, 128>}, {transform_indices = @transform_5, window_bounds = array<i64: 1000, 128>}, {transform_indices = @transform_6, window_bounds = array<i64: 1000, 128>}]} {
    %get3A = arith.constant 0 : index
    %get3A_0 = arith.constant 0 : index
    %get3A_1 = vector.load %arg1[%get3A, %get3A_0] : memref<1000x128xf32, #tpu.memory_space<vmem>>, vector<1000x128xf32>
    %get3A_2 = arith.constant 0 : index
    %get3A_3 = arith.constant 0 : index
    %get3A_4 = vector.load %arg2[%get3A_2, %get3A_3] : memref<128x128xf32, #tpu.memory_space<vmem>>, vector<128x128xf32>
    %dot_general3A = arith.constant dense<0.000000e+00> : vector<1000x128xf32>
    %dot_general3A_5 = tpu.matmul %get3A_1, %get3A_4, %dot_general3A {dimension_numbers = #tpu.dot_dimension_numbers<[1], [0], [0], [1], [0, 0, 1, 1], [], []>, transpose_lhs_hint = false} : vector<1000x128xf32>, vector<128x128xf32>, vector<1000x128xf32> -> vector<1000x128xf32>
    %get3A_6 = arith.constant 0 : index
    %get3A_7 = arith.constant 0 : index
    %get3A_8 = vector.load %arg3[%get3A_6, %get3A_7] : memref<1x128xf32, #tpu.memory_space<vmem>>, vector<1x128xf32>
    %add3A = vector.broadcast %get3A_8 : vector<1x128xf32> to vector<1000x128xf32>
    %add3A_9 = arith.addf %dot_general3A_5, %add3A : vector<1000x128xf32>
    %get3A_10 = arith.constant 0 : index
    %get3A_11 = arith.constant 0 : index
    %get3A_12 = arith.constant 0 : index
    %get3A_13 = vector.load %arg4[%get3A_10, %get3A_11, %get3A_12] : memref<1x1000x128xf32, #tpu.memory_space<vmem>>, vector<1x1000x128xf32>
    %squeeze3A = vector.shape_cast %get3A_13 : vector<1x1000x128xf32> to vector<1000x128xf32>
    %get3A_14 = arith.constant 0 : index
    %get3A_15 = arith.constant 0 : index
    %get3A_16 = arith.constant 0 : index
    %get3A_17 = vector.load %arg5[%get3A_14, %get3A_15, %get3A_16] : memref<1x1000x128xf32, #tpu.memory_space<vmem>>, vector<1x1000x128xf32>
    %squeeze3A_18 = vector.shape_cast %get3A_17 : vector<1x1000x128xf32> to vector<1000x128xf32>
    %add3A_19 = arith.addf %squeeze3A, %squeeze3A_18 : vector<1000x128xf32>
    %slice3A = vector.extract_strided_slice %add3A_19 {offsets = [0, 0], sizes = [1000, 1], strides = [1, 1]} : vector<1000x128xf32> to vector<1000x1xf32>
    %rsqrt3A = math.rsqrt %slice3A : vector<1000x1xf32>
    %mul3A = vector.broadcast %rsqrt3A : vector<1000x1xf32> to vector<1000x128xf32>
    %mul3A_20 = arith.mulf %add3A_9, %mul3A : vector<1000x128xf32>
    %swap3A = arith.constant 0 : index
    %swap3A_21 = arith.constant 0 : index
    %swap3A_22 = vector.load %arg6[%swap3A, %swap3A_21] : memref<1000x128xf32, #tpu.memory_space<vmem>>, vector<1000x128xf32>
    tpu.vector_store %arg6[%swap3A, %swap3A_21], %mul3A_20 {strides = array<i32>} : memref<1000x128xf32, #tpu.memory_space<vmem>>, vector<1000x128xf32>,
    %mul3A_23 = arith.constant 5.000000e-01 : f32
    %mul3A_24 = vector.broadcast %mul3A_23 : f32 to vector<1000x1xf32>
    %mul3A_25 = arith.mulf %mul3A_24, %slice3A : vector<1000x1xf32>
    %mul3A_26 = vector.broadcast %mul3A_25 : vector<1000x1xf32> to vector<1000x128xf32>
    %mul3A_27 = arith.mulf %mul3A_26, %add3A_9 : vector<1000x128xf32>
    %swap3A_28 = arith.constant 0 : index
    %swap3A_29 = arith.constant 0 : index
    %swap3A_30 = vector.load %arg7[%swap3A_28, %swap3A_29] : memref<1000x128xf32, #tpu.memory_space<vmem>>, vector<1000x128xf32>
    tpu.vector_store %arg7[%swap3A_28, %swap3A_29], %mul3A_27 {strides = array<i32>} : memref<1000x128xf32, #tpu.memory_space<vmem>>, vector<1000x128xf32>,
    return
  }
  func.func @transform_0(%arg0: i32) -> (i32, i32) {
    %c0_i32 = arith.constant 0 : i32
    %c0_i32_0 = arith.constant 0 : i32
    return %arg0, %c0_i32 : i32, i32
  }
  func.func @transform_1(%arg0: i32) -> (i32, i32) {
    %c0_i32 = arith.constant 0 : i32
    %c0_i32_0 = arith.constant 0 : i32
    %c0_i32_1 = arith.constant 0 : i32
    return %c0_i32, %c0_i32_0 : i32, i32
  }
  func.func @transform_2(%arg0: i32) -> (i32, i32) {
    %c0_i32 = arith.constant 0 : i32
    %c0_i32_0 = arith.constant 0 : i32
    %c0_i32_1 = arith.constant 0 : i32
    return %c0_i32, %c0_i32_0 : i32, i32
  }
  func.func @transform_3(%arg0: i32) -> (i32, i32, i32) {
    %c0_i32 = arith.constant 0 : i32
    %c0_i32_0 = arith.constant 0 : i32
    %c0_i32_1 = arith.constant 0 : i32
    return %c0_i32, %arg0, %c0_i32_0 : i32, i32, i32
  }
  func.func @transform_4(%arg0: i32) -> (i32, i32, i32) {
    %c1_i32 = arith.constant 1 : i32
    %c0_i32 = arith.constant 0 : i32
    %c0_i32_0 = arith.constant 0 : i32
    return %c1_i32, %arg0, %c0_i32 : i32, i32, i32
  }
  func.func @transform_5(%arg0: i32) -> (i32, i32) {
    %c0_i32 = arith.constant 0 : i32
    %c0_i32_0 = arith.constant 0 : i32
    return %arg0, %c0_i32 : i32, i32
  }
  func.func @transform_6(%arg0: i32) -> (i32, i32) {
    %c0_i32 = arith.constant 0 : i32
    %c0_i32_0 = arith.constant 0 : i32
    return %arg0, %c0_i32 : i32, i32
  }
}

</mosaic_0001>

<sc_bundles>
// kernel: kernel.6.cloned.1.call-start
scs
__scs_entry_jumppad:
0x0: {  	(pc) =	sbr.rel $0x88, $3  }
0x1: {  	(tag) =	ssettag $0x0;
	lr =	simm.s32 $0x1  }
0x2: {  	[smem:$0x3F9B] =	sst lr;
	_ =	strace $0xD0000000  }
0x3: {  	_ = 	snop  }
0x4: {  	_ = 	snop  }
0x5: {  	_ = 	snop  }
0x6: {  	_ = 	snop  }
0x7: {  	_ = 	snop  }
__scs_overlays_trampoline_lowered:
0x8: {  	[smem:$0x3FAA] =	sst s0  }
0x9: {  	[smem:$0x3FAB] =	sst s1  }
0xa: {  	[smem:$0x3FAC] =	sst s2  }
0xb: {  	[smem:$0x3FAD] =	sst s3  }
0xc: {  	[smem:$0x3FAE] =	sst s4  }
0xd: {  	[smem:$0x3FAF] =	sst s5  }
0xe: {  	[smem:$0x3FB0] =	sst s6  }
0xf: {  	[smem:$0x3FB1] =	sst s7  }
0x10: {  	[smem:$0x3FB2] =	sst s8  }
0x11: {  	[smem:$0x3FB3] =	sst s9;
	s0 =	simm.s32 @!p0 $0x0  }
0x12: {  	s1 =	sld [smem:$0x3F99];
	s0 =	simm.s32 @p0 $0x1  }
0x13: {  	[smem:$0x3FB4] =	sst s0;
	s0 =	simm.s32 @!p1 $0x0  }
0x14: {  	s2 =	sld [smem:$0x3F98];
	s0 =	simm.s32 @p1 $0x1  }
0x15: {  	[smem:$0x3FB5] =	sst s0;
	s0 =	simm.s32 @!p2 $0x0  }
0x16: {  	s3 =	sld [smem:$0x3FDB];
	s0 =	simm.s32 @p2 $0x1  }
0x17: {  	s4 =	simm.s32 $0x1BF5;
	[smem:$0x3FB7] =	sst s0  }
0x18: {  	s0 =	sld [smem:$0x3F9A];
	_ =	swait.ge [sflag:s4], $0x0  }
0x19: {  	s7 =	sld [smem:$0x3F9B]  }
0x1a: {  	s8 =	sadd.s32 $0xFFFFE003, lr  }
0x1b: {  	s9 =	sadd.s32 $0xFFFFFEF7, lr;
	s5 =	simm.s32 $0xFFFFFFFF;
	p2 =	slt.u32 s8, $0xFFFFF086  }
0x1c: {  	p1 =	slt.u32 s9, $0xF7A;
	s5 =	simm.s32 @!p2 $0x0  }
0x1d: {  	s5 =	simm.s32 @p1 $0x1;
	p0 =	seq.s32 s7, s2  }
0x1e: {  	s7 =	smul.u32 @!p0 $0xF7A, s2;
	p2 =	seq.s32 @!p0 s5, $0x0  }
0x1f: {  	s9 =	smul.u32 $0xF7A, s1;
	s8 =	simm.s32 @!p0 $0x1BF5;
	p2 =	por !p2, p0  }
0x20: {  	[sflag:s8] =	ssyncset.s32 @!p0 $0xFFFFF086;
	s6 =	sadd.s32 @!p0 s3, s7;
	s7 =	simm.s32 @!p0 $0x108  }
0x21: {  	s3 =	sadd.s32 s3, s9;
	s6 =	sadd.s32 @!p0 $0x88, s6;
	s7 =	simm.s32 @p2 $0x1082  }
0x22: {  	[simem:s7], [sflag:s8] =	dma.local @!p0 [hbm:s6], $0xF7A  }
0x23: {  	s9 =	sor.u32 $0xD0000000, s2;
	s6 =	simm.s32 $0x108;
	_ =	swait.ge @!p0 [sflag:s8], $0x0  }
0x24: {  	s3 =	sadd.s32 $0x88, s3;
	s6 =	simm.s32 @!p1 $0x1082;
	[sflag:s4] =	ssyncset.s32 $0xFFFFF086  }
0x25: {  	[simem:s6], [sflag:s4] =	dma.local [hbm:s3], $0xF7A  }
0x26: {  	[smem:$0x3F9B] =	sst s1;
	(tag) =	ssettag s2;
	_ =	strace s9  }
0x27: {  	s1 =	sld [smem:$0x3FAB]  }
0x28: {  	s2 =	sld [smem:$0x3FAC]  }
0x29: {  	s4 =	sld [smem:$0x3FAE]  }
0x2a: {  	p0 =	seq.s32 s5, $0x0;
	s5 =	sld [smem:$0x3FAF]  }
0x2b: {  	s6 =	sld [smem:$0x3FB0]  }
0x2c: {  	s7 =	sld [smem:$0x3FB1]  }
0x2d: {  	s3 =	simm.s32 $0x108;
	s8 =	sld [smem:$0x3FB2]  }
0x2e: {  	s3 =	simm.s32 @!p0 $0x1082;
	s9 =	sld [smem:$0x3FB3]  }
0x2f: {  	lr =	sadd.s32 s0, s3;
	s0 =	sld [smem:$0x3FAA]  }
0x30: {  	s3 =	sld [smem:$0x3FAD]  }
0x31: {  	[smem:$0x3FB6] =	sst s10  }
0x32: {  	s10 =	sld [smem:$0x3FB4];
	_ =	sdelay $0x3  }
0x33: {  	p0 =	seq.s32 s10, $0x1;
	s10 =	sld [smem:$0x3FB6];
	_ =	sdelay $0x3  }
0x34: {  	[smem:$0x3FB6] =	sst s10  }
0x35: {  	s10 =	sld [smem:$0x3FB5];
	_ =	sdelay $0x3  }
0x36: {  	p1 =	seq.s32 s10, $0x1;
	s10 =	sld [smem:$0x3FB6];
	_ =	sdelay $0x3  }
0x37: {  	[smem:$0x3FB6] =	sst s10  }
0x38: {  	s10 =	sld [smem:$0x3FB7]  }
0x39: {  	_ = 	snop;
	(pc) =	sbr.ind lr, $3  }
0x3a: {  	_ = 	snop  }
0x3b: {  	_ = 	snop  }
0x3c: {  	p2 =	seq.s32 s10, $0x1;
	s10 =	sld [smem:$0x3FB6]  }
0x3d: {  	_ =	shalt  }
0x3e: {  	_ =	shalt  }
0x3f: {  	_ =	shalt  }
0x40: {  	_ =	shalt  }
0x41: {  	_ =	shalt  }
0x42: {  	_ =	shalt  }
0x43: {  	_ =	shalt  }
0x44: {  	_ =	shalt  }
0x45: {  	_ =	shalt  }
0x46: {  	_ =	shalt  }
0x47: {  	_ =	shalt  }
0x48: {  	_ =	shalt  }
0x49: {  	_ =	shalt  }
0x4a: {  	_ =	shalt  }
0x4b: {  	_ =	shalt  }
0x4c: {  	_ =	shalt  }
0x4d: {  	_ =	shalt  }
0x4e: {  	_ =	shalt  }
0x4f: {  	_ =	shalt  }
0x50: {  	_ =	shalt  }
0x51: {  	_ =	shalt  }
0x52: {  	_ =	shalt  }
0x53: {  	_ =	shalt  }
0x54: {  	_ =	shalt  }
0x55: {  	_ =	shalt  }
0x56: {  	_ =	shalt  }
0x57: {  	_ =	shalt  }
0x58: {  	_ =	shalt  }
0x59: {  	_ =	shalt  }
0x5a: {  	_ =	shalt  }
0x5b: {  	_ =	shalt  }
0x5c: {  	_ =	shalt  }
0x5d: {  	_ =	shalt  }
0x5e: {  	_ =	shalt  }
0x5f: {  	_ =	shalt  }
0x60: {  	_ =	shalt  }
0x61: {  	_ =	shalt  }
0x62: {  	_ =	shalt  }
0x63: {  	_ =	shalt  }
0x64: {  	_ =	shalt  }
0x65: {  	_ =	shalt  }
0x66: {  	_ =	shalt  }
0x67: {  	_ =	shalt  }
0x68: {  	_ =	shalt  }
0x69: {  	_ =	shalt  }
0x6a: {  	_ =	shalt  }
0x6b: {  	_ =	shalt  }
0x6c: {  	_ =	shalt  }
0x6d: {  	_ =	shalt  }
0x6e: {  	_ =	shalt  }
0x6f: {  	_ =	shalt  }
0x70: {  	_ =	shalt  }
0x71: {  	_ =	shalt  }
0x72: {  	_ =	shalt  }
0x73: {  	_ =	shalt  }
0x74: {  	_ =	shalt  }
0x75: {  	_ =	shalt  }
0x76: {  	_ =	shalt  }
0x77: {  	_ =	shalt  }
0x78: {  	_ =	shalt  }
0x79: {  	_ =	shalt  }
0x7a: {  	_ =	shalt  }
0x7b: {  	_ =	shalt  }
0x7c: {  	_ =	shalt  }
0x7d: {  	_ =	shalt  }
0x7e: {  	_ =	shalt  }
0x7f: {  	_ =	shalt  }
0x80: {  	_ =	shalt  }
0x81: {  	_ =	shalt  }
0x82: {  	_ =	shalt  }
0x83: {  	_ =	shalt  }
0x84: {  	_ =	shalt  }
0x85: {  	_ =	shalt  }
0x86: {  	_ =	shalt  }
0x87: {  	_ =	shalt  }
.Lfunc_end0:
.L_simem_size_0:
called_computation_lowered:
.L_overlay_start_0:
0x88: {  	s2 =	sld [smem:$0x3FD9]  }
0x89: {  	s3 =	sld [smem:$0x3FFE];
	_ =	sdelay $0x1  }
0x8a: {  	s1 =	srdreg.scid  }
0x8b: {  	s0 =	sand.u32 $0x1, s1  }
0x8c: {  	s16 =	sshll.u32 s0, $0xA;
	s2 =	sadd.s32 s3, s2  }
0x8d: {  	s2 =	sadd.s32 s2, s16  }
0x8e: {  	[smem:$0x3FC2] =	sst s2  }
0x8f: {  	_ = 	snop  }
0x90: {  	(tm) =	ssettm $0x1  }
0x91: {  	s17 =	sld [smem:$0x3FFB];
	_ =	sdelay $0x3  }
0x92: {  	_ =	strace s17  }
0x93: {  	s2 =	sld [smem:$0x3FFC];
	_ =	sdelay $0x3  }
0x94: {  	_ =	strace s2  }
0x95: {  	s2 =	sld [smem:$0x3FFD];
	_ =	sdelay $0x3  }
0x96: {  	_ =	strace s2  }
0x97: {  	_ =	strace $0x8FFFFFFF  }
0x98: {  	s18 =	sld [smem:$0x3FDB];
	_ =	sdelay $0x1  }
0x99: {  	s19 =	simm.s32 $_scs_section_size  }
0x9a: {  	s4 =	simm.s32 $_size__tile_overlayer_lowered;
	s5 =	simm.s32 $_tile_overlayer_lowered  }
0x9b: {  	s22 =	simm.s32 $0x1BFF;
	s21 =	sshll.u32 s5, $0x1;
	s2 =	sadd.s32 s19, s18  }
0x9c: {  	s6 =	simm.s32 $0x0;
	s20 =	sshll.u32 s4, $0x1;
	s4 =	sadd.s32 s21, s2  }
0x9d: {  	[timem:s6], [sflag:s22] =	dma.local [hbm:s4], s20  }
0x9e: {  	_ =	swait.ge [sflag:s22], s20  }
0x9f: {  	s3 =	ssub.s32 $0x0, s20;
	[sflag:s22] =	ssyncset.done $0x0  }
0xa0: {  	[sflag:s22] =	ssyncadd.s32 s3;
	_ =	sdelay $0x1  }
0xa1: {  	s23 =	simm.s32 $0x1B8B  }
0xa2: {  	_ =	swait.ge [sflag:s23], $0x1  }
0xa3: {  	[sflag:s23] =	ssyncset.done $0x0  }
0xa4: {  	s25 =	simm.s32 $0x1B8E;
	s24 =	sld [smem:$0x3FFE];
	[sflag:s23] =	ssyncadd.s32 $0xFFFFFFFF  }
0xa5: {  	s26 =	simm.s32 $execute0_lowered;
	[smem:$0x3FD2] =	sst s25  }
0xa6: {  	s4 =	sshll.u32 s26, $0x1;
	_ =	strace $0x80000046;
	[dreg:$0x1] =	wrdreg $0xFFFFFFFF  }
0xa7: {  	s28 =	simm.s32 $_size_execute0_lowered;
	s2 =	sadd.s32 s2, s4;
	[dreg:$0x0] =	wrdreg $0x0  }
0xa8: {  	s4 =	sshll.u32 s28, $0x1;
	[dreg:$0x2] =	wrdreg s2  }
0xa9: {  	[dreg:$0x3] =	wrdreg s4  }
0xaa: {  	[dreg:$0x4] =	wrdreg $0xC0  }
0xab: {  	_ =	task [dreg:s6], $0x5FFFF  }
0xac: {  	[dreg:$0x1] =	wrdreg $0xFFFFFFFF  }
0xad: {  	[dreg:$0x0] =	wrdreg $0x60  }
0xae: {  	[dreg:$0x2] =	wrdreg s24  }
0xaf: {  	[dreg:$0x3] =	wrdreg $0x29000  }
0xb0: {  	[dreg:$0x4] =	wrdreg $0x9  }
0xb1: {  	_ =	task.clear_ibuf [dreg:s6], $0x5FFFF;
	_ =	strace $0x90000046  }
0xb2: {  	s29 =	simm.s32 $0x9;
	_ =	strace $0x80000048  }
0xb3: {  	_ =	swait.ge [sflag:s29], $0x1  }
0xb4: {  	[sflag:s29] =	ssyncadd.s32 $0xFFFFFFFF  }
0xb5: {  	_ =	strace $0x90000048  }
0xb6: {  	_ =	sfence  }
0xb7: {  	s30 =	sld [smem:$0x0];
	_ =	sdelay $0x2  }
0xb8: {  	s31 =	sshll.u32 s1, $0xD;
	s1 =	sshrl.u32 s1, $0x2  }
0xb9: {  	s3 =	sand.u32 $0x4000, s31;
	s1 =	sadd.s32 s1, s30  }
0xba: {  	s0 =	sor.u32 s3, s0;
	s1 =	sshll.u32 s1, $0x11  }
0xbb: {  	s0 =	sor.u32 s1, s0  }
0xbc: {  	s0 =	sadd.s32 $0x8F2B, s0  }
0xbd: {  	[sflag:s0] =	ssyncadd.remote.s32 $0x1  }
0xbe: {  	_ =	sfence.sel $0xFFFF  }
0xbf: {  	[dreg:$0x0] =	wrdreg $0xFFFFFFFF;
	(pc) =	sbr.abs _section_cstart, $3  }
0xc0: {  	[dreg:$0x1] =	wrdreg $0xFFFFFFFF  }
0xc1: {  	_ =	task.clear_ibuf [dreg:s6], $0x2FFFF;
	_ =	strace $0x9FFFFFFF  }
0xc2: {  	(tm) =	ssettm $0x7FFFFFFF  }
0xc3: {  	_ =	shalt  }
tec
execute0_lowered:
.L_overlay_start_1:
0x0: {  	(tag) =	ssettag $0x1  }
0x1: {  	s5 =	rddreg [dreg:$0x0]  }
0x2: {  	s2 =	rddreg [dreg:$0x1]  }
0x3: {  	s0 =	rddreg [dreg:$0x2];
	s3 =	simm.s32 $0x0  }
0x4: {  	s1 =	stileid.u32;
	s4 =	srdreg.scid;
	s15 =	simm.s32 $0x1  }
0x5: {  	s16 =	simm.s32 $0x50;
	s17 =	simm.s32 $0x100;
	s18 =	simm.s32 $0x2  }
0x6: {  	s19 =	simm.s32 $0x0;
	[smem:$0x7FF] =	sst s3;
	s6 =	smul.u32 $0x2800, s1  }
0x7: {  	s7 =	sand.u32 $0x1, s4;
	s4 =	sadd.s32 $0xB400, s5;
	s11 =	smul.u32 $0x50000, s1  }
0x8: {  	s28 =	smul.u32 $0x2710, s1;
	s29 =	sshll.u32 s1, $0x6;
	_ =	strace $0x80000047  }
0x9: {  	s8 =	smul.u32 $0x28000, s7;
	s9 =	sshll.u32 s7, $0x4;
	s24 =	ssub.s32 $0x2, s7  }
0xa: {  	s7 =	smul.u32 $0x27100, s7;
	s10 =	sadd.s32 s6, s5;
	s9 =	sor.u32 s1, s9  }
0xb: {  	s25 =	sshrl.u32 s24, $0x1;
	s26 =	sshrl.u32 s11, $0x2;
	s6 =	sadd.s32 s6, s8  }
0xc: {  	s9 =	smul.u32 $0x2710, s9;
	s13 =	ssub.s32 s24, s25;
	s14 =	sadd.s32 s26, s2  }
0xd: {  	s30 =	sadd.s32 s28, s7;
	s12 =	sadd.s32 s6, s5;
	s5 =	sadd.s32 $0x15200, s10  }
0xe: {  	s6 =	sor.u32 $0x1C03, s29;
	s31 =	sadd.s32 $0x50, s30;
	s10 =	sadd.s32 $0xA0, s30  }
0xf: {  	s9 =	sshrl.u32 s9, $0x3;
	s8 =	sadd.s32 $0x3D200, s12;
	s11 =	sshrl.u32 s31, $0x3  }
0x10: {  	s12 =	sshrl.u32 s14, $0x3;
	s14 =	simm.s32 $0x80;
	s7 =	sadd.s32 s4, s9  }
0x11: {  	v0 =	vimm.f32 $1.000000000e+00;
	s9 =	smax.u32 s13, $0x1;
	s11 =	sadd.s32 s11, s4;
	s13 =	simm.s32 $0x3  }
.LBB2_1:
0x12: {  	s20 =	simm.s32 $0x0;
	s21 =	simm.s32 $0x200  }
.LBB2_2:
0x13: {  	p0 =	sne.s32 s21, $0x9E00;
	[tilespmem:s20+$0x170] =	vst v0  }
0x14: {  	[tilespmem:s20+$0x100] =	vst v0  }
0x15: {  	[tilespmem:s20+$0x110] =	vst v0  }
.Ltmp0:
0x16: {  	[tilespmem:s20+$0x120] =	vst v0;
	(pc) =	sbr.rel @p0 .LBB2_2-.Ltmp0, $4  }
0x17: {  	[tilespmem:s20+$0x130] =	vst v0  }
0x18: {  	[tilespmem:s20+$0x140] =	vst v0  }
0x19: {  	[tilespmem:s20+$0x150] =	vst v0  }
0x1a: {  	[tilespmem:s20+$0x160] =	vst v0;
	s20 =	sshra.s32 s21, $0x2;
	s21 =	sadd.s32 $0x200, s21  }
0x1b: {  	[tilespmem:s20+$0x170] =	vst v0  }
0x1c: {  	[tilespmem:s20+$0x100] =	vst v0  }
0x1d: {  	[tilespmem:s20+$0x110] =	vst v0  }
0x1e: {  	[tilespmem:s20+$0x120] =	vst v0  }
0x1f: {  	[tilespmem:s20+$0x130] =	vst v0  }
0x20: {  	[tilespmem:s20+$0x140] =	vst v0  }
0x21: {  	[tilespmem:s20+$0x150] =	vst v0  }
0x22: {  	[tilespmem:s20+$0x160] =	vst v0  }
0x23: {  	[spmem:s12], [sflag:s6] =	dma.local [hbm:s5], $0x2800  }
0x24: {  	_ =	swait.ge [sflag:s13], $0x2800  }
0x25: {  	[sflag:s13] =	ssyncset.done $0x0  }
0x26: {  	[sflag:s13] =	ssyncadd.s32 $0xFFFFD800  }
0x27: {  	s29 =	simm.s32 $0x0;
	[bflag:$0x0] =	sbarrier.arrive $0xFFFF  }
0x28: {  	[tilespmem:s29], [sflag:$0x1] =	stream.linear.gather [hbm4b:s7+s29], $0x50, $0x38;
	[tilespmem:$0x16900] =	vst v63  }
0x29: {  	s30 =	sadd.s32 $0x0, s11  }
0x2a: {  	[tilespmem:s14], [sflag:$0x2] =	stream.linear.gather [hbm4b:s30+s3], $0x50, $0x38;
	[tilespmem:$0x16900] =	vst v63  }
0x2b: {  	_ =	swait.ge [sflag:s15], $0x50  }
0x2c: {  	[sflag:s15] =	ssyncset.done $0x0  }
0x2d: {  	[sflag:s15] =	ssyncadd.s32 $0xFFFFFFB0  }
0x2e: {  	[spmem:s2] =	stream.indirect.scatter.add.f32 [tilespmem:s17], [sflag:$0x3], $0x80, s3, s16, $0xb8;
	[tilespmem:$0x16900] =	vst v63  }
0x2f: {  	_ =	swait.ge [sflag:s13], $0x2800  }
0x30: {  	s31 =	sshrl.u32 s10, $0x3;
	[sflag:s13] =	ssyncset.done $0x0  }
0x31: {  	s20 =	sadd.s32 s4, s31;
	[sflag:s13] =	ssyncadd.s32 $0xFFFFD800  }
0x32: {  	[tilespmem:s3], [sflag:$0x1] =	stream.linear.gather [hbm4b:s20+s3], $0x50, $0x38;
	[tilespmem:$0x16900] =	vst v63  }
0x33: {  	_ =	swait.ge [sflag:s18], $0x50  }
0x34: {  	[sflag:s18] =	ssyncset.done $0x0  }
0x35: {  	[sflag:s18] =	ssyncadd.s32 $0xFFFFFFB0  }
0x36: {  	[spmem:s2] =	stream.indirect.scatter.add.f32 [tilespmem:s17], [sflag:$0x3], $0x80, s14, s16, $0xb8;
	[tilespmem:$0x16900] =	vst v63  }
0x37: {  	s21 =	simm.s32 $0x14;
	_ =	swait.ge [sflag:s13], $0x2800  }
0x38: {  	s22 =	simm.s32 $0x28;
	s20 =	sadd.s32 $0xA0, s10;
	[sflag:s13] =	ssyncset.done $0x0  }
.LBB2_4:
0x39: {  	s23 =	sadd.s32 s21, s11  }
0x3a: {  	[sflag:s13] =	ssyncadd.s32 $0xFFFFD800;
	s21 =	smov.u32 s22;
	s24 =	sadd.s32 $0x14, s22  }
0x3b: {  	[tilespmem:s14], [sflag:$0x2] =	stream.linear.gather [hbm4b:s23+s3], $0x50, $0x38;
	[tilespmem:$0x16900] =	vst v63  }
0x3c: {  	p0 =	sne.s32 s22, $0x4C4;
	_ =	swait.ge [sflag:s15], $0x50  }
0x3d: {  	[sflag:s15] =	ssyncset.done $0x0  }
0x3e: {  	[sflag:s15] =	ssyncadd.s32 $0xFFFFFFB0  }
0x3f: {  	[spmem:s2] =	stream.indirect.scatter.add.f32 [tilespmem:s17], [sflag:$0x3], $0x80, s3, s16, $0xb8;
	[tilespmem:$0x16900] =	vst v63  }
0x40: {  	_ =	swait.ge [sflag:s13], $0x2800  }
0x41: {  	s22 =	sshrl.u32 s20, $0x3;
	[sflag:s13] =	ssyncset.done $0x0  }
0x42: {  	s22 =	sadd.s32 s4, s22;
	[sflag:s13] =	ssyncadd.s32 $0xFFFFD800  }
0x43: {  	[tilespmem:s3], [sflag:$0x1] =	stream.linear.gather [hbm4b:s22+s3], $0x50, $0x38;
	[tilespmem:$0x16900] =	vst v63  }
0x44: {  	_ =	swait.ge [sflag:s18], $0x50  }
.Ltmp1:
0x45: {  	[sflag:s18] =	ssyncset.done $0x0;
	(pc) =	sbr.rel @p0 .LBB2_4-.Ltmp1, $4  }
0x46: {  	[sflag:s18] =	ssyncadd.s32 $0xFFFFFFB0  }
0x47: {  	[spmem:s2] =	stream.indirect.scatter.add.f32 [tilespmem:s17], [sflag:$0x3], $0x80, s14, s16, $0xb8;
	[tilespmem:$0x16900] =	vst v63  }
0x48: {  	_ =	swait.ge [sflag:s13], $0x2800  }
0x49: {  	s20 =	sadd.s32 $0xA0, s20;
	s22 =	smov.u32 s24;
	[sflag:s13] =	ssyncset.done $0x0  }
0x4a: {  	s21 =	sadd.s32 s21, s11;
	[sflag:s13] =	ssyncadd.s32 $0xFFFFD800  }
0x4b: {  	[tilespmem:s14], [sflag:$0x2] =	stream.linear.gather [hbm4b:s21+s3], $0x50, $0x38;
	[tilespmem:$0x16900] =	vst v63  }
0x4c: {  	_ =	swait.ge [sflag:s15], $0x50  }
0x4d: {  	[sflag:s15] =	ssyncset.done $0x0  }
0x4e: {  	[sflag:s15] =	ssyncadd.s32 $0xFFFFFFB0  }
0x4f: {  	[spmem:s2] =	stream.indirect.scatter.add.f32 [tilespmem:s17], [sflag:$0x3], $0x80, s3, s16, $0xb8;
	[tilespmem:$0x16900] =	vst v63  }
0x50: {  	_ =	swait.ge [sflag:s13], $0x2800  }
0x51: {  	s20 =	sshrl.u32 s20, $0x3;
	[sflag:s13] =	ssyncset.done $0x0  }
0x52: {  	s20 =	sadd.s32 s4, s20;
	[sflag:s13] =	ssyncadd.s32 $0xFFFFD800  }
0x53: {  	[tilespmem:s3], [sflag:$0x1] =	stream.linear.gather [hbm4b:s20+s3], $0x50, $0x38;
	[tilespmem:$0x16900] =	vst v63  }
0x54: {  	_ =	swait.ge [sflag:s18], $0x50  }
0x55: {  	[sflag:s18] =	ssyncset.done $0x0  }
0x56: {  	[sflag:s18] =	ssyncadd.s32 $0xFFFFFFB0  }
0x57: {  	[spmem:s2] =	stream.indirect.scatter.add.f32 [tilespmem:s17], [sflag:$0x3], $0x80, s14, s16, $0xb8;
	[tilespmem:$0x16900] =	vst v63  }
0x58: {  	_ =	swait.ge [sflag:s13], $0x2800  }
0x59: {  	[sflag:s13] =	ssyncset.done $0x0  }
0x5a: {  	[sflag:s13] =	ssyncadd.s32 $0xFFFFD800  }
0x5b: {  	_ =	swait.ge [sflag:s15], $0x50  }
0x5c: {  	[sflag:s15] =	ssyncset.done $0x0  }
0x5d: {  	[sflag:s15] =	ssyncadd.s32 $0xFFFFFFB0  }
0x5e: {  	[spmem:s2] =	stream.indirect.scatter.add.f32 [tilespmem:s17], [sflag:$0x3], $0x80, s3, s16, $0xb8;
	[tilespmem:$0x16900] =	vst v63  }
0x5f: {  	_ =	swait.ge [sflag:s13], $0x2800  }
0x60: {  	s19 =	sadd.s32 $0x1, s19;
	[sflag:s13] =	ssyncset.done $0x0  }
0x61: {  	p0 =	sne.s32 s19, s9;
	[sflag:s13] =	ssyncadd.s32 $0xFFFFD800  }
.Ltmp2:
0x62: {  	[bflag:$0x0] =	sbarrier.arrive $0xFFFF;
	(pc) =	sbr.rel @p0 .LBB2_1-.Ltmp2, $4  }
0x63: {  	[hbm:s8], [sflag:s6] =	dma.local [spmem:s12], $0x2800  }
0x64: {  	_ =	swait.ge [sflag:s13], $0x2800  }
0x65: {  	[sflag:s13] =	ssyncset.done $0x0  }
0x66: {  	[sflag:s13] =	ssyncadd.s32 $0xFFFFD800  }
0x67: {  	_ =	sfence.sel $0x180000  }
0x68: {  	[bflag:$0x0] =	sbarrier.arrive $0xFFFF  }
0x69: {  	p0 =	sne.s32 s1, $0x0;
	_ =	strace $0x90000047  }
0x6a: {  	s0 =	sadd.s32 @!p0 $0x100000, s0;
	[bflag:$0x2] =	sbarrier.arrive $0xFFFF  }
0x6b: {  	[sflag:s0] =	ssyncadd.tile.s32 @!p0 $0x1;
	_ =	shalt  }
.Lfunc_end2:
_tile_overlayer_lowered:
.L_overlay_start_2:
0x6c: {  	(tag) =	ssettag $0x2  }
0x6d: {  	s0 =	rddreg [dreg:$0x0];
	s2 =	stileid.u32  }
0x6e: {  	s1 =	rddreg [dreg:$0x1];
	p0 =	sne.s32 s2, $0x0  }
0x6f: {  	s3 =	rddreg [dreg:$0x2];
	[bflag:$0x3] =	sbarrier.arrive $0xFFFF;
	s2 =	simm.s32 @!p0 $0x1C03  }
0x70: {  	[timem:s3], [sflag:s2] =	dma.local @!p0 [hbm:s0], s1  }
0x71: {  	s0 =	simm.s32 @!p0 $0x3  }
0x72: {  	_ =	swait.ge @!p0 [sflag:s0], s1  }
0x73: {  	s1 =	ssub.s32 @!p0 $0x0, s1;
	[sflag:s0] =	ssyncset.done @!p0 $0x0  }
0x74: {  	[sflag:s0] =	ssyncadd.s32 @!p0 s1  }
0x75: {  	[bflag:$0x3] =	sbarrier.arrive $0xFFFF  }
0x76: {  	_ =	shalt  }

// kernel: kernel.9.cloned.1.call-start
scs
__scs_entry_jumppad:
0x0: {  	(pc) =	sbr.rel $0x88, $3  }
0x1: {  	(tag) =	ssettag $0x0;
	lr =	simm.s32 $0x1  }
0x2: {  	[smem:$0x3F9B] =	sst lr;
	_ =	strace $0xD0000000  }
0x3: {  	_ = 	snop  }
0x4: {  	_ = 	snop  }
0x5: {  	_ = 	snop  }
0x6: {  	_ = 	snop  }
0x7: {  	_ = 	snop  }
__scs_overlays_trampoline_lowered:
0x8: {  	[smem:$0x3FAA] =	sst s0  }
0x9: {  	[smem:$0x3FAB] =	sst s1  }
0xa: {  	[smem:$0x3FAC] =	sst s2  }
0xb: {  	[smem:$0x3FAD] =	sst s3  }
0xc: {  	[smem:$0x3FAE] =	sst s4  }
0xd: {  	[smem:$0x3FAF] =	sst s5  }
0xe: {  	[smem:$0x3FB0] =	sst s6  }
0xf: {  	[smem:$0x3FB1] =	sst s7  }
0x10: {  	[smem:$0x3FB2] =	sst s8  }
0x11: {  	[smem:$0x3FB3] =	sst s9;
	s0 =	simm.s32 @!p0 $0x0  }
0x12: {  	s1 =	sld [smem:$0x3F99];
	s0 =	simm.s32 @p0 $0x1  }
0x13: {  	[smem:$0x3FB4] =	sst s0;
	s0 =	simm.s32 @!p1 $0x0  }
0x14: {  	s2 =	sld [smem:$0x3F98];
	s0 =	simm.s32 @p1 $0x1  }
0x15: {  	[smem:$0x3FB5] =	sst s0;
	s0 =	simm.s32 @!p2 $0x0  }
0x16: {  	s3 =	sld [smem:$0x3FDB];
	s0 =	simm.s32 @p2 $0x1  }
0x17: {  	s4 =	simm.s32 $0x1BF5;
	[smem:$0x3FB7] =	sst s0  }
0x18: {  	s0 =	sld [smem:$0x3F9A];
	_ =	swait.ge [sflag:s4], $0x0  }
0x19: {  	s7 =	sld [smem:$0x3F9B]  }
0x1a: {  	s8 =	sadd.s32 $0xFFFFE003, lr  }
0x1b: {  	s9 =	sadd.s32 $0xFFFFFEF7, lr;
	s5 =	simm.s32 $0xFFFFFFFF;
	p2 =	slt.u32 s8, $0xFFFFF086  }
0x1c: {  	p1 =	slt.u32 s9, $0xF7A;
	s5 =	simm.s32 @!p2 $0x0  }
0x1d: {  	s5 =	simm.s32 @p1 $0x1;
	p0 =	seq.s32 s7, s2  }
0x1e: {  	s7 =	smul.u32 @!p0 $0xF7A, s2;
	p2 =	seq.s32 @!p0 s5, $0x0  }
0x1f: {  	s9 =	smul.u32 $0xF7A, s1;
	s8 =	simm.s32 @!p0 $0x1BF5;
	p2 =	por !p2, p0  }
0x20: {  	[sflag:s8] =	ssyncset.s32 @!p0 $0xFFFFF086;
	s6 =	sadd.s32 @!p0 s3, s7;
	s7 =	simm.s32 @!p0 $0x108  }
0x21: {  	s3 =	sadd.s32 s3, s9;
	s6 =	sadd.s32 @!p0 $0x88, s6;
	s7 =	simm.s32 @p2 $0x1082  }
0x22: {  	[simem:s7], [sflag:s8] =	dma.local @!p0 [hbm:s6], $0xF7A  }
0x23: {  	s9 =	sor.u32 $0xD0000000, s2;
	s6 =	simm.s32 $0x108;
	_ =	swait.ge @!p0 [sflag:s8], $0x0  }
0x24: {  	s3 =	sadd.s32 $0x88, s3;
	s6 =	simm.s32 @!p1 $0x1082;
	[sflag:s4] =	ssyncset.s32 $0xFFFFF086  }
0x25: {  	[simem:s6], [sflag:s4] =	dma.local [hbm:s3], $0xF7A  }
0x26: {  	[smem:$0x3F9B] =	sst s1;
	(tag) =	ssettag s2;
	_ =	strace s9  }
0x27: {  	s1 =	sld [smem:$0x3FAB]  }
0x28: {  	s2 =	sld [smem:$0x3FAC]  }
0x29: {  	s4 =	sld [smem:$0x3FAE]  }
0x2a: {  	p0 =	seq.s32 s5, $0x0;
	s5 =	sld [smem:$0x3FAF]  }
0x2b: {  	s6 =	sld [smem:$0x3FB0]  }
0x2c: {  	s7 =	sld [smem:$0x3FB1]  }
0x2d: {  	s3 =	simm.s32 $0x108;
	s8 =	sld [smem:$0x3FB2]  }
0x2e: {  	s3 =	simm.s32 @!p0 $0x1082;
	s9 =	sld [smem:$0x3FB3]  }
0x2f: {  	lr =	sadd.s32 s0, s3;
	s0 =	sld [smem:$0x3FAA]  }
0x30: {  	s3 =	sld [smem:$0x3FAD]  }
0x31: {  	[smem:$0x3FB6] =	sst s10  }
0x32: {  	s10 =	sld [smem:$0x3FB4];
	_ =	sdelay $0x3  }
0x33: {  	p0 =	seq.s32 s10, $0x1;
	s10 =	sld [smem:$0x3FB6];
	_ =	sdelay $0x3  }
0x34: {  	[smem:$0x3FB6] =	sst s10  }
0x35: {  	s10 =	sld [smem:$0x3FB5];
	_ =	sdelay $0x3  }
0x36: {  	p1 =	seq.s32 s10, $0x1;
	s10 =	sld [smem:$0x3FB6];
	_ =	sdelay $0x3  }
0x37: {  	[smem:$0x3FB6] =	sst s10  }
0x38: {  	s10 =	sld [smem:$0x3FB7]  }
0x39: {  	_ = 	snop;
	(pc) =	sbr.ind lr, $3  }
0x3a: {  	_ = 	snop  }
0x3b: {  	_ = 	snop  }
0x3c: {  	p2 =	seq.s32 s10, $0x1;
	s10 =	sld [smem:$0x3FB6]  }
0x3d: {  	_ =	shalt  }
0x3e: {  	_ =	shalt  }
0x3f: {  	_ =	shalt  }
0x40: {  	_ =	shalt  }
0x41: {  	_ =	shalt  }
0x42: {  	_ =	shalt  }
0x43: {  	_ =	shalt  }
0x44: {  	_ =	shalt  }
0x45: {  	_ =	shalt  }
0x46: {  	_ =	shalt  }
0x47: {  	_ =	shalt  }
0x48: {  	_ =	shalt  }
0x49: {  	_ =	shalt  }
0x4a: {  	_ =	shalt  }
0x4b: {  	_ =	shalt  }
0x4c: {  	_ =	shalt  }
0x4d: {  	_ =	shalt  }
0x4e: {  	_ =	shalt  }
0x4f: {  	_ =	shalt  }
0x50: {  	_ =	shalt  }
0x51: {  	_ =	shalt  }
0x52: {  	_ =	shalt  }
0x53: {  	_ =	shalt  }
0x54: {  	_ =	shalt  }
0x55: {  	_ =	shalt  }
0x56: {  	_ =	shalt  }
0x57: {  	_ =	shalt  }
0x58: {  	_ =	shalt  }
0x59: {  	_ =	shalt  }
0x5a: {  	_ =	shalt  }
0x5b: {  	_ =	shalt  }
0x5c: {  	_ =	shalt  }
0x5d: {  	_ =	shalt  }
0x5e: {  	_ =	shalt  }
0x5f: {  	_ =	shalt  }
0x60: {  	_ =	shalt  }
0x61: {  	_ =	shalt  }
0x62: {  	_ =	shalt  }
0x63: {  	_ =	shalt  }
0x64: {  	_ =	shalt  }
0x65: {  	_ =	shalt  }
0x66: {  	_ =	shalt  }
0x67: {  	_ =	shalt  }
0x68: {  	_ =	shalt  }
0x69: {  	_ =	shalt  }
0x6a: {  	_ =	shalt  }
0x6b: {  	_ =	shalt  }
0x6c: {  	_ =	shalt  }
0x6d: {  	_ =	shalt  }
0x6e: {  	_ =	shalt  }
0x6f: {  	_ =	shalt  }
0x70: {  	_ =	shalt  }
0x71: {  	_ =	shalt  }
0x72: {  	_ =	shalt  }
0x73: {  	_ =	shalt  }
0x74: {  	_ =	shalt  }
0x75: {  	_ =	shalt  }
0x76: {  	_ =	shalt  }
0x77: {  	_ =	shalt  }
0x78: {  	_ =	shalt  }
0x79: {  	_ =	shalt  }
0x7a: {  	_ =	shalt  }
0x7b: {  	_ =	shalt  }
0x7c: {  	_ =	shalt  }
0x7d: {  	_ =	shalt  }
0x7e: {  	_ =	shalt  }
0x7f: {  	_ =	shalt  }
0x80: {  	_ =	shalt  }
0x81: {  	_ =	shalt  }
0x82: {  	_ =	shalt  }
0x83: {  	_ =	shalt  }
0x84: {  	_ =	shalt  }
0x85: {  	_ =	shalt  }
0x86: {  	_ =	shalt  }
0x87: {  	_ =	shalt  }
.Lfunc_end0:
.L_simem_size_0:
called_computation.1_lowered:
.L_overlay_start_0:
0x88: {  	s2 =	sld [smem:$0x3FD9]  }
0x89: {  	s3 =	sld [smem:$0x3FFE];
	_ =	sdelay $0x1  }
0x8a: {  	s1 =	srdreg.scid  }
0x8b: {  	s0 =	sand.u32 $0x1, s1  }
0x8c: {  	s17 =	sshll.u32 s0, $0xA;
	s2 =	sadd.s32 s3, s2  }
0x8d: {  	s2 =	sadd.s32 s2, s17  }
0x8e: {  	[smem:$0x3FC2] =	sst s2  }
0x8f: {  	_ = 	snop  }
0x90: {  	s2 =	sld [smem:$0x3FD0];
	(tm) =	ssettm $0x1  }
0x91: {  	s18 =	sld [smem:$0x3FFB];
	_ =	sdelay $0x3  }
0x92: {  	_ =	strace s18  }
0x93: {  	s3 =	sld [smem:$0x3FFC];
	_ =	sdelay $0x3  }
0x94: {  	_ =	strace s3  }
0x95: {  	s3 =	sld [smem:$0x3FFD];
	_ =	sdelay $0x3  }
0x96: {  	_ =	strace s3  }
0x97: {  	_ =	strace $0x8FFFFFFF  }
0x98: {  	s19 =	sld [smem:$0x3FDB];
	_ =	sdelay $0x1  }
0x99: {  	s4 =	simm.s32 $_scs_section_size  }
0x9a: {  	s5 =	simm.s32 $_size__tile_overlayer_lowered;
	s6 =	simm.s32 $_tile_overlayer_lowered  }
0x9b: {  	s22 =	simm.s32 $0x1BFF;
	s21 =	sshll.u32 s6, $0x1;
	s3 =	sadd.s32 s4, s19  }
0x9c: {  	s7 =	simm.s32 $0x0;
	s20 =	sshll.u32 s5, $0x1;
	s5 =	sadd.s32 s21, s3  }
0x9d: {  	[timem:s7], [sflag:s22] =	dma.local [hbm:s5], s20  }
0x9e: {  	_ =	swait.ge [sflag:s22], s20  }
0x9f: {  	s4 =	ssub.s32 $0x0, s20;
	[sflag:s22] =	ssyncset.done $0x0  }
0xa0: {  	[sflag:s22] =	ssyncadd.s32 s4;
	_ =	sdelay $0x1  }
0xa1: {  	s23 =	simm.s32 $0x1B8B  }
0xa2: {  	_ =	swait.ge [sflag:s23], $0x1  }
0xa3: {  	[sflag:s23] =	ssyncset.done $0x0  }
0xa4: {  	s25 =	simm.s32 $0x1B8E;
	s24 =	sld [smem:$0x3FFE];
	[sflag:s23] =	ssyncadd.s32 $0xFFFFFFFF  }
0xa5: {  	s26 =	simm.s32 $execute0_lowered;
	[smem:$0x3FD2] =	sst s25  }
0xa6: {  	s5 =	sshll.u32 s26, $0x1;
	_ =	strace $0x80000049;
	[dreg:$0x1] =	wrdreg $0xFFFFFFFF  }
0xa7: {  	s28 =	simm.s32 $_size_execute0_lowered;
	s3 =	sadd.s32 s3, s5;
	[dreg:$0x0] =	wrdreg $0x0  }
0xa8: {  	s5 =	sshll.u32 s28, $0x1;
	[dreg:$0x2] =	wrdreg s3  }
0xa9: {  	[dreg:$0x3] =	wrdreg s5  }
0xaa: {  	[dreg:$0x4] =	wrdreg $0xC0  }
0xab: {  	_ =	task [dreg:s7], $0x5FFFF  }
0xac: {  	[dreg:$0x1] =	wrdreg $0xFFFFFFFF  }
0xad: {  	[dreg:$0x0] =	wrdreg $0x60  }
0xae: {  	[dreg:$0x2] =	wrdreg s2  }
0xaf: {  	[dreg:$0x3] =	wrdreg s24  }
0xb0: {  	[dreg:$0x4] =	wrdreg $0xA4000  }
0xb1: {  	[dreg:$0x5] =	wrdreg $0x9  }
0xb2: {  	_ =	task.clear_ibuf [dreg:s7], $0x6FFFF;
	_ =	strace $0x90000049  }
0xb3: {  	s29 =	simm.s32 $0x9;
	_ =	strace $0x8000004B  }
0xb4: {  	_ =	swait.ge [sflag:s29], $0x1  }
0xb5: {  	[sflag:s29] =	ssyncadd.s32 $0xFFFFFFFF  }
0xb6: {  	_ =	strace $0x9000004B  }
0xb7: {  	_ =	sfence  }
0xb8: {  	s30 =	sld [smem:$0x0];
	_ =	sdelay $0x2  }
0xb9: {  	s31 =	sshll.u32 s1, $0xD;
	s1 =	sshrl.u32 s1, $0x2  }
0xba: {  	s3 =	sand.u32 $0x4000, s31;
	s1 =	sadd.s32 s1, s30  }
0xbb: {  	s0 =	sor.u32 s3, s0;
	s1 =	sshll.u32 s1, $0x11  }
0xbc: {  	s0 =	sor.u32 s1, s0  }
0xbd: {  	s0 =	sadd.s32 $0x8F2B, s0  }
0xbe: {  	[sflag:s0] =	ssyncadd.remote.s32 $0x1  }
0xbf: {  	_ =	sfence.sel $0xFFFF  }
0xc0: {  	[dreg:$0x0] =	wrdreg $0xFFFFFFFF;
	(pc) =	sbr.abs _section_cstart, $3  }
0xc1: {  	[dreg:$0x1] =	wrdreg $0xFFFFFFFF  }
0xc2: {  	_ =	task.clear_ibuf [dreg:s7], $0x2FFFF;
	_ =	strace $0x9FFFFFFF  }
0xc3: {  	(tm) =	ssettm $0x7FFFFFFF  }
tec
execute0_lowered:
.L_overlay_start_1:
0x0: {  	(tag) =	ssettag $0x1  }
0x1: {  	s1 =	rddreg [dreg:$0x0]  }
0x2: {  	s0 =	rddreg [dreg:$0x1]  }
0x3: {  	s3 =	rddreg [dreg:$0x2];
	s4 =	simm.s32 $0x0  }
0x4: {  	s13 =	stileid.u32;
	s2 =	srdreg.scid;
	s28 =	simm.s32 $0x80  }
0x5: {  	s29 =	simm.s32 $0x280;
	s30 =	simm.s32 $0x2C00;
	s31 =	simm.s32 $0x100  }
0x6: {  	[smem:$0x7FF] =	sst s4;
	s7 =	smul.u32 $0x2800, s13;
	s2 =	sand.u32 $0x1, s2  }
0x7: {  	s5 =	sadd.s32 $0x1600, s0;
	s6 =	sadd.s32 $0xB400, s0;
	s10 =	smul.u32 $0x50000, s13  }
0x8: {  	s18 =	sshll.u32 s13, $0x6;
	s23 =	smul.u32 $0x2710, s13;
	_ =	strace $0x8000004A  }
0x9: {  	s8 =	smul.u32 $0x28000, s2;
	s11 =	sshll.u32 s2, $0x4;
	s15 =	ssub.s32 $0x2, s2  }
0xa: {  	s2 =	smul.u32 $0x27100, s2;
	s9 =	sadd.s32 s7, s0;
	s11 =	sor.u32 s13, s11  }
0xb: {  	s12 =	sshrl.u32 s15, $0x1;
	s10 =	sshrl.u32 s10, $0x2;
	s7 =	sadd.s32 s7, s8  }
0xc: {  	s11 =	smul.u32 $0x2710, s11;
	s16 =	sadd.s32 s10, s3;
	s17 =	sadd.s32 $0x15200, s9  }
0xd: {  	s2 =	sadd.s32 s23, s2;
	s0 =	sadd.s32 s7, s0;
	[dreg:$0xa] =	wrdreg s16  }
0xe: {  	s7 =	ssub.s32 s15, s12;
	[dreg:$0xb] =	wrdreg s17;
	s17 =	sor.u32 $0x1C05, s18  }
0xf: {  	s13 =	sadd.s32 $0x1E0, s2;
	s18 =	sadd.s32 $0x190, s2;
	s0 =	sadd.s32 $0x8D200, s0  }
0x10: {  	s19 =	sshrl.u32 s11, $0x3;
	s7 =	smax.u32 s7, $0x1;
	[dreg:$0x16] =	wrdreg s0  }
0x11: {  	s12 =	simm.s32 $0x2;
	s20 =	sadd.s32 s5, s19;
	[dreg:$0x17] =	wrdreg s7  }
0x12: {  	s21 =	sadd.s32 s6, s19;
	s22 =	sadd.s32 $0xA, s19;
	[dreg:$0xc] =	wrdreg s20  }
0x13: {  	s25 =	sadd.s32 $0x14, s19;
	[dreg:$0xd] =	wrdreg s21;
	s24 =	sadd.s32 s5, s22  }
0x14: {  	s9 =	sadd.s32 $0x4CE, s19;
	s8 =	sadd.s32 s6, s22;
	[dreg:$0xe] =	wrdreg s24  }
0x15: {  	s10 =	sadd.s32 $0x4D8, s19;
	s26 =	sadd.s32 s5, s25;
	[dreg:$0xf] =	wrdreg s8  }
0x16: {  	s19 =	sshrl.u32 s18, $0x3;
	s11 =	sadd.s32 s5, s9;
	[dreg:$0x10] =	wrdreg s26  }
0x17: {  	s0 =	simm.s32 $0x300;
	s14 =	sadd.s32 s6, s9;
	[dreg:$0x12] =	wrdreg s11  }
0x18: {  	s7 =	simm.s32 $0x180;
	s15 =	sadd.s32 s5, s10;
	[dreg:$0x13] =	wrdreg s14  }
0x19: {  	s20 =	sadd.s32 s19, s6;
	s21 =	sadd.s32 $0xF0, s2;
	[dreg:$0x14] =	wrdreg s15  }
0x1a: {  	s22 =	sadd.s32 s19, s5;
	s2 =	sadd.s32 $0x140, s2;
	[dreg:$0x6] =	wrdreg s20  }
0x1b: {  	s8 =	sadd.s32 s6, s25;
	s23 =	sshrl.u32 s21, $0x3;
	[dreg:$0x7] =	wrdreg s22  }
0x1c: {  	s24 =	sadd.s32 s6, s10;
	[dreg:$0x18] =	wrdreg s2;
	s2 =	simm.s32 $0x5400  }
0x1d: {  	s10 =	simm.s32 $0x7C00;
	s11 =	simm.s32 $0x1;
	s14 =	simm.s32 $0x4  }
0x1e: {  	s15 =	simm.s32 $0x0;
	[dreg:$0x11] =	wrdreg s8;
	s8 =	sshrl.u32 s13, $0x3  }
0x1f: {  	[dreg:$0x15] =	wrdreg s24;
	s25 =	sadd.s32 s23, s6;
	s26 =	sadd.s32 s23, s5  }
0x20: {  	s23 =	simm.s32 $0x5;
	s24 =	simm.s32 $0x200;
	[dreg:$0x8] =	wrdreg s25  }
0x21: {  	s13 =	simm.s32 $0x3;
	s16 =	sadd.s32 s8, s6;
	[dreg:$0x9] =	wrdreg s26  }
0x22: {  	s8 =	sadd.s32 s8, s5;
	s25 =	simm.s32 $0x50;
	[dreg:$0x4] =	wrdreg s16  }
0x23: {  	s26 =	simm.s32 $0x400;
	[dreg:$0x5] =	wrdreg s8;
	s8 =	simm.s32 $0x380  }
.LBB2_1:
0x24: {  	s9 =	rddreg [dreg:$0xa]  }
0x25: {  	s22 =	rddreg [dreg:$0xb];
	s16 =	sshrl.u32 s9, $0x3  }
0x26: {  	[spmem:s16], [sflag:s17] =	dma.local [hbm:s22], $0x2800  }
0x27: {  	_ =	swait.ge [sflag:s23], $0x2800  }
0x28: {  	[sflag:s23] =	ssyncset.done $0x0  }
0x29: {  	[sflag:s23] =	ssyncadd.s32 $0xFFFFD800  }
0x2a: {  	[bflag:$0x0] =	sbarrier.arrive $0xFFFF  }
0x2b: {  	s18 =	smov.u32 s17;
	s17 =	rddreg [dreg:$0xc]  }
0x2c: {  	[tilespmem:s4], [sflag:$0x5] =	stream.linear.gather [hbm4b:s17+s4], $0x50, $0x38;
	[tilespmem:$0x1E400] =	vst v63  }
0x2d: {  	_ =	swait.ge [sflag:s23], $0x50  }
0x2e: {  	[sflag:s23] =	ssyncset.done $0x0  }
0x2f: {  	s19 =	rddreg [dreg:$0xd];
	[sflag:s23] =	ssyncadd.s32 $0xFFFFFFB0  }
0x30: {  	[tilespmem:s24], [sflag:$0x5] =	stream.linear.gather [hbm4b:s19+s4], $0x50, $0x38;
	[tilespmem:$0x1E400] =	vst v63  }
0x31: {  	_ =	swait.ge [sflag:s23], $0x50  }
0x32: {  	[sflag:s23] =	ssyncset.done $0x0  }
0x33: {  	[sflag:s23] =	ssyncadd.s32 $0xFFFFFFB0  }
0x34: {  	[tilespmem:s26], [sflag:$0x1] =	stream.indirect.gather [hbm4b:s1+s25], $0x80, s4, s25, $0xb8;
	[tilespmem:$0x1E400] =	vst v63  }
0x35: {  	s20 =	rddreg [dreg:$0xe]  }
0x36: {  	[tilespmem:s28], [sflag:$0x5] =	stream.linear.gather [hbm4b:s20+s4], $0x50, $0x38;
	[tilespmem:$0x1E400] =	vst v63  }
0x37: {  	_ =	swait.ge [sflag:s23], $0x50  }
0x38: {  	[sflag:s23] =	ssyncset.done $0x0  }
0x39: {  	s21 =	rddreg [dreg:$0xf];
	[sflag:s23] =	ssyncadd.s32 $0xFFFFFFB0  }
0x3a: {  	[tilespmem:s29], [sflag:$0x5] =	stream.linear.gather [hbm4b:s21+s4], $0x50, $0x38;
	[tilespmem:$0x1E400] =	vst v63  }
0x3b: {  	_ =	swait.ge [sflag:s23], $0x50  }
0x3c: {  	[sflag:s23] =	ssyncset.done $0x0  }
0x3d: {  	[sflag:s23] =	ssyncadd.s32 $0xFFFFFFB0  }
0x3e: {  	[tilespmem:s30], [sflag:$0x2] =	stream.indirect.gather [hbm4b:s1+s25], $0x80, s28, s25, $0xb8;
	[tilespmem:$0x1E400] =	vst v63  }
0x3f: {  	s22 =	rddreg [dreg:$0x10]  }
0x40: {  	[tilespmem:s31], [sflag:$0x5] =	stream.linear.gather [hbm4b:s22+s4], $0x50, $0x38;
	[tilespmem:$0x1E400] =	vst v63  }
0x41: {  	_ =	swait.ge [sflag:s23], $0x50  }
0x42: {  	[sflag:s23] =	ssyncset.done $0x0  }
0x43: {  	s17 =	rddreg [dreg:$0x11];
	[sflag:s23] =	ssyncadd.s32 $0xFFFFFFB0  }
0x44: {  	[tilespmem:s0], [sflag:$0x5] =	stream.linear.gather [hbm4b:s17+s4], $0x50, $0x38;
	[tilespmem:$0x1E400] =	vst v63  }
0x45: {  	_ =	swait.ge [sflag:s23], $0x50  }
0x46: {  	[sflag:s23] =	ssyncset.done $0x0  }
0x47: {  	s19 =	rddreg [dreg:$0x9];
	[sflag:s23] =	ssyncadd.s32 $0xFFFFFFB0  }
0x48: {  	[tilespmem:s2], [sflag:$0x3] =	stream.indirect.gather [hbm4b:s1+s25], $0x80, s31, s25, $0xb8;
	[tilespmem:$0x1E400] =	vst v63  }
0x49: {  	s17 =	sadd.s32 $0x0, s19  }
0x4a: {  	[tilespmem:s7], [sflag:$0x5] =	stream.linear.gather [hbm4b:s17+s4], $0x50, $0x38;
	[tilespmem:$0x1E400] =	vst v63  }
0x4b: {  	_ =	swait.ge [sflag:s23], $0x50  }
0x4c: {  	s20 =	rddreg [dreg:$0x8];
	[sflag:s23] =	ssyncset.done $0x0  }
0x4d: {  	[sflag:s23] =	ssyncadd.s32 $0xFFFFFFB0;
	s17 =	sadd.s32 $0x0, s20  }
0x4e: {  	[tilespmem:s8], [sflag:$0x5] =	stream.linear.gather [hbm4b:s17+s4], $0x50, $0x38;
	[tilespmem:$0x1E400] =	vst v63  }
0x4f: {  	_ =	swait.ge [sflag:s23], $0x50  }
0x50: {  	[sflag:s23] =	ssyncset.done $0x0  }
0x51: {  	[sflag:s23] =	ssyncadd.s32 $0xFFFFFFB0  }
0x52: {  	[tilespmem:s10], [sflag:$0x4] =	stream.indirect.gather [hbm4b:s1+s25], $0x80, s7, s25, $0xb8;
	[tilespmem:$0x1E400] =	vst v63  }
0x53: {  	_ =	swait.ge [sflag:s11], $0x2800  }
0x54: {  	[sflag:s11] =	ssyncset.done $0x0  }
0x55: {  	[sflag:s11] =	ssyncadd.s32 $0xFFFFD800  }
0x56: {  	[spmem:s3] =	stream.indirect.scatter.add.f32 [tilespmem:s26], [sflag:$0x5], $0x80, s24, s25, $0xb8;
	[tilespmem:$0x1E400] =	vst v63  }
0x57: {  	_ =	swait.ge [sflag:s23], $0x2800  }
0x58: {  	s22 =	rddreg [dreg:$0x18]  }
0x59: {  	[sflag:s23] =	ssyncset.done $0x0;
	s21 =	sshrl.u32 s22, $0x3  }
0x5a: {  	[sflag:s23] =	ssyncadd.s32 $0xFFFFD800;
	s19 =	sadd.s32 s5, s21  }
0x5b: {  	[tilespmem:s4], [sflag:$0x5] =	stream.linear.gather [hbm4b:s19+s4], $0x50, $0x38;
	[tilespmem:$0x1E400] =	vst v63  }
0x5c: {  	_ =	swait.ge [sflag:s23], $0x50  }
0x5d: {  	[sflag:s23] =	ssyncset.done $0x0  }
0x5e: {  	s17 =	sadd.s32 s6, s21;
	[sflag:s23] =	ssyncadd.s32 $0xFFFFFFB0  }
0x5f: {  	[tilespmem:s24], [sflag:$0x5] =	stream.linear.gather [hbm4b:s17+s4], $0x50, $0x38;
	[tilespmem:$0x1E400] =	vst v63  }
0x60: {  	_ =	swait.ge [sflag:s23], $0x50  }
0x61: {  	[sflag:s23] =	ssyncset.done $0x0  }
0x62: {  	[sflag:s23] =	ssyncadd.s32 $0xFFFFFFB0  }
0x63: {  	[tilespmem:s26], [sflag:$0x1] =	stream.indirect.gather [hbm4b:s1+s25], $0x80, s4, s25, $0xb8;
	[tilespmem:$0x1E400] =	vst v63  }
0x64: {  	_ =	swait.ge [sflag:s12], $0x2800  }
0x65: {  	[sflag:s12] =	ssyncset.done $0x0  }
0x66: {  	[sflag:s12] =	ssyncadd.s32 $0xFFFFD800  }
0x67: {  	[spmem:s3] =	stream.indirect.scatter.add.f32 [tilespmem:s30], [sflag:$0x5], $0x80, s29, s25, $0xb8;
	[tilespmem:$0x1E400] =	vst v63  }
0x68: {  	_ =	swait.ge [sflag:s23], $0x2800  }
0x69: {  	s9 =	rddreg [dreg:$0x7];
	[sflag:s23] =	ssyncset.done $0x0  }
0x6a: {  	[sflag:s23] =	ssyncadd.s32 $0xFFFFD800;
	s17 =	sadd.s32 $0x0, s9  }
0x6b: {  	[tilespmem:s28], [sflag:$0x5] =	stream.linear.gather [hbm4b:s17+s4], $0x50, $0x38;
	[tilespmem:$0x1E400] =	vst v63  }
0x6c: {  	_ =	swait.ge [sflag:s23], $0x50  }
0x6d: {  	s19 =	rddreg [dreg:$0x6];
	[sflag:s23] =	ssyncset.done $0x0  }
0x6e: {  	[sflag:s23] =	ssyncadd.s32 $0xFFFFFFB0;
	s17 =	sadd.s32 $0x0, s19  }
0x6f: {  	[tilespmem:s29], [sflag:$0x5] =	stream.linear.gather [hbm4b:s17+s4], $0x50, $0x38;
	[tilespmem:$0x1E400] =	vst v63  }
0x70: {  	_ =	swait.ge [sflag:s23], $0x50  }
0x71: {  	[sflag:s23] =	ssyncset.done $0x0  }
0x72: {  	[sflag:s23] =	ssyncadd.s32 $0xFFFFFFB0  }
0x73: {  	[tilespmem:s30], [sflag:$0x2] =	stream.indirect.gather [hbm4b:s1+s25], $0x80, s28, s25, $0xb8;
	[tilespmem:$0x1E400] =	vst v63  }
0x74: {  	_ =	swait.ge [sflag:s13], $0x2800  }
0x75: {  	[sflag:s13] =	ssyncset.done $0x0  }
0x76: {  	[sflag:s13] =	ssyncadd.s32 $0xFFFFD800  }
0x77: {  	[spmem:s3] =	stream.indirect.scatter.add.f32 [tilespmem:s2], [sflag:$0x5], $0x80, s0, s25, $0xb8;
	[tilespmem:$0x1E400] =	vst v63  }
0x78: {  	_ =	swait.ge [sflag:s23], $0x2800  }
0x79: {  	s20 =	rddreg [dreg:$0x5];
	[sflag:s23] =	ssyncset.done $0x0  }
0x7a: {  	[sflag:s23] =	ssyncadd.s32 $0xFFFFD800;
	s17 =	sadd.s32 $0x0, s20  }
0x7b: {  	[tilespmem:s31], [sflag:$0x5] =	stream.linear.gather [hbm4b:s17+s4], $0x50, $0x38;
	[tilespmem:$0x1E400] =	vst v63  }
0x7c: {  	_ =	swait.ge [sflag:s23], $0x50  }
0x7d: {  	s21 =	rddreg [dreg:$0x4];
	[sflag:s23] =	ssyncset.done $0x0  }
0x7e: {  	[sflag:s23] =	ssyncadd.s32 $0xFFFFFFB0;
	s17 =	sadd.s32 $0x0, s21  }
0x7f: {  	[tilespmem:s0], [sflag:$0x5] =	stream.linear.gather [hbm4b:s17+s4], $0x50, $0x38;
	[tilespmem:$0x1E400] =	vst v63  }
0x80: {  	_ =	swait.ge [sflag:s23], $0x50  }
0x81: {  	[sflag:s23] =	ssyncset.done $0x0  }
0x82: {  	[sflag:s23] =	ssyncadd.s32 $0xFFFFFFB0  }
0x83: {  	[tilespmem:s2], [sflag:$0x3] =	stream.indirect.gather [hbm4b:s1+s25], $0x80, s31, s25, $0xb8;
	[tilespmem:$0x1E400] =	vst v63  }
0x84: {  	_ =	swait.ge [sflag:s14], $0x2800  }
0x85: {  	[sflag:s14] =	ssyncset.done $0x0  }
0x86: {  	[sflag:s14] =	ssyncadd.s32 $0xFFFFD800  }
0x87: {  	[spmem:s3] =	stream.indirect.scatter.add.f32 [tilespmem:s10], [sflag:$0x5], $0x80, s8, s25, $0xb8;
	[tilespmem:$0x1E400] =	vst v63  }
0x88: {  	s19 =	simm.s32 $0x50;
	_ =	swait.ge [sflag:s23], $0x2800  }
0x89: {  	s17 =	simm.s32 $0x28;
	s21 =	rddreg [dreg:$0x9];
	[sflag:s23] =	ssyncset.done $0x0  }
.LBB2_2:
0x8a: {  	[sflag:s23] =	ssyncadd.s32 $0xFFFFD800;
	s21 =	sadd.s32 s17, s21  }
0x8b: {  	[tilespmem:s7], [sflag:$0x5] =	stream.linear.gather [hbm4b:s21+s4], $0x50, $0x38;
	[tilespmem:$0x1E400] =	vst v63  }
0x8c: {  	_ =	swait.ge [sflag:s23], $0x50  }
0x8d: {  	s9 =	rddreg [dreg:$0x8];
	[sflag:s23] =	ssyncset.done $0x0  }
0x8e: {  	[sflag:s23] =	ssyncadd.s32 $0xFFFFFFB0;
	s21 =	sadd.s32 s17, s9  }
0x8f: {  	[tilespmem:s8], [sflag:$0x5] =	stream.linear.gather [hbm4b:s21+s4], $0x50, $0x38;
	[tilespmem:$0x1E400] =	vst v63  }
0x90: {  	_ =	swait.ge [sflag:s23], $0x50  }
0x91: {  	[sflag:s23] =	ssyncset.done $0x0  }
0x92: {  	[sflag:s23] =	ssyncadd.s32 $0xFFFFFFB0  }
0x93: {  	[tilespmem:s10], [sflag:$0x4] =	stream.indirect.gather [hbm4b:s1+s25], $0x80, s7, s25, $0xb8;
	[tilespmem:$0x1E400] =	vst v63  }
0x94: {  	_ =	swait.ge [sflag:s11], $0x2800  }
0x95: {  	[sflag:s11] =	ssyncset.done $0x0  }
0x96: {  	[sflag:s11] =	ssyncadd.s32 $0xFFFFD800  }
0x97: {  	[spmem:s3] =	stream.indirect.scatter.add.f32 [tilespmem:s26], [sflag:$0x5], $0x80, s24, s25, $0xb8;
	[tilespmem:$0x1E400] =	vst v63  }
0x98: {  	s22 =	sadd.s32 $0x140, s22;
	_ =	swait.ge [sflag:s23], $0x2800  }
0x99: {  	s21 =	sshrl.u32 s22, $0x3;
	[sflag:s23] =	ssyncset.done $0x0  }
0x9a: {  	s9 =	sadd.s32 s5, s21;
	[sflag:s23] =	ssyncadd.s32 $0xFFFFD800  }
0x9b: {  	[tilespmem:s4], [sflag:$0x5] =	stream.linear.gather [hbm4b:s9+s4], $0x50, $0x38;
	[tilespmem:$0x1E400] =	vst v63  }
0x9c: {  	_ =	swait.ge [sflag:s23], $0x50  }
0x9d: {  	[sflag:s23] =	ssyncset.done $0x0  }
0x9e: {  	s21 =	sadd.s32 s6, s21;
	[sflag:s23] =	ssyncadd.s32 $0xFFFFFFB0  }
0x9f: {  	[tilespmem:s24], [sflag:$0x5] =	stream.linear.gather [hbm4b:s21+s4], $0x50, $0x38;
	[tilespmem:$0x1E400] =	vst v63  }
0xa0: {  	_ =	swait.ge [sflag:s23], $0x50  }
0xa1: {  	[sflag:s23] =	ssyncset.done $0x0  }
0xa2: {  	[sflag:s23] =	ssyncadd.s32 $0xFFFFFFB0  }
0xa3: {  	[tilespmem:s26], [sflag:$0x1] =	stream.indirect.gather [hbm4b:s1+s25], $0x80, s4, s25, $0xb8;
	[tilespmem:$0x1E400] =	vst v63  }
0xa4: {  	_ =	swait.ge [sflag:s12], $0x2800  }
0xa5: {  	[sflag:s12] =	ssyncset.done $0x0  }
0xa6: {  	[sflag:s12] =	ssyncadd.s32 $0xFFFFD800  }
0xa7: {  	[spmem:s3] =	stream.indirect.scatter.add.f32 [tilespmem:s30], [sflag:$0x5], $0x80, s29, s25, $0xb8;
	[tilespmem:$0x1E400] =	vst v63  }
0xa8: {  	_ =	swait.ge [sflag:s23], $0x2800  }
0xa9: {  	s21 =	rddreg [dreg:$0x7];
	[sflag:s23] =	ssyncset.done $0x0  }
0xaa: {  	[sflag:s23] =	ssyncadd.s32 $0xFFFFD800;
	s9 =	sadd.s32 s17, s21  }
0xab: {  	[tilespmem:s28], [sflag:$0x5] =	stream.linear.gather [hbm4b:s9+s4], $0x50, $0x38;
	[tilespmem:$0x1E400] =	vst v63  }
0xac: {  	_ =	swait.ge [sflag:s23], $0x50  }
0xad: {  	s21 =	rddreg [dreg:$0x6];
	[sflag:s23] =	ssyncset.done $0x0  }
0xae: {  	[sflag:s23] =	ssyncadd.s32 $0xFFFFFFB0;
	s9 =	sadd.s32 s17, s21  }
0xaf: {  	[tilespmem:s29], [sflag:$0x5] =	stream.linear.gather [hbm4b:s9+s4], $0x50, $0x38;
	[tilespmem:$0x1E400] =	vst v63  }
0xb0: {  	_ =	swait.ge [sflag:s23], $0x50  }
0xb1: {  	[sflag:s23] =	ssyncset.done $0x0  }
0xb2: {  	[sflag:s23] =	ssyncadd.s32 $0xFFFFFFB0  }
0xb3: {  	[tilespmem:s30], [sflag:$0x2] =	stream.indirect.gather [hbm4b:s1+s25], $0x80, s28, s25, $0xb8;
	[tilespmem:$0x1E400] =	vst v63  }
0xb4: {  	_ =	swait.ge [sflag:s13], $0x2800  }
0xb5: {  	[sflag:s13] =	ssyncset.done $0x0  }
0xb6: {  	[sflag:s13] =	ssyncadd.s32 $0xFFFFD800  }
0xb7: {  	[spmem:s3] =	stream.indirect.scatter.add.f32 [tilespmem:s2], [sflag:$0x5], $0x80, s0, s25, $0xb8;
	[tilespmem:$0x1E400] =	vst v63  }
0xb8: {  	_ =	swait.ge [sflag:s23], $0x2800  }
0xb9: {  	s21 =	rddreg [dreg:$0x5];
	[sflag:s23] =	ssyncset.done $0x0  }
0xba: {  	[sflag:s23] =	ssyncadd.s32 $0xFFFFD800;
	s9 =	sadd.s32 s17, s21  }
0xbb: {  	[tilespmem:s31], [sflag:$0x5] =	stream.linear.gather [hbm4b:s9+s4], $0x50, $0x38;
	[tilespmem:$0x1E400] =	vst v63  }
0xbc: {  	_ =	swait.ge [sflag:s23], $0x50  }
0xbd: {  	s21 =	rddreg [dreg:$0x4];
	[sflag:s23] =	ssyncset.done $0x0  }
0xbe: {  	[sflag:s23] =	ssyncadd.s32 $0xFFFFFFB0;
	s9 =	sadd.s32 s17, s21  }
0xbf: {  	[tilespmem:s0], [sflag:$0x5] =	stream.linear.gather [hbm4b:s9+s4], $0x50, $0x38;
	[tilespmem:$0x1E400] =	vst v63  }
0xc0: {  	_ =	swait.ge [sflag:s23], $0x50  }
0xc1: {  	[sflag:s23] =	ssyncset.done $0x0  }
0xc2: {  	[sflag:s23] =	ssyncadd.s32 $0xFFFFFFB0  }
0xc3: {  	[tilespmem:s2], [sflag:$0x3] =	stream.indirect.gather [hbm4b:s1+s25], $0x80, s31, s25, $0xb8;
	[tilespmem:$0x1E400] =	vst v63  }
0xc4: {  	p0 =	sne.s32 s19, $0x488;
	_ =	swait.ge [sflag:s14], $0x2800  }
.Ltmp0:
0xc5: {  	[sflag:s14] =	ssyncset.done $0x0;
	(pc) =	sbr.rel @p0 .LBB2_2-.Ltmp0, $4  }
0xc6: {  	[sflag:s14] =	ssyncadd.s32 $0xFFFFD800  }
0xc7: {  	[spmem:s3] =	stream.indirect.scatter.add.f32 [tilespmem:s10], [sflag:$0x5], $0x80, s8, s25, $0xb8;
	[tilespmem:$0x1E400] =	vst v63  }
0xc8: {  	s20 =	smov.u32 s19;
	s19 =	sadd.s32 $0x28, s19;
	_ =	swait.ge [sflag:s23], $0x2800  }
0xc9: {  	s17 =	smov.u32 s20;
	s21 =	rddreg [dreg:$0x9];
	[sflag:s23] =	ssyncset.done $0x0  }
0xca: {  	[sflag:s23] =	ssyncadd.s32 $0xFFFFD800;
	s9 =	sadd.s32 s17, s21  }
0xcb: {  	[tilespmem:s7], [sflag:$0x5] =	stream.linear.gather [hbm4b:s9+s4], $0x50, $0x38;
	[tilespmem:$0x1E400] =	vst v63  }
0xcc: {  	_ =	swait.ge [sflag:s23], $0x50  }
0xcd: {  	s20 =	rddreg [dreg:$0x8];
	[sflag:s23] =	ssyncset.done $0x0  }
0xce: {  	[sflag:s23] =	ssyncadd.s32 $0xFFFFFFB0;
	s9 =	sadd.s32 s17, s20  }
0xcf: {  	[tilespmem:s8], [sflag:$0x5] =	stream.linear.gather [hbm4b:s9+s4], $0x50, $0x38;
	[tilespmem:$0x1E400] =	vst v63  }
0xd0: {  	_ =	swait.ge [sflag:s23], $0x50  }
0xd1: {  	[sflag:s23] =	ssyncset.done $0x0  }
0xd2: {  	[sflag:s23] =	ssyncadd.s32 $0xFFFFFFB0  }
0xd3: {  	[tilespmem:s10], [sflag:$0x4] =	stream.indirect.gather [hbm4b:s1+s25], $0x80, s7, s25, $0xb8;
	[tilespmem:$0x1E400] =	vst v63  }
0xd4: {  	_ =	swait.ge [sflag:s11], $0x2800  }
0xd5: {  	[sflag:s11] =	ssyncset.done $0x0  }
0xd6: {  	[sflag:s11] =	ssyncadd.s32 $0xFFFFD800  }
0xd7: {  	[spmem:s3] =	stream.indirect.scatter.add.f32 [tilespmem:s26], [sflag:$0x5], $0x80, s24, s25, $0xb8;
	[tilespmem:$0x1E400] =	vst v63  }
0xd8: {  	s21 =	sadd.s32 $0x140, s22;
	_ =	swait.ge [sflag:s23], $0x2800  }
0xd9: {  	s9 =	sshrl.u32 s21, $0x3;
	[sflag:s23] =	ssyncset.done $0x0  }
0xda: {  	s19 =	sadd.s32 s5, s9;
	[sflag:s23] =	ssyncadd.s32 $0xFFFFD800  }
0xdb: {  	[tilespmem:s4], [sflag:$0x5] =	stream.linear.gather [hbm4b:s19+s4], $0x50, $0x38;
	[tilespmem:$0x1E400] =	vst v63  }
0xdc: {  	_ =	swait.ge [sflag:s23], $0x50  }
0xdd: {  	[sflag:s23] =	ssyncset.done $0x0  }
0xde: {  	s9 =	sadd.s32 s6, s9;
	[sflag:s23] =	ssyncadd.s32 $0xFFFFFFB0  }
0xdf: {  	[tilespmem:s24], [sflag:$0x5] =	stream.linear.gather [hbm4b:s9+s4], $0x50, $0x38;
	[tilespmem:$0x1E400] =	vst v63  }
0xe0: {  	_ =	swait.ge [sflag:s23], $0x50  }
0xe1: {  	[sflag:s23] =	ssyncset.done $0x0  }
0xe2: {  	[sflag:s23] =	ssyncadd.s32 $0xFFFFFFB0  }
0xe3: {  	[tilespmem:s26], [sflag:$0x1] =	stream.indirect.gather [hbm4b:s1+s25], $0x80, s4, s25, $0xb8;
	[tilespmem:$0x1E400] =	vst v63  }
0xe4: {  	_ =	swait.ge [sflag:s12], $0x2800  }
0xe5: {  	[sflag:s12] =	ssyncset.done $0x0  }
0xe6: {  	[sflag:s12] =	ssyncadd.s32 $0xFFFFD800  }
0xe7: {  	[spmem:s3] =	stream.indirect.scatter.add.f32 [tilespmem:s30], [sflag:$0x5], $0x80, s29, s25, $0xb8;
	[tilespmem:$0x1E400] =	vst v63  }
0xe8: {  	_ =	swait.ge [sflag:s23], $0x2800  }
0xe9: {  	s22 =	rddreg [dreg:$0x7];
	[sflag:s23] =	ssyncset.done $0x0  }
0xea: {  	[sflag:s23] =	ssyncadd.s32 $0xFFFFD800;
	s9 =	sadd.s32 s17, s22  }
0xeb: {  	[tilespmem:s28], [sflag:$0x5] =	stream.linear.gather [hbm4b:s9+s4], $0x50, $0x38;
	[tilespmem:$0x1E400] =	vst v63  }
0xec: {  	_ =	swait.ge [sflag:s23], $0x50  }
0xed: {  	s19 =	rddreg [dreg:$0x6];
	[sflag:s23] =	ssyncset.done $0x0  }
0xee: {  	[sflag:s23] =	ssyncadd.s32 $0xFFFFFFB0;
	s9 =	sadd.s32 s17, s19  }
0xef: {  	[tilespmem:s29], [sflag:$0x5] =	stream.linear.gather [hbm4b:s9+s4], $0x50, $0x38;
	[tilespmem:$0x1E400] =	vst v63  }
0xf0: {  	_ =	swait.ge [sflag:s23], $0x50  }
0xf1: {  	[sflag:s23] =	ssyncset.done $0x0  }
0xf2: {  	[sflag:s23] =	ssyncadd.s32 $0xFFFFFFB0  }
0xf3: {  	[tilespmem:s30], [sflag:$0x2] =	stream.indirect.gather [hbm4b:s1+s25], $0x80, s28, s25, $0xb8;
	[tilespmem:$0x1E400] =	vst v63  }
0xf4: {  	_ =	swait.ge [sflag:s13], $0x2800  }
0xf5: {  	[sflag:s13] =	ssyncset.done $0x0  }
0xf6: {  	[sflag:s13] =	ssyncadd.s32 $0xFFFFD800  }
0xf7: {  	[spmem:s3] =	stream.indirect.scatter.add.f32 [tilespmem:s2], [sflag:$0x5], $0x80, s0, s25, $0xb8;
	[tilespmem:$0x1E400] =	vst v63  }
0xf8: {  	_ =	swait.ge [sflag:s23], $0x2800  }
0xf9: {  	s20 =	rddreg [dreg:$0x5];
	[sflag:s23] =	ssyncset.done $0x0  }
0xfa: {  	[sflag:s23] =	ssyncadd.s32 $0xFFFFD800;
	s9 =	sadd.s32 s17, s20  }
0xfb: {  	[tilespmem:s31], [sflag:$0x5] =	stream.linear.gather [hbm4b:s9+s4], $0x50, $0x38;
	[tilespmem:$0x1E400] =	vst v63  }
0xfc: {  	_ =	swait.ge [sflag:s23], $0x50  }
0xfd: {  	s21 =	rddreg [dreg:$0x4];
	[sflag:s23] =	ssyncset.done $0x0  }
0xfe: {  	s9 =	sadd.s32 s17, s21;
	[sflag:s23] =	ssyncadd.s32 $0xFFFFFFB0  }
0xff: {  	[tilespmem:s0], [sflag:$0x5] =	stream.linear.gather [hbm4b:s9+s4], $0x50, $0x38;
	[tilespmem:$0x1E400] =	vst v63  }
0x100: {  	_ =	swait.ge [sflag:s23], $0x50  }
0x101: {  	[sflag:s23] =	ssyncset.done $0x0  }
0x102: {  	[sflag:s23] =	ssyncadd.s32 $0xFFFFFFB0  }
0x103: {  	[tilespmem:s2], [sflag:$0x3] =	stream.indirect.gather [hbm4b:s1+s25], $0x80, s31, s25, $0xb8;
	[tilespmem:$0x1E400] =	vst v63  }
0x104: {  	_ =	swait.ge [sflag:s14], $0x2800  }
0x105: {  	[sflag:s14] =	ssyncset.done $0x0  }
0x106: {  	[sflag:s14] =	ssyncadd.s32 $0xFFFFD800  }
0x107: {  	[spmem:s3] =	stream.indirect.scatter.add.f32 [tilespmem:s10], [sflag:$0x5], $0x80, s8, s25, $0xb8;
	[tilespmem:$0x1E400] =	vst v63  }
0x108: {  	_ =	swait.ge [sflag:s23], $0x2800  }
0x109: {  	[sflag:s23] =	ssyncset.done $0x0  }
0x10a: {  	s22 =	rddreg [dreg:$0x12];
	[sflag:s23] =	ssyncadd.s32 $0xFFFFD800  }
0x10b: {  	[tilespmem:s7], [sflag:$0x5] =	stream.linear.gather [hbm4b:s22+s4], $0x50, $0x38;
	[tilespmem:$0x1E400] =	vst v63  }
0x10c: {  	_ =	swait.ge [sflag:s23], $0x50  }
0x10d: {  	[sflag:s23] =	ssyncset.done $0x0  }
0x10e: {  	s17 =	rddreg [dreg:$0x13];
	[sflag:s23] =	ssyncadd.s32 $0xFFFFFFB0  }
0x10f: {  	[tilespmem:s8], [sflag:$0x5] =	stream.linear.gather [hbm4b:s17+s4], $0x50, $0x38;
	[tilespmem:$0x1E400] =	vst v63  }
0x110: {  	_ =	swait.ge [sflag:s23], $0x50  }
0x111: {  	[sflag:s23] =	ssyncset.done $0x0  }
0x112: {  	[sflag:s23] =	ssyncadd.s32 $0xFFFFFFB0  }
0x113: {  	[tilespmem:s10], [sflag:$0x4] =	stream.indirect.gather [hbm4b:s1+s25], $0x80, s7, s25, $0xb8;
	[tilespmem:$0x1E400] =	vst v63  }
0x114: {  	_ =	swait.ge [sflag:s11], $0x2800  }
0x115: {  	[sflag:s11] =	ssyncset.done $0x0  }
0x116: {  	[sflag:s11] =	ssyncadd.s32 $0xFFFFD800  }
0x117: {  	[spmem:s3] =	stream.indirect.scatter.add.f32 [tilespmem:s26], [sflag:$0x5], $0x80, s24, s25, $0xb8;
	[tilespmem:$0x1E400] =	vst v63  }
0x118: {  	_ =	swait.ge [sflag:s23], $0x2800  }
0x119: {  	[sflag:s23] =	ssyncset.done $0x0  }
0x11a: {  	s19 =	rddreg [dreg:$0x14];
	[sflag:s23] =	ssyncadd.s32 $0xFFFFD800  }
0x11b: {  	[tilespmem:s4], [sflag:$0x5] =	stream.linear.gather [hbm4b:s19+s4], $0x50, $0x38;
	[tilespmem:$0x1E400] =	vst v63  }
0x11c: {  	_ =	swait.ge [sflag:s23], $0x50  }
0x11d: {  	[sflag:s23] =	ssyncset.done $0x0  }
0x11e: {  	s20 =	rddreg [dreg:$0x15];
	[sflag:s23] =	ssyncadd.s32 $0xFFFFFFB0  }
0x11f: {  	[tilespmem:s24], [sflag:$0x5] =	stream.linear.gather [hbm4b:s20+s4], $0x50, $0x38;
	[tilespmem:$0x1E400] =	vst v63  }
0x120: {  	_ =	swait.ge [sflag:s23], $0x50  }
0x121: {  	[sflag:s23] =	ssyncset.done $0x0  }
0x122: {  	[sflag:s23] =	ssyncadd.s32 $0xFFFFFFB0  }
0x123: {  	[tilespmem:s26], [sflag:$0x1] =	stream.indirect.gather [hbm4b:s1+s25], $0x80, s4, s25, $0xb8;
	[tilespmem:$0x1E400] =	vst v63  }
0x124: {  	_ =	swait.ge [sflag:s12], $0x2800  }
0x125: {  	[sflag:s12] =	ssyncset.done $0x0  }
0x126: {  	[sflag:s12] =	ssyncadd.s32 $0xFFFFD800  }
0x127: {  	[spmem:s3] =	stream.indirect.scatter.add.f32 [tilespmem:s30], [sflag:$0x5], $0x80, s29, s25, $0xb8;
	[tilespmem:$0x1E400] =	vst v63  }
0x128: {  	_ =	swait.ge [sflag:s23], $0x2800  }
0x129: {  	[sflag:s23] =	ssyncset.done $0x0  }
0x12a: {  	[sflag:s23] =	ssyncadd.s32 $0xFFFFD800  }
0x12b: {  	_ =	swait.ge [sflag:s13], $0x2800  }
0x12c: {  	[sflag:s13] =	ssyncset.done $0x0  }
0x12d: {  	[sflag:s13] =	ssyncadd.s32 $0xFFFFD800  }
0x12e: {  	[spmem:s3] =	stream.indirect.scatter.add.f32 [tilespmem:s2], [sflag:$0x5], $0x80, s0, s25, $0xb8;
	[tilespmem:$0x1E400] =	vst v63  }
0x12f: {  	_ =	swait.ge [sflag:s23], $0x2800  }
0x130: {  	[sflag:s23] =	ssyncset.done $0x0  }
0x131: {  	[sflag:s23] =	ssyncadd.s32 $0xFFFFD800  }
0x132: {  	_ =	swait.ge [sflag:s14], $0x2800  }
0x133: {  	[sflag:s14] =	ssyncset.done $0x0  }
0x134: {  	[sflag:s14] =	ssyncadd.s32 $0xFFFFD800  }
0x135: {  	[spmem:s3] =	stream.indirect.scatter.add.f32 [tilespmem:s10], [sflag:$0x5], $0x80, s8, s25, $0xb8;
	[tilespmem:$0x1E400] =	vst v63  }
0x136: {  	_ =	swait.ge [sflag:s23], $0x2800  }
0x137: {  	[sflag:s23] =	ssyncset.done $0x0  }
0x138: {  	[sflag:s23] =	ssyncadd.s32 $0xFFFFD800  }
0x139: {  	_ =	swait.ge [sflag:s11], $0x2800  }
0x13a: {  	[sflag:s11] =	ssyncset.done $0x0  }
0x13b: {  	[sflag:s11] =	ssyncadd.s32 $0xFFFFD800  }
0x13c: {  	[spmem:s3] =	stream.indirect.scatter.add.f32 [tilespmem:s26], [sflag:$0x5], $0x80, s24, s25, $0xb8;
	[tilespmem:$0x1E400] =	vst v63  }
0x13d: {  	_ =	swait.ge [sflag:s23], $0x2800  }
0x13e: {  	[sflag:s23] =	ssyncset.done $0x0  }
0x13f: {  	[sflag:s23] =	ssyncadd.s32 $0xFFFFD800  }
0x140: {  	[bflag:$0x0] =	sbarrier.arrive $0xFFFF  }
0x141: {  	s21 =	rddreg [dreg:$0x16]  }
0x142: {  	[hbm:s21], [sflag:s18] =	dma.local [spmem:s16], $0x2800  }
0x143: {  	_ =	swait.ge [sflag:s23], $0x2800  }
0x144: {  	s15 =	sadd.s32 $0x1, s15;
	s22 =	rddreg [dreg:$0x17]  }
0x145: {  	p0 =	sne.s32 s15, s22  }
.Ltmp1:
0x146: {  	_ = 	snop;
	(pc) =	sbr.rel @p0 .LBB2_1-.Ltmp1, $3  }
0x147: {  	_ =	sdelay $0x1  }
0x148: {  	[sflag:s23] =	ssyncset.done $0x0  }
0x149: {  	s17 =	smov.u32 s18;
	[sflag:s23] =	ssyncadd.s32 $0xFFFFD800  }
0x14a: {  	_ =	sfence.sel $0x180000  }
0x14b: {  	[bflag:$0x0] =	sbarrier.arrive $0xFFFF  }
0x14c: {  	_ =	strace $0x9000004A  }
0x14d: {  	s0 =	stileid.u32;
	[bflag:$0x2] =	sbarrier.arrive $0xFFFF  }
0x14e: {  	p0 =	sne.s32 s0, $0x0;
	s0 =	rddreg [dreg:$0x3]  }
0x14f: {  	s0 =	sadd.s32 @!p0 $0x100000, s0  }
0x150: {  	[sflag:s0] =	ssyncadd.tile.s32 @!p0 $0x1;
	_ =	shalt  }
.Lfunc_end2:
_tile_overlayer_lowered:
.L_overlay_start_2:
0x151: {  	(tag) =	ssettag $0x2  }
0x152: {  	s0 =	rddreg [dreg:$0x0];
	s2 =	stileid.u32  }
0x153: {  	s1 =	rddreg [dreg:$0x1];
	p0 =	sne.s32 s2, $0x0  }
0x154: {  	s3 =	rddreg [dreg:$0x2];
	[bflag:$0x3] =	sbarrier.arrive $0xFFFF;
	s2 =	simm.s32 @!p0 $0x1C05  }
0x155: {  	[timem:s3], [sflag:s2] =	dma.local @!p0 [hbm:s0], s1  }
0x156: {  	s0 =	simm.s32 @!p0 $0x5  }
0x157: {  	_ =	swait.ge @!p0 [sflag:s0], s1  }
0x158: {  	s1 =	ssub.s32 @!p0 $0x0, s1;
	[sflag:s0] =	ssyncset.done @!p0 $0x0  }
0x159: {  	[sflag:s0] =	ssyncadd.s32 @!p0 s1  }
0x15a: {  	[bflag:$0x3] =	sbarrier.arrive $0xFFFF  }
0x15b: {  	_ =	shalt  }

</sc_bundles>
